<compile_context>
chip_gen: v7x
topology: tpu7x:2x2x1
jax: 0.10.2.dev20260603
libtpu: 0.0.44.dev20260713+nightly
codegen_flags: <defaults>
</compile_context>

<pallas_src>
import jax
import jax.numpy as jnp
from jax.experimental import pallas as pl
from jax.experimental.pallas import tpu as pltpu

_NC = 21
_TH = 0.5
_V0, _V1 = 0.1, 0.2
_NPR = 3
_B, _P, _NO = 32, 16320, 12
_R, _C = 8, 2040


def _loss_kernel(t_ref, pri_ref, loc_ref, conf_ref, ll_ref, lc_ref, np_ref,
                 v_scr, p_scr):
    b = pl.program_id(0)

    pcx = pri_ref[0]
    pcy = pri_ref[1]
    pw = pri_ref[2]
    ph = pri_ref[3]
    px1 = pcx - pw * 0.5
    py1 = pcy - ph * 0.5
    px2 = pcx + pw * 0.5
    py2 = pcy + ph * 0.5
    area_p = (px2 - px1) * (py2 - py1)

    ridx = jax.lax.broadcasted_iota(jnp.int32, (_R, _C), 0)
    cidx = jax.lax.broadcasted_iota(jnp.int32, (_R, _C), 1)
    pidx = cidx * _R + ridx

    ovs = []
    bt_ov = jnp.full((_R, _C), -1.0, jnp.float32)
    bt_idx = jnp.zeros((_R, _C), jnp.int32)
    for j in range(_NO):
        tx1 = t_ref[0, j, 0]
        ty1 = t_ref[0, j, 1]
        tx2 = t_ref[0, j, 2]
        ty2 = t_ref[0, j, 3]
        iw = jnp.maximum(jnp.minimum(tx2, px2) - jnp.maximum(tx1, px1), 0.0)
        ih = jnp.maximum(jnp.minimum(ty2, py2) - jnp.maximum(ty1, py1), 0.0)
        inter = iw * ih
        at = (tx2 - tx1) * (ty2 - ty1)
        ov = inter / (at + area_p - inter)
        ovs.append(ov)
        upd = ov > bt_ov
        bt_ov = jnp.where(upd, ov, bt_ov)
        bt_idx = jnp.where(upd, j, bt_idx)

    ov_stk = jnp.stack(ovs)
    mj = jnp.max(jnp.max(ov_stk, axis=2, keepdims=True),
                 axis=1, keepdims=True)
    masked = jnp.where(ov_stk == mj, pidx[None], _P)
    bpi = jnp.min(jnp.min(masked, axis=2, keepdims=True),
                  axis=1, keepdims=True)
    hits = pidx[None] == bpi
    for j in range(_NO):
        bt_ov = jnp.where(hits[j], 2.0, bt_ov)
        bt_idx = jnp.where(hits[j], j, bt_idx)

    m0 = jnp.zeros((_R, _C), jnp.float32)
    m1 = jnp.zeros((_R, _C), jnp.float32)
    m2 = jnp.zeros((_R, _C), jnp.float32)
    m3 = jnp.zeros((_R, _C), jnp.float32)
    lab = jnp.zeros((_R, _C), jnp.float32)
    for j in range(_NO):
        hit = bt_idx == j
        m0 = jnp.where(hit, t_ref[0, j, 0], m0)
        m1 = jnp.where(hit, t_ref[0, j, 1], m1)
        m2 = jnp.where(hit, t_ref[0, j, 2], m2)
        m3 = jnp.where(hit, t_ref[0, j, 3], m3)
        lab = jnp.where(hit, t_ref[0, j, 4], lab)

    gcx = ((m0 + m2) * 0.5 - pcx) / (_V0 * pw)
    gcy = ((m1 + m3) * 0.5 - pcy) / (_V0 * ph)
    gw = jnp.log((m2 - m0) / pw + 1e-05) / _V1
    gh = jnp.log((m3 - m1) / ph + 1e-05) / _V1

    conf_t = jnp.where(bt_ov < _TH, 0, lab.astype(jnp.int32))
    pos = conf_t > 0
    posf = pos.astype(jnp.float32)

    ll = jnp.float32(0.0)
    for j, lt in enumerate((gcx, gcy, gw, gh)):
        d = loc_ref[0, j] - lt
        ad = jnp.abs(d)
        sl1 = jnp.where(ad < 1.0, 0.5 * d * d, ad - 0.5)
        ll += jnp.sum(sl1 * posf)

    mx = conf_ref[0, 0]
    for c in range(1, _NC):
        mx = jnp.maximum(mx, conf_ref[0, c])
    s = jnp.zeros((_R, _C), jnp.float32)
    for c in range(_NC):
        s += jnp.exp(conf_ref[0, c] - mx)
    lse = jnp.log(s) + mx
    gat = jnp.zeros((_R, _C), jnp.float32)
    for c in range(_NC):
        gat = jnp.where(conf_t == c, conf_ref[0, c], gat)
    ce = lse - gat

    v_scr[b] = ce
    p_scr[b] = posf

    @pl.when(b == 0)
    def _init():
        ll_ref[0, 0] = 0.0
        lc_ref[0, 0] = 0.0
        np_ref[0, 0] = 0

    ll_ref[0, 0] += ll

    @pl.when(b == _B - 1)
    def _final():
        def rsum(x):
            return jnp.sum(jnp.sum(x, axis=2, keepdims=True),
                           axis=1, keepdims=True)

        ce_all = v_scr[...]
        pall = p_scr[...]
        posm = pall > 0.0
        lc_pos = jnp.sum(jnp.where(posm, ce_all, 0.0))
        npos = rsum(pall).astype(jnp.int32)
        k = jnp.minimum(_NPR * npos, _P - 1)

        v = jnp.where(posm, 0.0, ce_all)
        vb = jax.lax.bitcast_convert_type(v, jnp.int32)

        def body(i, acc):
            cand = acc | (jnp.int32(1) << (30 - i))
            cnt = rsum((vb >= cand).astype(jnp.int32))
            return jnp.where(cnt >= k, cand, acc)

        tb = jax.lax.fori_loop(
            0, 23, body, jnp.zeros((_B, 1, 1), jnp.int32))
        gt = vb > tb
        cgt = rsum(gt.astype(jnp.int32))
        sgt = rsum(jnp.where(gt, v, 0.0))
        tf = jax.lax.bitcast_convert_type(tb, jnp.float32)
        lc_neg = jnp.where(k > 0, sgt + (k - cgt).astype(jnp.float32) * tf,
                           0.0)
        lc_ref[0, 0] += lc_pos + jnp.sum(lc_neg)
        np_ref[0, 0] = jnp.sum(npos)


def kernel(arm_loc, arm_conf, odm_loc, odm_conf, priors, targets):
    del odm_loc, odm_conf
    pri = (priors.reshape(_C, _R * 4).T
           .reshape(_R, 4, _C).transpose(1, 0, 2))
    loc = (arm_loc.reshape(_B, _C, _R * 4).transpose(0, 2, 1)
           .reshape(_B, _R, 4, _C).transpose(0, 2, 1, 3))
    conf = (arm_conf.reshape(_B, _C, _R * _NC).transpose(0, 2, 1)
            .reshape(_B, _R, _NC, _C).transpose(0, 2, 1, 3))
    ll, lc, npos = pl.pallas_call(
        _loss_kernel,
        grid=(_B,),
        in_specs=[
            pl.BlockSpec((1, _NO, 5), lambda b: (b, 0, 0),
                         memory_space=pltpu.SMEM),
            pl.BlockSpec((4, _R, _C), lambda b: (0, 0, 0)),
            pl.BlockSpec((1, 4, _R, _C), lambda b: (b, 0, 0, 0)),
            pl.BlockSpec((1, _NC, _R, _C), lambda b: (b, 0, 0, 0)),
        ],
        out_specs=[
            pl.BlockSpec((1, 1), lambda b: (0, 0), memory_space=pltpu.SMEM),
            pl.BlockSpec((1, 1), lambda b: (0, 0), memory_space=pltpu.SMEM),
            pl.BlockSpec((1, 1), lambda b: (0, 0), memory_space=pltpu.SMEM),
        ],
        out_shape=[
            jax.ShapeDtypeStruct((1, 1), jnp.float32),
            jax.ShapeDtypeStruct((1, 1), jnp.float32),
            jax.ShapeDtypeStruct((1, 1), jnp.int32),
        ],
        scratch_shapes=[
            pltpu.VMEM((_B, _R, _C), jnp.float32),
            pltpu.VMEM((_B, _R, _C), jnp.float32),
        ],
    )(targets, pri, loc, conf)
    n = npos[0, 0].astype(jnp.float32)
    return ll[0, 0] / n, lc[0, 0] / n

# --- scband reference (transcript-rebuilt; emitter-appended) ---
"""Pipeline reference for scband-refine-det-multi-box-loss-12713103197199 (READ-ONLY COPY).

The authoritative reference and input builder live on the scoring server;
editing this copy changes nothing except your own understanding.
"""

import jax, jax.numpy as jnp
import numpy as np

NUM_CLASSES = 21
THRESHOLD = 0.5
VARIANCE = (0.1, 0.2)
NEGPOS_RATIO = 3
B, P, NOBJ = 32, 16320, 12


def point_form(boxes):
    return jnp.concatenate([boxes[:, :2] - boxes[:, 2:] / 2,
                            boxes[:, :2] + boxes[:, 2:] / 2], axis=1)


def intersect(box_a, box_b):
    max_xy = jnp.minimum(box_a[:, None, 2:], box_b[None, :, 2:])
    min_xy = jnp.maximum(box_a[:, None, :2], box_b[None, :, :2])
    inter = jnp.maximum(max_xy - min_xy, 0.0)
    return inter[:, :, 0] * inter[:, :, 1]


def jaccard(box_a, box_b):
    inter = intersect(box_a, box_b)
    area_a = ((box_a[:, 2] - box_a[:, 0]) * (box_a[:, 3] - box_a[:, 1]))[:, None]
    area_b = ((box_b[:, 2] - box_b[:, 0]) * (box_b[:, 3] - box_b[:, 1]))[None, :]
    union = area_a + area_b - inter
    return inter / union


def encode(matched, priors):
    g_cxcy = (matched[:, :2] + matched[:, 2:]) / 2 - priors[:, :2]
    g_cxcy = g_cxcy / (VARIANCE[0] * priors[:, 2:])
    g_wh = (matched[:, 2:] - matched[:, :2]) / priors[:, 2:]
    g_wh = jnp.log(g_wh + 1e-05) / VARIANCE[1]
    return jnp.concatenate([g_cxcy, g_wh], axis=1)


def refine_match_one(truths, labels, priors):
    # truths: [NOBJ,4] point form, labels: [NOBJ], priors: [P,4] center-size
    overlaps = jaccard(truths, point_form(priors))  # [NOBJ, P]
    best_prior_idx = jnp.argmax(overlaps, axis=1)        # [NOBJ]
    best_truth_overlap = jnp.max(overlaps, axis=0)       # [P]
    best_truth_idx = jnp.argmax(overlaps, axis=0)        # [P]
    best_truth_overlap = best_truth_overlap.at[best_prior_idx].set(2.0)
    for j in range(truths.shape[0]):  # sequential, last write wins (matches torch loop)
        best_truth_idx = best_truth_idx.at[best_prior_idx[j]].set(j)
    matches = truths[best_truth_idx]                     # [P,4]
    conf = labels[best_truth_idx].astype(jnp.int32)      # [P]
    loc = encode(matches, priors)                        # [P,4]
    conf = jnp.where(best_truth_overlap < THRESHOLD, 0, conf)
    return loc, conf


def multibox_loss(arm_loc, arm_conf, odm_loc, odm_conf, priors, targets):
    # use_ARM=False -> ARM branch supplies loc/conf predictions
    loc_data, conf_data = arm_loc, arm_conf
    num = loc_data.shape[0]
    num_priors = priors.shape[0]
    truths = jax.lax.stop_gradient(targets[:, :, :-1])
    labels = jax.lax.stop_gradient(targets[:, :, -1])
    priors_sg = jax.lax.stop_gradient(priors)
    loc_t, conf_t = jax.vmap(lambda t, l: refine_match_one(t, l, priors_sg))(truths, labels)
    pos = conf_t > 0  # [B,P]
    # Localization loss: Smooth L1 over positive priors, sum reduction
    diff = loc_data - loc_t
    abs_diff = jnp.abs(diff)
    sl1 = jnp.where(abs_diff < 1.0, 0.5 * diff * diff, abs_diff - 0.5)
    loss_l = jnp.sum(sl1 * pos[:, :, None].astype(sl1.dtype))
    # Hard negative mining using log_sum_exp with global max (as in torch helper)
    batch_conf = conf_data.reshape(-1, NUM_CLASSES)
    x_max = jnp.max(jax.lax.stop_gradient(batch_conf))
    lse = jnp.log(jnp.sum(jnp.exp(batch_conf - x_max), axis=1)) + x_max
    gathered = jnp.take_along_axis(batch_conf, conf_t.reshape(-1, 1), axis=1)[:, 0]
    loss_rank = (lse - gathered).reshape(num, -1)
    loss_rank = jnp.where(pos, 0.0, loss_rank)
    loss_idx = jnp.argsort(-loss_rank, axis=1)
    idx_rank = jnp.argsort(loss_idx, axis=1)
    num_pos = jnp.sum(pos.astype(jnp.int32), axis=1, keepdims=True)
    num_neg = jnp.minimum(NEGPOS_RATIO * num_pos, num_priors - 1)
    neg = idx_rank < num_neg
    mask = jnp.logical_or(pos, neg)  # [B,P]
    # Cross entropy (sum) over selected pos+neg priors
    row_max = jnp.max(batch_conf, axis=1, keepdims=True)
    log_probs = batch_conf - row_max - jnp.log(jnp.sum(jnp.exp(batch_conf - row_max), axis=1, keepdims=True))
    ce = -jnp.take_along_axis(log_probs, conf_t.reshape(-1, 1), axis=1)[:, 0]
    loss_c = jnp.sum(ce.reshape(num, -1) * mask.astype(ce.dtype))
    N = jnp.sum(num_pos).astype(jnp.float32)
    return loss_l / N, loss_c / N


def setup_inputs(seed: int = 0) -> dict:
    key = jax.random.key(seed)
    ks = jax.random.split(key, 9)
    arm_loc = jax.random.normal(ks[0], (B, P, 4), dtype=jnp.float32) * 0.1
    arm_conf = jax.random.normal(ks[1], (B, P, NUM_CLASSES), dtype=jnp.float32)
    odm_loc = jax.random.normal(ks[2], (B, P, 4), dtype=jnp.float32) * 0.1
    odm_conf = jax.random.normal(ks[3], (B, P, NUM_CLASSES), dtype=jnp.float32)
    cxcy = jax.random.uniform(ks[4], (P, 2), minval=0.05, maxval=0.95)
    wh = jax.random.uniform(ks[5], (P, 2), minval=0.05, maxval=0.5)
    priors = jnp.concatenate([cxcy, wh], axis=1).astype(jnp.float32)
    gt_cxcy = jax.random.uniform(ks[6], (B, NOBJ, 2), minval=0.15, maxval=0.85)
    gt_wh = jax.random.uniform(ks[7], (B, NOBJ, 2), minval=0.05, maxval=0.3)
    gt_boxes = jnp.concatenate([gt_cxcy - gt_wh / 2, gt_cxcy + gt_wh / 2], axis=2)
    gt_labels = jax.random.randint(ks[8], (B, NOBJ, 1), 1, NUM_CLASSES).astype(jnp.float32)
    targets = jnp.concatenate([gt_boxes, gt_labels], axis=2).astype(jnp.float32)
    return {"arm_loc": arm_loc, "arm_conf": arm_conf, "odm_loc": odm_loc,
            "odm_conf": odm_conf, "priors": priors, "targets": targets}


def reference(arm_loc, arm_conf, odm_loc, odm_conf, priors, targets):
    return multibox_loss(arm_loc, arm_conf, odm_loc, odm_conf, priors, targets)

if __name__ == "__main__":
    import jax
    _d = setup_inputs()
    print(jax.jit(kernel)(*tuple(_d.values())))

</pallas_src>

<mosaic_0001>
module attributes {stable_mosaic.version = 14 : i64} {
  func.func @_loss_kernel(%arg0: i32, %arg1: memref<1x12x5xf32, #tpu.memory_space<smem>>, %arg2: memref<4x8x2040xf32, #tpu.memory_space<vmem>>, %arg3: memref<1x4x8x2040xf32, #tpu.memory_space<vmem>>, %arg4: memref<1x21x8x2040xf32, #tpu.memory_space<vmem>>, %arg5: memref<1x1xf32, #tpu.memory_space<smem>>, %arg6: memref<1x1xf32, #tpu.memory_space<smem>>, %arg7: memref<1x1xi32, #tpu.memory_space<smem>>, %arg8: memref<32x8x2040xf32, #tpu.memory_space<vmem>>, %arg9: memref<32x8x2040xf32, #tpu.memory_space<vmem>>) attributes {dimension_semantics = [#tpu.dimension_semantics<arbitrary>], iteration_bounds = array<i64: 32>, scalar_prefetch = 0 : i64, scratch_operands = 2 : i64, tpu.core_type = #tpu.core_type<tc>, window_params = [{transform_indices = @transform_0, window_bounds = array<i64: 1, 12, 5>}, {pipeline_mode = #tpu.pipeline_mode<synchronous>, transform_indices = @transform_1, window_bounds = array<i64: 4, 8, 2040>}, {transform_indices = @transform_2, window_bounds = array<i64: 1, 4, 8, 2040>}, {transform_indices = @transform_3, window_bounds = array<i64: 1, 21, 8, 2040>}, {transform_indices = @transform_4, window_bounds = array<i64: 1, 1>}, {transform_indices = @transform_5, window_bounds = array<i64: 1, 1>}, {transform_indices = @transform_6, window_bounds = array<i64: 1, 1>}]} {
    %get3A = arith.constant 0 : index
    %get3A_0 = arith.constant 0 : index
    %get3A_1 = arith.constant 0 : index
    %get3A_2 = vector.load %arg2[%get3A, %get3A_0, %get3A_1] : memref<4x8x2040xf32, #tpu.memory_space<vmem>>, vector<1x8x2040xf32>
    %get3A_3 = vector.shape_cast %get3A_2 : vector<1x8x2040xf32> to vector<8x2040xf32>
    %get3A_4 = arith.constant 1 : index
    %get3A_5 = arith.constant 0 : index
    %get3A_6 = arith.constant 0 : index
    %get3A_7 = vector.load %arg2[%get3A_4, %get3A_5, %get3A_6] : memref<4x8x2040xf32, #tpu.memory_space<vmem>>, vector<1x8x2040xf32>
    %get3A_8 = vector.shape_cast %get3A_7 : vector<1x8x2040xf32> to vector<8x2040xf32>
    %get3A_9 = arith.constant 2 : index
    %get3A_10 = arith.constant 0 : index
    %get3A_11 = arith.constant 0 : index
    %get3A_12 = vector.load %arg2[%get3A_9, %get3A_10, %get3A_11] : memref<4x8x2040xf32, #tpu.memory_space<vmem>>, vector<1x8x2040xf32>
    %get3A_13 = vector.shape_cast %get3A_12 : vector<1x8x2040xf32> to vector<8x2040xf32>
    %get3A_14 = arith.constant 3 : index
    %get3A_15 = arith.constant 0 : index
    %get3A_16 = arith.constant 0 : index
    %get3A_17 = vector.load %arg2[%get3A_14, %get3A_15, %get3A_16] : memref<4x8x2040xf32, #tpu.memory_space<vmem>>, vector<1x8x2040xf32>
    %get3A_18 = vector.shape_cast %get3A_17 : vector<1x8x2040xf32> to vector<8x2040xf32>
    %mul3A = arith.constant 5.000000e-01 : f32
    %mul3A_19 = vector.broadcast %mul3A : f32 to vector<8x2040xf32>
    %mul3A_20 = arith.mulf %get3A_13, %mul3A_19 : vector<8x2040xf32>
    %sub3A = arith.subf %get3A_3, %mul3A_20 : vector<8x2040xf32>
    %mul3A_21 = arith.constant 5.000000e-01 : f32
    %mul3A_22 = vector.broadcast %mul3A_21 : f32 to vector<8x2040xf32>
    %mul3A_23 = arith.mulf %get3A_18, %mul3A_22 : vector<8x2040xf32>
    %sub3A_24 = arith.subf %get3A_8, %mul3A_23 : vector<8x2040xf32>
    %mul3A_25 = arith.constant 5.000000e-01 : f32
    %mul3A_26 = vector.broadcast %mul3A_25 : f32 to vector<8x2040xf32>
    %mul3A_27 = arith.mulf %get3A_13, %mul3A_26 : vector<8x2040xf32>
    %add3A = arith.addf %get3A_3, %mul3A_27 : vector<8x2040xf32>
    %mul3A_28 = arith.constant 5.000000e-01 : f32
    %mul3A_29 = vector.broadcast %mul3A_28 : f32 to vector<8x2040xf32>
    %mul3A_30 = arith.mulf %get3A_18, %mul3A_29 : vector<8x2040xf32>
    %add3A_31 = arith.addf %get3A_8, %mul3A_30 : vector<8x2040xf32>
    %sub3A_32 = arith.subf %add3A, %sub3A : vector<8x2040xf32>
    %sub3A_33 = arith.subf %add3A_31, %sub3A_24 : vector<8x2040xf32>
    %mul3A_34 = arith.mulf %sub3A_32, %sub3A_33 : vector<8x2040xf32>
    %iota3A = tpu.iota {dimensions = array<i32: 0>} : vector<8x2040xi32>
    %iota3A_35 = tpu.iota {dimensions = array<i32: 1>} : vector<8x2040xi32>
    %mul3A_36 = arith.constant 8 : i32
    %mul3A_37 = vector.broadcast %mul3A_36 : i32 to vector<8x2040xi32>
    %mul3A_38 = arith.muli %iota3A_35, %mul3A_37 : vector<8x2040xi32>
    %add3A_39 = arith.addi %mul3A_38, %iota3A : vector<8x2040xi32>
    %broadcast_in_dim3A = arith.constant -1.000000e+00 : f32
    %broadcast_in_dim3A_40 = vector.broadcast %broadcast_in_dim3A : f32 to vector<8x2040xf32>
    %broadcast_in_dim3A_41 = arith.constant 0 : i32
    %broadcast_in_dim3A_42 = vector.broadcast %broadcast_in_dim3A_41 : i32 to vector<8x2040xi32>
    %get3A_43 = arith.constant 0 : index
    %get3A_44 = arith.constant 0 : index
    %get3A_45 = arith.constant 0 : index
    %get3A_46 = memref.load %arg1[%get3A_43, %get3A_44, %get3A_45] : memref<1x12x5xf32, #tpu.memory_space<smem>>
    %get3A_47 = arith.constant 0 : index
    %get3A_48 = arith.constant 0 : index
    %get3A_49 = arith.constant 1 : index
    %get3A_50 = memref.load %arg1[%get3A_47, %get3A_48, %get3A_49] : memref<1x12x5xf32, #tpu.memory_space<smem>>
    %get3A_51 = arith.constant 0 : index
    %get3A_52 = arith.constant 0 : index
    %get3A_53 = arith.constant 2 : index
    %get3A_54 = memref.load %arg1[%get3A_51, %get3A_52, %get3A_53] : memref<1x12x5xf32, #tpu.memory_space<smem>>
    %get3A_55 = arith.constant 0 : index
    %get3A_56 = arith.constant 0 : index
    %get3A_57 = arith.constant 3 : index
    %get3A_58 = memref.load %arg1[%get3A_55, %get3A_56, %get3A_57] : memref<1x12x5xf32, #tpu.memory_space<smem>>
    %min3A = vector.broadcast %get3A_54 : f32 to vector<8x2040xf32>
    %min3A_59 = arith.minimumf %min3A, %add3A : vector<8x2040xf32>
    %max3A = vector.broadcast %get3A_46 : f32 to vector<8x2040xf32>
    %max3A_60 = arith.maximumf %max3A, %sub3A : vector<8x2040xf32>
    %sub3A_61 = arith.subf %min3A_59, %max3A_60 : vector<8x2040xf32>
    %max3A_62 = arith.constant 0.000000e+00 : f32
    %max3A_63 = vector.broadcast %max3A_62 : f32 to vector<8x2040xf32>
    %max3A_64 = arith.maximumf %sub3A_61, %max3A_63 : vector<8x2040xf32>
    %min3A_65 = vector.broadcast %get3A_58 : f32 to vector<8x2040xf32>
    %min3A_66 = arith.minimumf %min3A_65, %add3A_31 : vector<8x2040xf32>
    %max3A_67 = vector.broadcast %get3A_50 : f32 to vector<8x2040xf32>
    %max3A_68 = arith.maximumf %max3A_67, %sub3A_24 : vector<8x2040xf32>
    %sub3A_69 = arith.subf %min3A_66, %max3A_68 : vector<8x2040xf32>
    %max3A_70 = arith.constant 0.000000e+00 : f32
    %max3A_71 = vector.broadcast %max3A_70 : f32 to vector<8x2040xf32>
    %max3A_72 = arith.maximumf %sub3A_69, %max3A_71 : vector<8x2040xf32>
    %mul3A_73 = arith.mulf %max3A_64, %max3A_72 : vector<8x2040xf32>
    %sub3A_74 = arith.subf %get3A_54, %get3A_46 : f32
    %sub3A_75 = arith.subf %get3A_58, %get3A_50 : f32
    %mul3A_76 = arith.mulf %sub3A_74, %sub3A_75 : f32
    %add3A_77 = vector.broadcast %mul3A_76 : f32 to vector<8x2040xf32>
    %add3A_78 = arith.addf %add3A_77, %mul3A_34 : vector<8x2040xf32>
    %sub3A_79 = arith.subf %add3A_78, %mul3A_73 : vector<8x2040xf32>
    %div3A = arith.divf %mul3A_73, %sub3A_79 : vector<8x2040xf32>
    %gt3A = arith.cmpf ogt, %div3A, %broadcast_in_dim3A_40 : vector<8x2040xf32>
    %select_n3A = arith.select %gt3A, %div3A, %broadcast_in_dim3A_40 : vector<8x2040xi1>, vector<8x2040xf32>
    %jit3A = arith.constant 0 : i32
    %broadcast_in_dim3A_80 = vector.broadcast %jit3A : i32 to vector<8x2040xi32>
    %select_n3A_81 = arith.select %gt3A, %broadcast_in_dim3A_80, %broadcast_in_dim3A_42 : vector<8x2040xi1>, vector<8x2040xi32>
    %get3A_82 = arith.constant 0 : index
    %get3A_83 = arith.constant 1 : index
    %get3A_84 = arith.constant 0 : index
    %get3A_85 = memref.load %arg1[%get3A_82, %get3A_83, %get3A_84] : memref<1x12x5xf32, #tpu.memory_space<smem>>
    %get3A_86 = arith.constant 0 : index
    %get3A_87 = arith.constant 1 : index
    %get3A_88 = arith.constant 1 : index
    %get3A_89 = memref.load %arg1[%get3A_86, %get3A_87, %get3A_88] : memref<1x12x5xf32, #tpu.memory_space<smem>>
    %get3A_90 = arith.constant 0 : index
    %get3A_91 = arith.constant 1 : index
    %get3A_92 = arith.constant 2 : index
    %get3A_93 = memref.load %arg1[%get3A_90, %get3A_91, %get3A_92] : memref<1x12x5xf32, #tpu.memory_space<smem>>
    %get3A_94 = arith.constant 0 : index
    %get3A_95 = arith.constant 1 : index
    %get3A_96 = arith.constant 3 : index
    %get3A_97 = memref.load %arg1[%get3A_94, %get3A_95, %get3A_96] : memref<1x12x5xf32, #tpu.memory_space<smem>>
    %min3A_98 = vector.broadcast %get3A_93 : f32 to vector<8x2040xf32>
    %min3A_99 = arith.minimumf %min3A_98, %add3A : vector<8x2040xf32>
    %max3A_100 = vector.broadcast %get3A_85 : f32 to vector<8x2040xf32>
    %max3A_101 = arith.maximumf %max3A_100, %sub3A : vector<8x2040xf32>
    %sub3A_102 = arith.subf %min3A_99, %max3A_101 : vector<8x2040xf32>
    %max3A_103 = arith.constant 0.000000e+00 : f32
    %max3A_104 = vector.broadcast %max3A_103 : f32 to vector<8x2040xf32>
    %max3A_105 = arith.maximumf %sub3A_102, %max3A_104 : vector<8x2040xf32>
    %min3A_106 = vector.broadcast %get3A_97 : f32 to vector<8x2040xf32>
    %min3A_107 = arith.minimumf %min3A_106, %add3A_31 : vector<8x2040xf32>
    %max3A_108 = vector.broadcast %get3A_89 : f32 to vector<8x2040xf32>
    %max3A_109 = arith.maximumf %max3A_108, %sub3A_24 : vector<8x2040xf32>
    %sub3A_110 = arith.subf %min3A_107, %max3A_109 : vector<8x2040xf32>
    %max3A_111 = arith.constant 0.000000e+00 : f32
    %max3A_112 = vector.broadcast %max3A_111 : f32 to vector<8x2040xf32>
    %max3A_113 = arith.maximumf %sub3A_110, %max3A_112 : vector<8x2040xf32>
    %mul3A_114 = arith.mulf %max3A_105, %max3A_113 : vector<8x2040xf32>
    %sub3A_115 = arith.subf %get3A_93, %get3A_85 : f32
    %sub3A_116 = arith.subf %get3A_97, %get3A_89 : f32
    %mul3A_117 = arith.mulf %sub3A_115, %sub3A_116 : f32
    %add3A_118 = vector.broadcast %mul3A_117 : f32 to vector<8x2040xf32>
    %add3A_119 = arith.addf %add3A_118, %mul3A_34 : vector<8x2040xf32>
    %sub3A_120 = arith.subf %add3A_119, %mul3A_114 : vector<8x2040xf32>
    %div3A_121 = arith.divf %mul3A_114, %sub3A_120 : vector<8x2040xf32>
    %gt3A_122 = arith.cmpf ogt, %div3A_121, %select_n3A : vector<8x2040xf32>
    %select_n3A_123 = arith.select %gt3A_122, %div3A_121, %select_n3A : vector<8x2040xi1>, vector<8x2040xf32>
    %jit3A_124 = arith.constant 1 : i32
    %broadcast_in_dim3A_125 = vector.broadcast %jit3A_124 : i32 to vector<8x2040xi32>
    %select_n3A_126 = arith.select %gt3A_122, %broadcast_in_dim3A_125, %select_n3A_81 : vector<8x2040xi1>, vector<8x2040xi32>
    %get3A_127 = arith.constant 0 : index
    %get3A_128 = arith.constant 2 : index
    %get3A_129 = arith.constant 0 : index
    %get3A_130 = memref.load %arg1[%get3A_127, %get3A_128, %get3A_129] : memref<1x12x5xf32, #tpu.memory_space<smem>>
    %get3A_131 = arith.constant 0 : index
    %get3A_132 = arith.constant 2 : index
    %get3A_133 = arith.constant 1 : index
    %get3A_134 = memref.load %arg1[%get3A_131, %get3A_132, %get3A_133] : memref<1x12x5xf32, #tpu.memory_space<smem>>
    %get3A_135 = arith.constant 0 : index
    %get3A_136 = arith.constant 2 : index
    %get3A_137 = arith.constant 2 : index
    %get3A_138 = memref.load %arg1[%get3A_135, %get3A_136, %get3A_137] : memref<1x12x5xf32, #tpu.memory_space<smem>>
    %get3A_139 = arith.constant 0 : index
    %get3A_140 = arith.constant 2 : index
    %get3A_141 = arith.constant 3 : index
    %get3A_142 = memref.load %arg1[%get3A_139, %get3A_140, %get3A_141] : memref<1x12x5xf32, #tpu.memory_space<smem>>
    %min3A_143 = vector.broadcast %get3A_138 : f32 to vector<8x2040xf32>
    %min3A_144 = arith.minimumf %min3A_143, %add3A : vector<8x2040xf32>
    %max3A_145 = vector.broadcast %get3A_130 : f32 to vector<8x2040xf32>
    %max3A_146 = arith.maximumf %max3A_145, %sub3A : vector<8x2040xf32>
    %sub3A_147 = arith.subf %min3A_144, %max3A_146 : vector<8x2040xf32>
    %max3A_148 = arith.constant 0.000000e+00 : f32
    %max3A_149 = vector.broadcast %max3A_148 : f32 to vector<8x2040xf32>
    %max3A_150 = arith.maximumf %sub3A_147, %max3A_149 : vector<8x2040xf32>
    %min3A_151 = vector.broadcast %get3A_142 : f32 to vector<8x2040xf32>
    %min3A_152 = arith.minimumf %min3A_151, %add3A_31 : vector<8x2040xf32>
    %max3A_153 = vector.broadcast %get3A_134 : f32 to vector<8x2040xf32>
    %max3A_154 = arith.maximumf %max3A_153, %sub3A_24 : vector<8x2040xf32>
    %sub3A_155 = arith.subf %min3A_152, %max3A_154 : vector<8x2040xf32>
    %max3A_156 = arith.constant 0.000000e+00 : f32
    %max3A_157 = vector.broadcast %max3A_156 : f32 to vector<8x2040xf32>
    %max3A_158 = arith.maximumf %sub3A_155, %max3A_157 : vector<8x2040xf32>
    %mul3A_159 = arith.mulf %max3A_150, %max3A_158 : vector<8x2040xf32>
    %sub3A_160 = arith.subf %get3A_138, %get3A_130 : f32
    %sub3A_161 = arith.subf %get3A_142, %get3A_134 : f32
    %mul3A_162 = arith.mulf %sub3A_160, %sub3A_161 : f32
    %add3A_163 = vector.broadcast %mul3A_162 : f32 to vector<8x2040xf32>
    %add3A_164 = arith.addf %add3A_163, %mul3A_34 : vector<8x2040xf32>
    %sub3A_165 = arith.subf %add3A_164, %mul3A_159 : vector<8x2040xf32>
    %div3A_166 = arith.divf %mul3A_159, %sub3A_165 : vector<8x2040xf32>
    %gt3A_167 = arith.cmpf ogt, %div3A_166, %select_n3A_123 : vector<8x2040xf32>
    %select_n3A_168 = arith.select %gt3A_167, %div3A_166, %select_n3A_123 : vector<8x2040xi1>, vector<8x2040xf32>
    %jit3A_169 = arith.constant 2 : i32
    %broadcast_in_dim3A_170 = vector.broadcast %jit3A_169 : i32 to vector<8x2040xi32>
    %select_n3A_171 = arith.select %gt3A_167, %broadcast_in_dim3A_170, %select_n3A_126 : vector<8x2040xi1>, vector<8x2040xi32>
    %get3A_172 = arith.constant 0 : index
    %get3A_173 = arith.constant 3 : index
    %get3A_174 = arith.constant 0 : index
    %get3A_175 = memref.load %arg1[%get3A_172, %get3A_173, %get3A_174] : memref<1x12x5xf32, #tpu.memory_space<smem>>
    %get3A_176 = arith.constant 0 : index
    %get3A_177 = arith.constant 3 : index
    %get3A_178 = arith.constant 1 : index
    %get3A_179 = memref.load %arg1[%get3A_176, %get3A_177, %get3A_178] : memref<1x12x5xf32, #tpu.memory_space<smem>>
    %get3A_180 = arith.constant 0 : index
    %get3A_181 = arith.constant 3 : index
    %get3A_182 = arith.constant 2 : index
    %get3A_183 = memref.load %arg1[%get3A_180, %get3A_181, %get3A_182] : memref<1x12x5xf32, #tpu.memory_space<smem>>
    %get3A_184 = arith.constant 0 : index
    %get3A_185 = arith.constant 3 : index
    %get3A_186 = arith.constant 3 : index
    %get3A_187 = memref.load %arg1[%get3A_184, %get3A_185, %get3A_186] : memref<1x12x5xf32, #tpu.memory_space<smem>>
    %min3A_188 = vector.broadcast %get3A_183 : f32 to vector<8x2040xf32>
    %min3A_189 = arith.minimumf %min3A_188, %add3A : vector<8x2040xf32>
    %max3A_190 = vector.broadcast %get3A_175 : f32 to vector<8x2040xf32>
    %max3A_191 = arith.maximumf %max3A_190, %sub3A : vector<8x2040xf32>
    %sub3A_192 = arith.subf %min3A_189, %max3A_191 : vector<8x2040xf32>
    %max3A_193 = arith.constant 0.000000e+00 : f32
    %max3A_194 = vector.broadcast %max3A_193 : f32 to vector<8x2040xf32>
    %max3A_195 = arith.maximumf %sub3A_192, %max3A_194 : vector<8x2040xf32>
    %min3A_196 = vector.broadcast %get3A_187 : f32 to vector<8x2040xf32>
    %min3A_197 = arith.minimumf %min3A_196, %add3A_31 : vector<8x2040xf32>
    %max3A_198 = vector.broadcast %get3A_179 : f32 to vector<8x2040xf32>
    %max3A_199 = arith.maximumf %max3A_198, %sub3A_24 : vector<8x2040xf32>
    %sub3A_200 = arith.subf %min3A_197, %max3A_199 : vector<8x2040xf32>
    %max3A_201 = arith.constant 0.000000e+00 : f32
    %max3A_202 = vector.broadcast %max3A_201 : f32 to vector<8x2040xf32>
    %max3A_203 = arith.maximumf %sub3A_200, %max3A_202 : vector<8x2040xf32>
    %mul3A_204 = arith.mulf %max3A_195, %max3A_203 : vector<8x2040xf32>
    %sub3A_205 = arith.subf %get3A_183, %get3A_175 : f32
    %sub3A_206 = arith.subf %get3A_187, %get3A_179 : f32
    %mul3A_207 = arith.mulf %sub3A_205, %sub3A_206 : f32
    %add3A_208 = vector.broadcast %mul3A_207 : f32 to vector<8x2040xf32>
    %add3A_209 = arith.addf %add3A_208, %mul3A_34 : vector<8x2040xf32>
    %sub3A_210 = arith.subf %add3A_209, %mul3A_204 : vector<8x2040xf32>
    %div3A_211 = arith.divf %mul3A_204, %sub3A_210 : vector<8x2040xf32>
    %gt3A_212 = arith.cmpf ogt, %div3A_211, %select_n3A_168 : vector<8x2040xf32>
    %select_n3A_213 = arith.select %gt3A_212, %div3A_211, %select_n3A_168 : vector<8x2040xi1>, vector<8x2040xf32>
    %jit3A_214 = arith.constant 3 : i32
    %broadcast_in_dim3A_215 = vector.broadcast %jit3A_214 : i32 to vector<8x2040xi32>
    %select_n3A_216 = arith.select %gt3A_212, %broadcast_in_dim3A_215, %select_n3A_171 : vector<8x2040xi1>, vector<8x2040xi32>
    %get3A_217 = arith.constant 0 : index
    %get3A_218 = arith.constant 4 : index
    %get3A_219 = arith.constant 0 : index
    %get3A_220 = memref.load %arg1[%get3A_217, %get3A_218, %get3A_219] : memref<1x12x5xf32, #tpu.memory_space<smem>>
    %get3A_221 = arith.constant 0 : index
    %get3A_222 = arith.constant 4 : index
    %get3A_223 = arith.constant 1 : index
    %get3A_224 = memref.load %arg1[%get3A_221, %get3A_222, %get3A_223] : memref<1x12x5xf32, #tpu.memory_space<smem>>
    %get3A_225 = arith.constant 0 : index
    %get3A_226 = arith.constant 4 : index
    %get3A_227 = arith.constant 2 : index
    %get3A_228 = memref.load %arg1[%get3A_225, %get3A_226, %get3A_227] : memref<1x12x5xf32, #tpu.memory_space<smem>>
    %get3A_229 = arith.constant 0 : index
    %get3A_230 = arith.constant 4 : index
    %get3A_231 = arith.constant 3 : index
    %get3A_232 = memref.load %arg1[%get3A_229, %get3A_230, %get3A_231] : memref<1x12x5xf32, #tpu.memory_space<smem>>
    %min3A_233 = vector.broadcast %get3A_228 : f32 to vector<8x2040xf32>
    %min3A_234 = arith.minimumf %min3A_233, %add3A : vector<8x2040xf32>
    %max3A_235 = vector.broadcast %get3A_220 : f32 to vector<8x2040xf32>
    %max3A_236 = arith.maximumf %max3A_235, %sub3A : vector<8x2040xf32>
    %sub3A_237 = arith.subf %min3A_234, %max3A_236 : vector<8x2040xf32>
    %max3A_238 = arith.constant 0.000000e+00 : f32
    %max3A_239 = vector.broadcast %max3A_238 : f32 to vector<8x2040xf32>
    %max3A_240 = arith.maximumf %sub3A_237, %max3A_239 : vector<8x2040xf32>
    %min3A_241 = vector.broadcast %get3A_232 : f32 to vector<8x2040xf32>
    %min3A_242 = arith.minimumf %min3A_241, %add3A_31 : vector<8x2040xf32>
    %max3A_243 = vector.broadcast %get3A_224 : f32 to vector<8x2040xf32>
    %max3A_244 = arith.maximumf %max3A_243, %sub3A_24 : vector<8x2040xf32>
    %sub3A_245 = arith.subf %min3A_242, %max3A_244 : vector<8x2040xf32>
    %max3A_246 = arith.constant 0.000000e+00 : f32
    %max3A_247 = vector.broadcast %max3A_246 : f32 to vector<8x2040xf32>
    %max3A_248 = arith.maximumf %sub3A_245, %max3A_247 : vector<8x2040xf32>
    %mul3A_249 = arith.mulf %max3A_240, %max3A_248 : vector<8x2040xf32>
    %sub3A_250 = arith.subf %get3A_228, %get3A_220 : f32
    %sub3A_251 = arith.subf %get3A_232, %get3A_224 : f32
    %mul3A_252 = arith.mulf %sub3A_250, %sub3A_251 : f32
    %add3A_253 = vector.broadcast %mul3A_252 : f32 to vector<8x2040xf32>
    %add3A_254 = arith.addf %add3A_253, %mul3A_34 : vector<8x2040xf32>
    %sub3A_255 = arith.subf %add3A_254, %mul3A_249 : vector<8x2040xf32>
    %div3A_256 = arith.divf %mul3A_249, %sub3A_255 : vector<8x2040xf32>
    %gt3A_257 = arith.cmpf ogt, %div3A_256, %select_n3A_213 : vector<8x2040xf32>
    %select_n3A_258 = arith.select %gt3A_257, %div3A_256, %select_n3A_213 : vector<8x2040xi1>, vector<8x2040xf32>
    %jit3A_259 = arith.constant 4 : i32
    %broadcast_in_dim3A_260 = vector.broadcast %jit3A_259 : i32 to vector<8x2040xi32>
    %select_n3A_261 = arith.select %gt3A_257, %broadcast_in_dim3A_260, %select_n3A_216 : vector<8x2040xi1>, vector<8x2040xi32>
    %get3A_262 = arith.constant 0 : index
    %get3A_263 = arith.constant 5 : index
    %get3A_264 = arith.constant 0 : index
    %get3A_265 = memref.load %arg1[%get3A_262, %get3A_263, %get3A_264] : memref<1x12x5xf32, #tpu.memory_space<smem>>
    %get3A_266 = arith.constant 0 : index
    %get3A_267 = arith.constant 5 : index
    %get3A_268 = arith.constant 1 : index
    %get3A_269 = memref.load %arg1[%get3A_266, %get3A_267, %get3A_268] : memref<1x12x5xf32, #tpu.memory_space<smem>>
    %get3A_270 = arith.constant 0 : index
    %get3A_271 = arith.constant 5 : index
    %get3A_272 = arith.constant 2 : index
    %get3A_273 = memref.load %arg1[%get3A_270, %get3A_271, %get3A_272] : memref<1x12x5xf32, #tpu.memory_space<smem>>
    %get3A_274 = arith.constant 0 : index
    %get3A_275 = arith.constant 5 : index
    %get3A_276 = arith.constant 3 : index
    %get3A_277 = memref.load %arg1[%get3A_274, %get3A_275, %get3A_276] : memref<1x12x5xf32, #tpu.memory_space<smem>>
    %min3A_278 = vector.broadcast %get3A_273 : f32 to vector<8x2040xf32>
    %min3A_279 = arith.minimumf %min3A_278, %add3A : vector<8x2040xf32>
    %max3A_280 = vector.broadcast %get3A_265 : f32 to vector<8x2040xf32>
    %max3A_281 = arith.maximumf %max3A_280, %sub3A : vector<8x2040xf32>
    %sub3A_282 = arith.subf %min3A_279, %max3A_281 : vector<8x2040xf32>
    %max3A_283 = arith.constant 0.000000e+00 : f32
    %max3A_284 = vector.broadcast %max3A_283 : f32 to vector<8x2040xf32>
    %max3A_285 = arith.maximumf %sub3A_282, %max3A_284 : vector<8x2040xf32>
    %min3A_286 = vector.broadcast %get3A_277 : f32 to vector<8x2040xf32>
    %min3A_287 = arith.minimumf %min3A_286, %add3A_31 : vector<8x2040xf32>
    %max3A_288 = vector.broadcast %get3A_269 : f32 to vector<8x2040xf32>
    %max3A_289 = arith.maximumf %max3A_288, %sub3A_24 : vector<8x2040xf32>
    %sub3A_290 = arith.subf %min3A_287, %max3A_289 : vector<8x2040xf32>
    %max3A_291 = arith.constant 0.000000e+00 : f32
    %max3A_292 = vector.broadcast %max3A_291 : f32 to vector<8x2040xf32>
    %max3A_293 = arith.maximumf %sub3A_290, %max3A_292 : vector<8x2040xf32>
    %mul3A_294 = arith.mulf %max3A_285, %max3A_293 : vector<8x2040xf32>
    %sub3A_295 = arith.subf %get3A_273, %get3A_265 : f32
    %sub3A_296 = arith.subf %get3A_277, %get3A_269 : f32
    %mul3A_297 = arith.mulf %sub3A_295, %sub3A_296 : f32
    %add3A_298 = vector.broadcast %mul3A_297 : f32 to vector<8x2040xf32>
    %add3A_299 = arith.addf %add3A_298, %mul3A_34 : vector<8x2040xf32>
    %sub3A_300 = arith.subf %add3A_299, %mul3A_294 : vector<8x2040xf32>
    %div3A_301 = arith.divf %mul3A_294, %sub3A_300 : vector<8x2040xf32>
    %gt3A_302 = arith.cmpf ogt, %div3A_301, %select_n3A_258 : vector<8x2040xf32>
    %select_n3A_303 = arith.select %gt3A_302, %div3A_301, %select_n3A_258 : vector<8x2040xi1>, vector<8x2040xf32>
    %jit3A_304 = arith.constant 5 : i32
    %broadcast_in_dim3A_305 = vector.broadcast %jit3A_304 : i32 to vector<8x2040xi32>
    %select_n3A_306 = arith.select %gt3A_302, %broadcast_in_dim3A_305, %select_n3A_261 : vector<8x2040xi1>, vector<8x2040xi32>
    %get3A_307 = arith.constant 0 : index
    %get3A_308 = arith.constant 6 : index
    %get3A_309 = arith.constant 0 : index
    %get3A_310 = memref.load %arg1[%get3A_307, %get3A_308, %get3A_309] : memref<1x12x5xf32, #tpu.memory_space<smem>>
    %get3A_311 = arith.constant 0 : index
    %get3A_312 = arith.constant 6 : index
    %get3A_313 = arith.constant 1 : index
    %get3A_314 = memref.load %arg1[%get3A_311, %get3A_312, %get3A_313] : memref<1x12x5xf32, #tpu.memory_space<smem>>
    %get3A_315 = arith.constant 0 : index
    %get3A_316 = arith.constant 6 : index
    %get3A_317 = arith.constant 2 : index
    %get3A_318 = memref.load %arg1[%get3A_315, %get3A_316, %get3A_317] : memref<1x12x5xf32, #tpu.memory_space<smem>>
    %get3A_319 = arith.constant 0 : index
    %get3A_320 = arith.constant 6 : index
    %get3A_321 = arith.constant 3 : index
    %get3A_322 = memref.load %arg1[%get3A_319, %get3A_320, %get3A_321] : memref<1x12x5xf32, #tpu.memory_space<smem>>
    %min3A_323 = vector.broadcast %get3A_318 : f32 to vector<8x2040xf32>
    %min3A_324 = arith.minimumf %min3A_323, %add3A : vector<8x2040xf32>
    %max3A_325 = vector.broadcast %get3A_310 : f32 to vector<8x2040xf32>
    %max3A_326 = arith.maximumf %max3A_325, %sub3A : vector<8x2040xf32>
    %sub3A_327 = arith.subf %min3A_324, %max3A_326 : vector<8x2040xf32>
    %max3A_328 = arith.constant 0.000000e+00 : f32
    %max3A_329 = vector.broadcast %max3A_328 : f32 to vector<8x2040xf32>
    %max3A_330 = arith.maximumf %sub3A_327, %max3A_329 : vector<8x2040xf32>
    %min3A_331 = vector.broadcast %get3A_322 : f32 to vector<8x2040xf32>
    %min3A_332 = arith.minimumf %min3A_331, %add3A_31 : vector<8x2040xf32>
    %max3A_333 = vector.broadcast %get3A_314 : f32 to vector<8x2040xf32>
    %max3A_334 = arith.maximumf %max3A_333, %sub3A_24 : vector<8x2040xf32>
    %sub3A_335 = arith.subf %min3A_332, %max3A_334 : vector<8x2040xf32>
    %max3A_336 = arith.constant 0.000000e+00 : f32
    %max3A_337 = vector.broadcast %max3A_336 : f32 to vector<8x2040xf32>
    %max3A_338 = arith.maximumf %sub3A_335, %max3A_337 : vector<8x2040xf32>
    %mul3A_339 = arith.mulf %max3A_330, %max3A_338 : vector<8x2040xf32>
    %sub3A_340 = arith.subf %get3A_318, %get3A_310 : f32
    %sub3A_341 = arith.subf %get3A_322, %get3A_314 : f32
    %mul3A_342 = arith.mulf %sub3A_340, %sub3A_341 : f32
    %add3A_343 = vector.broadcast %mul3A_342 : f32 to vector<8x2040xf32>
    %add3A_344 = arith.addf %add3A_343, %mul3A_34 : vector<8x2040xf32>
    %sub3A_345 = arith.subf %add3A_344, %mul3A_339 : vector<8x2040xf32>
    %div3A_346 = arith.divf %mul3A_339, %sub3A_345 : vector<8x2040xf32>
    %gt3A_347 = arith.cmpf ogt, %div3A_346, %select_n3A_303 : vector<8x2040xf32>
    %select_n3A_348 = arith.select %gt3A_347, %div3A_346, %select_n3A_303 : vector<8x2040xi1>, vector<8x2040xf32>
    %jit3A_349 = arith.constant 6 : i32
    %broadcast_in_dim3A_350 = vector.broadcast %jit3A_349 : i32 to vector<8x2040xi32>
    %select_n3A_351 = arith.select %gt3A_347, %broadcast_in_dim3A_350, %select_n3A_306 : vector<8x2040xi1>, vector<8x2040xi32>
    %get3A_352 = arith.constant 0 : index
    %get3A_353 = arith.constant 7 : index
    %get3A_354 = arith.constant 0 : index
    %get3A_355 = memref.load %arg1[%get3A_352, %get3A_353, %get3A_354] : memref<1x12x5xf32, #tpu.memory_space<smem>>
    %get3A_356 = arith.constant 0 : index
    %get3A_357 = arith.constant 7 : index
    %get3A_358 = arith.constant 1 : index
    %get3A_359 = memref.load %arg1[%get3A_356, %get3A_357, %get3A_358] : memref<1x12x5xf32, #tpu.memory_space<smem>>
    %get3A_360 = arith.constant 0 : index
    %get3A_361 = arith.constant 7 : index
    %get3A_362 = arith.constant 2 : index
    %get3A_363 = memref.load %arg1[%get3A_360, %get3A_361, %get3A_362] : memref<1x12x5xf32, #tpu.memory_space<smem>>
    %get3A_364 = arith.constant 0 : index
    %get3A_365 = arith.constant 7 : index
    %get3A_366 = arith.constant 3 : index
    %get3A_367 = memref.load %arg1[%get3A_364, %get3A_365, %get3A_366] : memref<1x12x5xf32, #tpu.memory_space<smem>>
    %min3A_368 = vector.broadcast %get3A_363 : f32 to vector<8x2040xf32>
    %min3A_369 = arith.minimumf %min3A_368, %add3A : vector<8x2040xf32>
    %max3A_370 = vector.broadcast %get3A_355 : f32 to vector<8x2040xf32>
    %max3A_371 = arith.maximumf %max3A_370, %sub3A : vector<8x2040xf32>
    %sub3A_372 = arith.subf %min3A_369, %max3A_371 : vector<8x2040xf32>
    %max3A_373 = arith.constant 0.000000e+00 : f32
    %max3A_374 = vector.broadcast %max3A_373 : f32 to vector<8x2040xf32>
    %max3A_375 = arith.maximumf %sub3A_372, %max3A_374 : vector<8x2040xf32>
    %min3A_376 = vector.broadcast %get3A_367 : f32 to vector<8x2040xf32>
    %min3A_377 = arith.minimumf %min3A_376, %add3A_31 : vector<8x2040xf32>
    %max3A_378 = vector.broadcast %get3A_359 : f32 to vector<8x2040xf32>
    %max3A_379 = arith.maximumf %max3A_378, %sub3A_24 : vector<8x2040xf32>
    %sub3A_380 = arith.subf %min3A_377, %max3A_379 : vector<8x2040xf32>
    %max3A_381 = arith.constant 0.000000e+00 : f32
    %max3A_382 = vector.broadcast %max3A_381 : f32 to vector<8x2040xf32>
    %max3A_383 = arith.maximumf %sub3A_380, %max3A_382 : vector<8x2040xf32>
    %mul3A_384 = arith.mulf %max3A_375, %max3A_383 : vector<8x2040xf32>
    %sub3A_385 = arith.subf %get3A_363, %get3A_355 : f32
    %sub3A_386 = arith.subf %get3A_367, %get3A_359 : f32
    %mul3A_387 = arith.mulf %sub3A_385, %sub3A_386 : f32
    %add3A_388 = vector.broadcast %mul3A_387 : f32 to vector<8x2040xf32>
    %add3A_389 = arith.addf %add3A_388, %mul3A_34 : vector<8x2040xf32>
    %sub3A_390 = arith.subf %add3A_389, %mul3A_384 : vector<8x2040xf32>
    %div3A_391 = arith.divf %mul3A_384, %sub3A_390 : vector<8x2040xf32>
    %gt3A_392 = arith.cmpf ogt, %div3A_391, %select_n3A_348 : vector<8x2040xf32>
    %select_n3A_393 = arith.select %gt3A_392, %div3A_391, %select_n3A_348 : vector<8x2040xi1>, vector<8x2040xf32>
    %jit3A_394 = arith.constant 7 : i32
    %broadcast_in_dim3A_395 = vector.broadcast %jit3A_394 : i32 to vector<8x2040xi32>
    %select_n3A_396 = arith.select %gt3A_392, %broadcast_in_dim3A_395, %select_n3A_351 : vector<8x2040xi1>, vector<8x2040xi32>
    %get3A_397 = arith.constant 0 : index
    %get3A_398 = arith.constant 8 : index
    %get3A_399 = arith.constant 0 : index
    %get3A_400 = memref.load %arg1[%get3A_397, %get3A_398, %get3A_399] : memref<1x12x5xf32, #tpu.memory_space<smem>>
    %get3A_401 = arith.constant 0 : index
    %get3A_402 = arith.constant 8 : index
    %get3A_403 = arith.constant 1 : index
    %get3A_404 = memref.load %arg1[%get3A_401, %get3A_402, %get3A_403] : memref<1x12x5xf32, #tpu.memory_space<smem>>
    %get3A_405 = arith.constant 0 : index
    %get3A_406 = arith.constant 8 : index
    %get3A_407 = arith.constant 2 : index
    %get3A_408 = memref.load %arg1[%get3A_405, %get3A_406, %get3A_407] : memref<1x12x5xf32, #tpu.memory_space<smem>>
    %get3A_409 = arith.constant 0 : index
    %get3A_410 = arith.constant 8 : index
    %get3A_411 = arith.constant 3 : index
    %get3A_412 = memref.load %arg1[%get3A_409, %get3A_410, %get3A_411] : memref<1x12x5xf32, #tpu.memory_space<smem>>
    %min3A_413 = vector.broadcast %get3A_408 : f32 to vector<8x2040xf32>
    %min3A_414 = arith.minimumf %min3A_413, %add3A : vector<8x2040xf32>
    %max3A_415 = vector.broadcast %get3A_400 : f32 to vector<8x2040xf32>
    %max3A_416 = arith.maximumf %max3A_415, %sub3A : vector<8x2040xf32>
    %sub3A_417 = arith.subf %min3A_414, %max3A_416 : vector<8x2040xf32>
    %max3A_418 = arith.constant 0.000000e+00 : f32
    %max3A_419 = vector.broadcast %max3A_418 : f32 to vector<8x2040xf32>
    %max3A_420 = arith.maximumf %sub3A_417, %max3A_419 : vector<8x2040xf32>
    %min3A_421 = vector.broadcast %get3A_412 : f32 to vector<8x2040xf32>
    %min3A_422 = arith.minimumf %min3A_421, %add3A_31 : vector<8x2040xf32>
    %max3A_423 = vector.broadcast %get3A_404 : f32 to vector<8x2040xf32>
    %max3A_424 = arith.maximumf %max3A_423, %sub3A_24 : vector<8x2040xf32>
    %sub3A_425 = arith.subf %min3A_422, %max3A_424 : vector<8x2040xf32>
    %max3A_426 = arith.constant 0.000000e+00 : f32
    %max3A_427 = vector.broadcast %max3A_426 : f32 to vector<8x2040xf32>
    %max3A_428 = arith.maximumf %sub3A_425, %max3A_427 : vector<8x2040xf32>
    %mul3A_429 = arith.mulf %max3A_420, %max3A_428 : vector<8x2040xf32>
    %sub3A_430 = arith.subf %get3A_408, %get3A_400 : f32
    %sub3A_431 = arith.subf %get3A_412, %get3A_404 : f32
    %mul3A_432 = arith.mulf %sub3A_430, %sub3A_431 : f32
    %add3A_433 = vector.broadcast %mul3A_432 : f32 to vector<8x2040xf32>
    %add3A_434 = arith.addf %add3A_433, %mul3A_34 : vector<8x2040xf32>
    %sub3A_435 = arith.subf %add3A_434, %mul3A_429 : vector<8x2040xf32>
    %div3A_436 = arith.divf %mul3A_429, %sub3A_435 : vector<8x2040xf32>
    %gt3A_437 = arith.cmpf ogt, %div3A_436, %select_n3A_393 : vector<8x2040xf32>
    %select_n3A_438 = arith.select %gt3A_437, %div3A_436, %select_n3A_393 : vector<8x2040xi1>, vector<8x2040xf32>
    %jit3A_439 = arith.constant 8 : i32
    %broadcast_in_dim3A_440 = vector.broadcast %jit3A_439 : i32 to vector<8x2040xi32>
    %select_n3A_441 = arith.select %gt3A_437, %broadcast_in_dim3A_440, %select_n3A_396 : vector<8x2040xi1>, vector<8x2040xi32>
    %get3A_442 = arith.constant 0 : index
    %get3A_443 = arith.constant 9 : index
    %get3A_444 = arith.constant 0 : index
    %get3A_445 = memref.load %arg1[%get3A_442, %get3A_443, %get3A_444] : memref<1x12x5xf32, #tpu.memory_space<smem>>
    %get3A_446 = arith.constant 0 : index
    %get3A_447 = arith.constant 9 : index
    %get3A_448 = arith.constant 1 : index
    %get3A_449 = memref.load %arg1[%get3A_446, %get3A_447, %get3A_448] : memref<1x12x5xf32, #tpu.memory_space<smem>>
    %get3A_450 = arith.constant 0 : index
    %get3A_451 = arith.constant 9 : index
    %get3A_452 = arith.constant 2 : index
    %get3A_453 = memref.load %arg1[%get3A_450, %get3A_451, %get3A_452] : memref<1x12x5xf32, #tpu.memory_space<smem>>
    %get3A_454 = arith.constant 0 : index
    %get3A_455 = arith.constant 9 : index
    %get3A_456 = arith.constant 3 : index
    %get3A_457 = memref.load %arg1[%get3A_454, %get3A_455, %get3A_456] : memref<1x12x5xf32, #tpu.memory_space<smem>>
    %min3A_458 = vector.broadcast %get3A_453 : f32 to vector<8x2040xf32>
    %min3A_459 = arith.minimumf %min3A_458, %add3A : vector<8x2040xf32>
    %max3A_460 = vector.broadcast %get3A_445 : f32 to vector<8x2040xf32>
    %max3A_461 = arith.maximumf %max3A_460, %sub3A : vector<8x2040xf32>
    %sub3A_462 = arith.subf %min3A_459, %max3A_461 : vector<8x2040xf32>
    %max3A_463 = arith.constant 0.000000e+00 : f32
    %max3A_464 = vector.broadcast %max3A_463 : f32 to vector<8x2040xf32>
    %max3A_465 = arith.maximumf %sub3A_462, %max3A_464 : vector<8x2040xf32>
    %min3A_466 = vector.broadcast %get3A_457 : f32 to vector<8x2040xf32>
    %min3A_467 = arith.minimumf %min3A_466, %add3A_31 : vector<8x2040xf32>
    %max3A_468 = vector.broadcast %get3A_449 : f32 to vector<8x2040xf32>
    %max3A_469 = arith.maximumf %max3A_468, %sub3A_24 : vector<8x2040xf32>
    %sub3A_470 = arith.subf %min3A_467, %max3A_469 : vector<8x2040xf32>
    %max3A_471 = arith.constant 0.000000e+00 : f32
    %max3A_472 = vector.broadcast %max3A_471 : f32 to vector<8x2040xf32>
    %max3A_473 = arith.maximumf %sub3A_470, %max3A_472 : vector<8x2040xf32>
    %mul3A_474 = arith.mulf %max3A_465, %max3A_473 : vector<8x2040xf32>
    %sub3A_475 = arith.subf %get3A_453, %get3A_445 : f32
    %sub3A_476 = arith.subf %get3A_457, %get3A_449 : f32
    %mul3A_477 = arith.mulf %sub3A_475, %sub3A_476 : f32
    %add3A_478 = vector.broadcast %mul3A_477 : f32 to vector<8x2040xf32>
    %add3A_479 = arith.addf %add3A_478, %mul3A_34 : vector<8x2040xf32>
    %sub3A_480 = arith.subf %add3A_479, %mul3A_474 : vector<8x2040xf32>
    %div3A_481 = arith.divf %mul3A_474, %sub3A_480 : vector<8x2040xf32>
    %gt3A_482 = arith.cmpf ogt, %div3A_481, %select_n3A_438 : vector<8x2040xf32>
    %select_n3A_483 = arith.select %gt3A_482, %div3A_481, %select_n3A_438 : vector<8x2040xi1>, vector<8x2040xf32>
    %jit3A_484 = arith.constant 9 : i32
    %broadcast_in_dim3A_485 = vector.broadcast %jit3A_484 : i32 to vector<8x2040xi32>
    %select_n3A_486 = arith.select %gt3A_482, %broadcast_in_dim3A_485, %select_n3A_441 : vector<8x2040xi1>, vector<8x2040xi32>
    %get3A_487 = arith.constant 0 : index
    %get3A_488 = arith.constant 10 : index
    %get3A_489 = arith.constant 0 : index
    %get3A_490 = memref.load %arg1[%get3A_487, %get3A_488, %get3A_489] : memref<1x12x5xf32, #tpu.memory_space<smem>>
    %get3A_491 = arith.constant 0 : index
    %get3A_492 = arith.constant 10 : index
    %get3A_493 = arith.constant 1 : index
    %get3A_494 = memref.load %arg1[%get3A_491, %get3A_492, %get3A_493] : memref<1x12x5xf32, #tpu.memory_space<smem>>
    %get3A_495 = arith.constant 0 : index
    %get3A_496 = arith.constant 10 : index
    %get3A_497 = arith.constant 2 : index
    %get3A_498 = memref.load %arg1[%get3A_495, %get3A_496, %get3A_497] : memref<1x12x5xf32, #tpu.memory_space<smem>>
    %get3A_499 = arith.constant 0 : index
    %get3A_500 = arith.constant 10 : index
    %get3A_501 = arith.constant 3 : index
    %get3A_502 = memref.load %arg1[%get3A_499, %get3A_500, %get3A_501] : memref<1x12x5xf32, #tpu.memory_space<smem>>
    %min3A_503 = vector.broadcast %get3A_498 : f32 to vector<8x2040xf32>
    %min3A_504 = arith.minimumf %min3A_503, %add3A : vector<8x2040xf32>
    %max3A_505 = vector.broadcast %get3A_490 : f32 to vector<8x2040xf32>
    %max3A_506 = arith.maximumf %max3A_505, %sub3A : vector<8x2040xf32>
    %sub3A_507 = arith.subf %min3A_504, %max3A_506 : vector<8x2040xf32>
    %max3A_508 = arith.constant 0.000000e+00 : f32
    %max3A_509 = vector.broadcast %max3A_508 : f32 to vector<8x2040xf32>
    %max3A_510 = arith.maximumf %sub3A_507, %max3A_509 : vector<8x2040xf32>
    %min3A_511 = vector.broadcast %get3A_502 : f32 to vector<8x2040xf32>
    %min3A_512 = arith.minimumf %min3A_511, %add3A_31 : vector<8x2040xf32>
    %max3A_513 = vector.broadcast %get3A_494 : f32 to vector<8x2040xf32>
    %max3A_514 = arith.maximumf %max3A_513, %sub3A_24 : vector<8x2040xf32>
    %sub3A_515 = arith.subf %min3A_512, %max3A_514 : vector<8x2040xf32>
    %max3A_516 = arith.constant 0.000000e+00 : f32
    %max3A_517 = vector.broadcast %max3A_516 : f32 to vector<8x2040xf32>
    %max3A_518 = arith.maximumf %sub3A_515, %max3A_517 : vector<8x2040xf32>
    %mul3A_519 = arith.mulf %max3A_510, %max3A_518 : vector<8x2040xf32>
    %sub3A_520 = arith.subf %get3A_498, %get3A_490 : f32
    %sub3A_521 = arith.subf %get3A_502, %get3A_494 : f32
    %mul3A_522 = arith.mulf %sub3A_520, %sub3A_521 : f32
    %add3A_523 = vector.broadcast %mul3A_522 : f32 to vector<8x2040xf32>
    %add3A_524 = arith.addf %add3A_523, %mul3A_34 : vector<8x2040xf32>
    %sub3A_525 = arith.subf %add3A_524, %mul3A_519 : vector<8x2040xf32>
    %div3A_526 = arith.divf %mul3A_519, %sub3A_525 : vector<8x2040xf32>
    %gt3A_527 = arith.cmpf ogt, %div3A_526, %select_n3A_483 : vector<8x2040xf32>
    %select_n3A_528 = arith.select %gt3A_527, %div3A_526, %select_n3A_483 : vector<8x2040xi1>, vector<8x2040xf32>
    %jit3A_529 = arith.constant 10 : i32
    %broadcast_in_dim3A_530 = vector.broadcast %jit3A_529 : i32 to vector<8x2040xi32>
    %select_n3A_531 = arith.select %gt3A_527, %broadcast_in_dim3A_530, %select_n3A_486 : vector<8x2040xi1>, vector<8x2040xi32>
    %get3A_532 = arith.constant 0 : index
    %get3A_533 = arith.constant 11 : index
    %get3A_534 = arith.constant 0 : index
    %get3A_535 = memref.load %arg1[%get3A_532, %get3A_533, %get3A_534] : memref<1x12x5xf32, #tpu.memory_space<smem>>
    %get3A_536 = arith.constant 0 : index
    %get3A_537 = arith.constant 11 : index
    %get3A_538 = arith.constant 1 : index
    %get3A_539 = memref.load %arg1[%get3A_536, %get3A_537, %get3A_538] : memref<1x12x5xf32, #tpu.memory_space<smem>>
    %get3A_540 = arith.constant 0 : index
    %get3A_541 = arith.constant 11 : index
    %get3A_542 = arith.constant 2 : index
    %get3A_543 = memref.load %arg1[%get3A_540, %get3A_541, %get3A_542] : memref<1x12x5xf32, #tpu.memory_space<smem>>
    %get3A_544 = arith.constant 0 : index
    %get3A_545 = arith.constant 11 : index
    %get3A_546 = arith.constant 3 : index
    %get3A_547 = memref.load %arg1[%get3A_544, %get3A_545, %get3A_546] : memref<1x12x5xf32, #tpu.memory_space<smem>>
    %min3A_548 = vector.broadcast %get3A_543 : f32 to vector<8x2040xf32>
    %min3A_549 = arith.minimumf %min3A_548, %add3A : vector<8x2040xf32>
    %max3A_550 = vector.broadcast %get3A_535 : f32 to vector<8x2040xf32>
    %max3A_551 = arith.maximumf %max3A_550, %sub3A : vector<8x2040xf32>
    %sub3A_552 = arith.subf %min3A_549, %max3A_551 : vector<8x2040xf32>
    %max3A_553 = arith.constant 0.000000e+00 : f32
    %max3A_554 = vector.broadcast %max3A_553 : f32 to vector<8x2040xf32>
    %max3A_555 = arith.maximumf %sub3A_552, %max3A_554 : vector<8x2040xf32>
    %min3A_556 = vector.broadcast %get3A_547 : f32 to vector<8x2040xf32>
    %min3A_557 = arith.minimumf %min3A_556, %add3A_31 : vector<8x2040xf32>
    %max3A_558 = vector.broadcast %get3A_539 : f32 to vector<8x2040xf32>
    %max3A_559 = arith.maximumf %max3A_558, %sub3A_24 : vector<8x2040xf32>
    %sub3A_560 = arith.subf %min3A_557, %max3A_559 : vector<8x2040xf32>
    %max3A_561 = arith.constant 0.000000e+00 : f32
    %max3A_562 = vector.broadcast %max3A_561 : f32 to vector<8x2040xf32>
    %max3A_563 = arith.maximumf %sub3A_560, %max3A_562 : vector<8x2040xf32>
    %mul3A_564 = arith.mulf %max3A_555, %max3A_563 : vector<8x2040xf32>
    %sub3A_565 = arith.subf %get3A_543, %get3A_535 : f32
    %sub3A_566 = arith.subf %get3A_547, %get3A_539 : f32
    %mul3A_567 = arith.mulf %sub3A_565, %sub3A_566 : f32
    %add3A_568 = vector.broadcast %mul3A_567 : f32 to vector<8x2040xf32>
    %add3A_569 = arith.addf %add3A_568, %mul3A_34 : vector<8x2040xf32>
    %sub3A_570 = arith.subf %add3A_569, %mul3A_564 : vector<8x2040xf32>
    %div3A_571 = arith.divf %mul3A_564, %sub3A_570 : vector<8x2040xf32>
    %gt3A_572 = arith.cmpf ogt, %div3A_571, %select_n3A_528 : vector<8x2040xf32>
    %select_n3A_573 = arith.select %gt3A_572, %div3A_571, %select_n3A_528 : vector<8x2040xi1>, vector<8x2040xf32>
    %jit3A_574 = arith.constant 11 : i32
    %broadcast_in_dim3A_575 = vector.broadcast %jit3A_574 : i32 to vector<8x2040xi32>
    %select_n3A_576 = arith.select %gt3A_572, %broadcast_in_dim3A_575, %select_n3A_531 : vector<8x2040xi1>, vector<8x2040xi32>
    %stack3A = vector.shape_cast %div3A : vector<8x2040xf32> to vector<1x8x2040xf32>
    %stack3A_577 = vector.shape_cast %div3A_121 : vector<8x2040xf32> to vector<1x8x2040xf32>
    %stack3A_578 = vector.shape_cast %div3A_166 : vector<8x2040xf32> to vector<1x8x2040xf32>
    %stack3A_579 = vector.shape_cast %div3A_211 : vector<8x2040xf32> to vector<1x8x2040xf32>
    %stack3A_580 = vector.shape_cast %div3A_256 : vector<8x2040xf32> to vector<1x8x2040xf32>
    %stack3A_581 = vector.shape_cast %div3A_301 : vector<8x2040xf32> to vector<1x8x2040xf32>
    %stack3A_582 = vector.shape_cast %div3A_346 : vector<8x2040xf32> to vector<1x8x2040xf32>
    %stack3A_583 = vector.shape_cast %div3A_391 : vector<8x2040xf32> to vector<1x8x2040xf32>
    %stack3A_584 = vector.shape_cast %div3A_436 : vector<8x2040xf32> to vector<1x8x2040xf32>
    %stack3A_585 = vector.shape_cast %div3A_481 : vector<8x2040xf32> to vector<1x8x2040xf32>
    %stack3A_586 = vector.shape_cast %div3A_526 : vector<8x2040xf32> to vector<1x8x2040xf32>
    %stack3A_587 = vector.shape_cast %div3A_571 : vector<8x2040xf32> to vector<1x8x2040xf32>
    %stack3A_588 = tpu.concatenate %stack3A, %stack3A_577, %stack3A_578, %stack3A_579, %stack3A_580, %stack3A_581, %stack3A_582, %stack3A_583, %stack3A_584, %stack3A_585, %stack3A_586, %stack3A_587 in 0 : vector<1x8x2040xf32>, vector<1x8x2040xf32>, vector<1x8x2040xf32>, vector<1x8x2040xf32>, vector<1x8x2040xf32>, vector<1x8x2040xf32>, vector<1x8x2040xf32>, vector<1x8x2040xf32>, vector<1x8x2040xf32>, vector<1x8x2040xf32>, vector<1x8x2040xf32>, vector<1x8x2040xf32> -> vector<12x8x2040xf32>
    %reduce_max3A = arith.constant dense<0xFF800000> : vector<12x8xf32>
    %reduce_max3A_589 = vector.multi_reduction <maximumf>, %stack3A_588, %reduce_max3A [2] : vector<12x8x2040xf32> to vector<12x8xf32>
    %broadcast_in_dim3A_590 = vector.shape_cast %reduce_max3A_589 : vector<12x8xf32> to vector<12x8x1xf32>
    %reduce_max3A_591 = arith.constant dense<0xFF800000> : vector<12x1xf32>
    %reduce_max3A_592 = vector.multi_reduction <maximumf>, %broadcast_in_dim3A_590, %reduce_max3A_591 [1] : vector<12x8x1xf32> to vector<12x1xf32>
    %broadcast_in_dim3A_593 = vector.shape_cast %reduce_max3A_592 : vector<12x1xf32> to vector<12x1x1xf32>
    %eq3A = vector.broadcast %broadcast_in_dim3A_593 : vector<12x1x1xf32> to vector<12x8x2040xf32>
    %eq3A_594 = arith.cmpf oeq, %stack3A_588, %eq3A : vector<12x8x2040xf32>
    %broadcast_in_dim3A_595 = vector.shape_cast %add3A_39 : vector<8x2040xi32> to vector<1x8x2040xi32>
    %jit3A_596 = arith.constant 16320 : i32
    %broadcast_in_dim3A_597 = vector.shape_cast %broadcast_in_dim3A_595 : vector<1x8x2040xi32> to vector<1x8x2040xi32>
    %broadcast_in_dim3A_598 = vector.broadcast %broadcast_in_dim3A_597 : vector<1x8x2040xi32> to vector<12x8x2040xi32>
    %broadcast_in_dim3A_599 = vector.broadcast %jit3A_596 : i32 to vector<12x8x2040xi32>
    %select_n3A_600 = arith.select %eq3A_594, %broadcast_in_dim3A_598, %broadcast_in_dim3A_599 : vector<12x8x2040xi1>, vector<12x8x2040xi32>
    %reduce_min3A = arith.constant dense<2147483647> : vector<12x8xi32>
    %reduce_min3A_601 = vector.multi_reduction <minsi>, %select_n3A_600, %reduce_min3A [2] : vector<12x8x2040xi32> to vector<12x8xi32>
    %broadcast_in_dim3A_602 = vector.shape_cast %reduce_min3A_601 : vector<12x8xi32> to vector<12x8x1xi32>
    %reduce_min3A_603 = arith.constant dense<2147483647> : vector<12x1xi32>
    %reduce_min3A_604 = vector.multi_reduction <minsi>, %broadcast_in_dim3A_602, %reduce_min3A_603 [1] : vector<12x8x1xi32> to vector<12x1xi32>
    %broadcast_in_dim3A_605 = vector.shape_cast %reduce_min3A_604 : vector<12x1xi32> to vector<12x1x1xi32>
    %broadcast_in_dim3A_606 = vector.shape_cast %add3A_39 : vector<8x2040xi32> to vector<1x8x2040xi32>
    %eq3A_607 = vector.broadcast %broadcast_in_dim3A_606 : vector<1x8x2040xi32> to vector<12x8x2040xi32>
    %eq3A_608 = vector.broadcast %broadcast_in_dim3A_605 : vector<12x1x1xi32> to vector<12x8x2040xi32>
    %eq3A_609 = arith.cmpi eq, %eq3A_607, %eq3A_608 : vector<12x8x2040xi32>
    %slice3A = vector.extract_strided_slice %eq3A_609 {offsets = [0, 0, 0], sizes = [1, 8, 2040], strides = [1, 1, 1]} : vector<12x8x2040xi1> to vector<1x8x2040xi1>
    %squeeze3A = vector.shape_cast %slice3A : vector<1x8x2040xi1> to vector<8x2040xi1>
    %jit3A_610 = arith.constant 2.000000e+00 : f32
    %broadcast_in_dim3A_611 = vector.broadcast %jit3A_610 : f32 to vector<8x2040xf32>
    %select_n3A_612 = arith.select %squeeze3A, %broadcast_in_dim3A_611, %select_n3A_573 : vector<8x2040xi1>, vector<8x2040xf32>
    %slice3A_613 = vector.extract_strided_slice %eq3A_609 {offsets = [0, 0, 0], sizes = [1, 8, 2040], strides = [1, 1, 1]} : vector<12x8x2040xi1> to vector<1x8x2040xi1>
    %squeeze3A_614 = vector.shape_cast %slice3A_613 : vector<1x8x2040xi1> to vector<8x2040xi1>
    %jit3A_615 = arith.constant 0 : i32
    %broadcast_in_dim3A_616 = vector.broadcast %jit3A_615 : i32 to vector<8x2040xi32>
    %select_n3A_617 = arith.select %squeeze3A_614, %broadcast_in_dim3A_616, %select_n3A_576 : vector<8x2040xi1>, vector<8x2040xi32>
    %slice3A_618 = vector.extract_strided_slice %eq3A_609 {offsets = [1, 0, 0], sizes = [1, 8, 2040], strides = [1, 1, 1]} : vector<12x8x2040xi1> to vector<1x8x2040xi1>
    %squeeze3A_619 = vector.shape_cast %slice3A_618 : vector<1x8x2040xi1> to vector<8x2040xi1>
    %jit3A_620 = arith.constant 2.000000e+00 : f32
    %broadcast_in_dim3A_621 = vector.broadcast %jit3A_620 : f32 to vector<8x2040xf32>
    %select_n3A_622 = arith.select %squeeze3A_619, %broadcast_in_dim3A_621, %select_n3A_612 : vector<8x2040xi1>, vector<8x2040xf32>
    %slice3A_623 = vector.extract_strided_slice %eq3A_609 {offsets = [1, 0, 0], sizes = [1, 8, 2040], strides = [1, 1, 1]} : vector<12x8x2040xi1> to vector<1x8x2040xi1>
    %squeeze3A_624 = vector.shape_cast %slice3A_623 : vector<1x8x2040xi1> to vector<8x2040xi1>
    %jit3A_625 = arith.constant 1 : i32
    %broadcast_in_dim3A_626 = vector.broadcast %jit3A_625 : i32 to vector<8x2040xi32>
    %select_n3A_627 = arith.select %squeeze3A_624, %broadcast_in_dim3A_626, %select_n3A_617 : vector<8x2040xi1>, vector<8x2040xi32>
    %slice3A_628 = vector.extract_strided_slice %eq3A_609 {offsets = [2, 0, 0], sizes = [1, 8, 2040], strides = [1, 1, 1]} : vector<12x8x2040xi1> to vector<1x8x2040xi1>
    %squeeze3A_629 = vector.shape_cast %slice3A_628 : vector<1x8x2040xi1> to vector<8x2040xi1>
    %jit3A_630 = arith.constant 2.000000e+00 : f32
    %broadcast_in_dim3A_631 = vector.broadcast %jit3A_630 : f32 to vector<8x2040xf32>
    %select_n3A_632 = arith.select %squeeze3A_629, %broadcast_in_dim3A_631, %select_n3A_622 : vector<8x2040xi1>, vector<8x2040xf32>
    %slice3A_633 = vector.extract_strided_slice %eq3A_609 {offsets = [2, 0, 0], sizes = [1, 8, 2040], strides = [1, 1, 1]} : vector<12x8x2040xi1> to vector<1x8x2040xi1>
    %squeeze3A_634 = vector.shape_cast %slice3A_633 : vector<1x8x2040xi1> to vector<8x2040xi1>
    %jit3A_635 = arith.constant 2 : i32
    %broadcast_in_dim3A_636 = vector.broadcast %jit3A_635 : i32 to vector<8x2040xi32>
    %select_n3A_637 = arith.select %squeeze3A_634, %broadcast_in_dim3A_636, %select_n3A_627 : vector<8x2040xi1>, vector<8x2040xi32>
    %slice3A_638 = vector.extract_strided_slice %eq3A_609 {offsets = [3, 0, 0], sizes = [1, 8, 2040], strides = [1, 1, 1]} : vector<12x8x2040xi1> to vector<1x8x2040xi1>
    %squeeze3A_639 = vector.shape_cast %slice3A_638 : vector<1x8x2040xi1> to vector<8x2040xi1>
    %jit3A_640 = arith.constant 2.000000e+00 : f32
    %broadcast_in_dim3A_641 = vector.broadcast %jit3A_640 : f32 to vector<8x2040xf32>
    %select_n3A_642 = arith.select %squeeze3A_639, %broadcast_in_dim3A_641, %select_n3A_632 : vector<8x2040xi1>, vector<8x2040xf32>
    %slice3A_643 = vector.extract_strided_slice %eq3A_609 {offsets = [3, 0, 0], sizes = [1, 8, 2040], strides = [1, 1, 1]} : vector<12x8x2040xi1> to vector<1x8x2040xi1>
    %squeeze3A_644 = vector.shape_cast %slice3A_643 : vector<1x8x2040xi1> to vector<8x2040xi1>
    %jit3A_645 = arith.constant 3 : i32
    %broadcast_in_dim3A_646 = vector.broadcast %jit3A_645 : i32 to vector<8x2040xi32>
    %select_n3A_647 = arith.select %squeeze3A_644, %broadcast_in_dim3A_646, %select_n3A_637 : vector<8x2040xi1>, vector<8x2040xi32>
    %slice3A_648 = vector.extract_strided_slice %eq3A_609 {offsets = [4, 0, 0], sizes = [1, 8, 2040], strides = [1, 1, 1]} : vector<12x8x2040xi1> to vector<1x8x2040xi1>
    %squeeze3A_649 = vector.shape_cast %slice3A_648 : vector<1x8x2040xi1> to vector<8x2040xi1>
    %jit3A_650 = arith.constant 2.000000e+00 : f32
    %broadcast_in_dim3A_651 = vector.broadcast %jit3A_650 : f32 to vector<8x2040xf32>
    %select_n3A_652 = arith.select %squeeze3A_649, %broadcast_in_dim3A_651, %select_n3A_642 : vector<8x2040xi1>, vector<8x2040xf32>
    %slice3A_653 = vector.extract_strided_slice %eq3A_609 {offsets = [4, 0, 0], sizes = [1, 8, 2040], strides = [1, 1, 1]} : vector<12x8x2040xi1> to vector<1x8x2040xi1>
    %squeeze3A_654 = vector.shape_cast %slice3A_653 : vector<1x8x2040xi1> to vector<8x2040xi1>
    %jit3A_655 = arith.constant 4 : i32
    %broadcast_in_dim3A_656 = vector.broadcast %jit3A_655 : i32 to vector<8x2040xi32>
    %select_n3A_657 = arith.select %squeeze3A_654, %broadcast_in_dim3A_656, %select_n3A_647 : vector<8x2040xi1>, vector<8x2040xi32>
    %slice3A_658 = vector.extract_strided_slice %eq3A_609 {offsets = [5, 0, 0], sizes = [1, 8, 2040], strides = [1, 1, 1]} : vector<12x8x2040xi1> to vector<1x8x2040xi1>
    %squeeze3A_659 = vector.shape_cast %slice3A_658 : vector<1x8x2040xi1> to vector<8x2040xi1>
    %jit3A_660 = arith.constant 2.000000e+00 : f32
    %broadcast_in_dim3A_661 = vector.broadcast %jit3A_660 : f32 to vector<8x2040xf32>
    %select_n3A_662 = arith.select %squeeze3A_659, %broadcast_in_dim3A_661, %select_n3A_652 : vector<8x2040xi1>, vector<8x2040xf32>
    %slice3A_663 = vector.extract_strided_slice %eq3A_609 {offsets = [5, 0, 0], sizes = [1, 8, 2040], strides = [1, 1, 1]} : vector<12x8x2040xi1> to vector<1x8x2040xi1>
    %squeeze3A_664 = vector.shape_cast %slice3A_663 : vector<1x8x2040xi1> to vector<8x2040xi1>
    %jit3A_665 = arith.constant 5 : i32
    %broadcast_in_dim3A_666 = vector.broadcast %jit3A_665 : i32 to vector<8x2040xi32>
    %select_n3A_667 = arith.select %squeeze3A_664, %broadcast_in_dim3A_666, %select_n3A_657 : vector<8x2040xi1>, vector<8x2040xi32>
    %slice3A_668 = vector.extract_strided_slice %eq3A_609 {offsets = [6, 0, 0], sizes = [1, 8, 2040], strides = [1, 1, 1]} : vector<12x8x2040xi1> to vector<1x8x2040xi1>
    %squeeze3A_669 = vector.shape_cast %slice3A_668 : vector<1x8x2040xi1> to vector<8x2040xi1>
    %jit3A_670 = arith.constant 2.000000e+00 : f32
    %broadcast_in_dim3A_671 = vector.broadcast %jit3A_670 : f32 to vector<8x2040xf32>
    %select_n3A_672 = arith.select %squeeze3A_669, %broadcast_in_dim3A_671, %select_n3A_662 : vector<8x2040xi1>, vector<8x2040xf32>
    %slice3A_673 = vector.extract_strided_slice %eq3A_609 {offsets = [6, 0, 0], sizes = [1, 8, 2040], strides = [1, 1, 1]} : vector<12x8x2040xi1> to vector<1x8x2040xi1>
    %squeeze3A_674 = vector.shape_cast %slice3A_673 : vector<1x8x2040xi1> to vector<8x2040xi1>
    %jit3A_675 = arith.constant 6 : i32
    %broadcast_in_dim3A_676 = vector.broadcast %jit3A_675 : i32 to vector<8x2040xi32>
    %select_n3A_677 = arith.select %squeeze3A_674, %broadcast_in_dim3A_676, %select_n3A_667 : vector<8x2040xi1>, vector<8x2040xi32>
    %slice3A_678 = vector.extract_strided_slice %eq3A_609 {offsets = [7, 0, 0], sizes = [1, 8, 2040], strides = [1, 1, 1]} : vector<12x8x2040xi1> to vector<1x8x2040xi1>
    %squeeze3A_679 = vector.shape_cast %slice3A_678 : vector<1x8x2040xi1> to vector<8x2040xi1>
    %jit3A_680 = arith.constant 2.000000e+00 : f32
    %broadcast_in_dim3A_681 = vector.broadcast %jit3A_680 : f32 to vector<8x2040xf32>
    %select_n3A_682 = arith.select %squeeze3A_679, %broadcast_in_dim3A_681, %select_n3A_672 : vector<8x2040xi1>, vector<8x2040xf32>
    %slice3A_683 = vector.extract_strided_slice %eq3A_609 {offsets = [7, 0, 0], sizes = [1, 8, 2040], strides = [1, 1, 1]} : vector<12x8x2040xi1> to vector<1x8x2040xi1>
    %squeeze3A_684 = vector.shape_cast %slice3A_683 : vector<1x8x2040xi1> to vector<8x2040xi1>
    %jit3A_685 = arith.constant 7 : i32
    %broadcast_in_dim3A_686 = vector.broadcast %jit3A_685 : i32 to vector<8x2040xi32>
    %select_n3A_687 = arith.select %squeeze3A_684, %broadcast_in_dim3A_686, %select_n3A_677 : vector<8x2040xi1>, vector<8x2040xi32>
    %slice3A_688 = vector.extract_strided_slice %eq3A_609 {offsets = [8, 0, 0], sizes = [1, 8, 2040], strides = [1, 1, 1]} : vector<12x8x2040xi1> to vector<1x8x2040xi1>
    %squeeze3A_689 = vector.shape_cast %slice3A_688 : vector<1x8x2040xi1> to vector<8x2040xi1>
    %jit3A_690 = arith.constant 2.000000e+00 : f32
    %broadcast_in_dim3A_691 = vector.broadcast %jit3A_690 : f32 to vector<8x2040xf32>
    %select_n3A_692 = arith.select %squeeze3A_689, %broadcast_in_dim3A_691, %select_n3A_682 : vector<8x2040xi1>, vector<8x2040xf32>
    %slice3A_693 = vector.extract_strided_slice %eq3A_609 {offsets = [8, 0, 0], sizes = [1, 8, 2040], strides = [1, 1, 1]} : vector<12x8x2040xi1> to vector<1x8x2040xi1>
    %squeeze3A_694 = vector.shape_cast %slice3A_693 : vector<1x8x2040xi1> to vector<8x2040xi1>
    %jit3A_695 = arith.constant 8 : i32
    %broadcast_in_dim3A_696 = vector.broadcast %jit3A_695 : i32 to vector<8x2040xi32>
    %select_n3A_697 = arith.select %squeeze3A_694, %broadcast_in_dim3A_696, %select_n3A_687 : vector<8x2040xi1>, vector<8x2040xi32>
    %slice3A_698 = vector.extract_strided_slice %eq3A_609 {offsets = [9, 0, 0], sizes = [1, 8, 2040], strides = [1, 1, 1]} : vector<12x8x2040xi1> to vector<1x8x2040xi1>
    %squeeze3A_699 = vector.shape_cast %slice3A_698 : vector<1x8x2040xi1> to vector<8x2040xi1>
    %jit3A_700 = arith.constant 2.000000e+00 : f32
    %broadcast_in_dim3A_701 = vector.broadcast %jit3A_700 : f32 to vector<8x2040xf32>
    %select_n3A_702 = arith.select %squeeze3A_699, %broadcast_in_dim3A_701, %select_n3A_692 : vector<8x2040xi1>, vector<8x2040xf32>
    %slice3A_703 = vector.extract_strided_slice %eq3A_609 {offsets = [9, 0, 0], sizes = [1, 8, 2040], strides = [1, 1, 1]} : vector<12x8x2040xi1> to vector<1x8x2040xi1>
    %squeeze3A_704 = vector.shape_cast %slice3A_703 : vector<1x8x2040xi1> to vector<8x2040xi1>
    %jit3A_705 = arith.constant 9 : i32
    %broadcast_in_dim3A_706 = vector.broadcast %jit3A_705 : i32 to vector<8x2040xi32>
    %select_n3A_707 = arith.select %squeeze3A_704, %broadcast_in_dim3A_706, %select_n3A_697 : vector<8x2040xi1>, vector<8x2040xi32>
    %slice3A_708 = vector.extract_strided_slice %eq3A_609 {offsets = [10, 0, 0], sizes = [1, 8, 2040], strides = [1, 1, 1]} : vector<12x8x2040xi1> to vector<1x8x2040xi1>
    %squeeze3A_709 = vector.shape_cast %slice3A_708 : vector<1x8x2040xi1> to vector<8x2040xi1>
    %jit3A_710 = arith.constant 2.000000e+00 : f32
    %broadcast_in_dim3A_711 = vector.broadcast %jit3A_710 : f32 to vector<8x2040xf32>
    %select_n3A_712 = arith.select %squeeze3A_709, %broadcast_in_dim3A_711, %select_n3A_702 : vector<8x2040xi1>, vector<8x2040xf32>
    %slice3A_713 = vector.extract_strided_slice %eq3A_609 {offsets = [10, 0, 0], sizes = [1, 8, 2040], strides = [1, 1, 1]} : vector<12x8x2040xi1> to vector<1x8x2040xi1>
    %squeeze3A_714 = vector.shape_cast %slice3A_713 : vector<1x8x2040xi1> to vector<8x2040xi1>
    %jit3A_715 = arith.constant 10 : i32
    %broadcast_in_dim3A_716 = vector.broadcast %jit3A_715 : i32 to vector<8x2040xi32>
    %select_n3A_717 = arith.select %squeeze3A_714, %broadcast_in_dim3A_716, %select_n3A_707 : vector<8x2040xi1>, vector<8x2040xi32>
    %slice3A_718 = vector.extract_strided_slice %eq3A_609 {offsets = [11, 0, 0], sizes = [1, 8, 2040], strides = [1, 1, 1]} : vector<12x8x2040xi1> to vector<1x8x2040xi1>
    %squeeze3A_719 = vector.shape_cast %slice3A_718 : vector<1x8x2040xi1> to vector<8x2040xi1>
    %jit3A_720 = arith.constant 2.000000e+00 : f32
    %broadcast_in_dim3A_721 = vector.broadcast %jit3A_720 : f32 to vector<8x2040xf32>
    %select_n3A_722 = arith.select %squeeze3A_719, %broadcast_in_dim3A_721, %select_n3A_712 : vector<8x2040xi1>, vector<8x2040xf32>
    %slice3A_723 = vector.extract_strided_slice %eq3A_609 {offsets = [11, 0, 0], sizes = [1, 8, 2040], strides = [1, 1, 1]} : vector<12x8x2040xi1> to vector<1x8x2040xi1>
    %squeeze3A_724 = vector.shape_cast %slice3A_723 : vector<1x8x2040xi1> to vector<8x2040xi1>
    %jit3A_725 = arith.constant 11 : i32
    %broadcast_in_dim3A_726 = vector.broadcast %jit3A_725 : i32 to vector<8x2040xi32>
    %select_n3A_727 = arith.select %squeeze3A_724, %broadcast_in_dim3A_726, %select_n3A_717 : vector<8x2040xi1>, vector<8x2040xi32>
    %broadcast_in_dim3A_728 = arith.constant 0.000000e+00 : f32
    %broadcast_in_dim3A_729 = vector.broadcast %broadcast_in_dim3A_728 : f32 to vector<8x2040xf32>
    %broadcast_in_dim3A_730 = arith.constant 0.000000e+00 : f32
    %broadcast_in_dim3A_731 = vector.broadcast %broadcast_in_dim3A_730 : f32 to vector<8x2040xf32>
    %broadcast_in_dim3A_732 = arith.constant 0.000000e+00 : f32
    %broadcast_in_dim3A_733 = vector.broadcast %broadcast_in_dim3A_732 : f32 to vector<8x2040xf32>
    %broadcast_in_dim3A_734 = arith.constant 0.000000e+00 : f32
    %broadcast_in_dim3A_735 = vector.broadcast %broadcast_in_dim3A_734 : f32 to vector<8x2040xf32>
    %broadcast_in_dim3A_736 = arith.constant 0.000000e+00 : f32
    %broadcast_in_dim3A_737 = vector.broadcast %broadcast_in_dim3A_736 : f32 to vector<8x2040xf32>
    %eq3A_738 = arith.constant 0 : i32
    %eq3A_739 = vector.broadcast %eq3A_738 : i32 to vector<8x2040xi32>
    %eq3A_740 = arith.cmpi eq, %select_n3A_727, %eq3A_739 : vector<8x2040xi32>
    %get3A_741 = arith.constant 0 : index
    %get3A_742 = arith.constant 0 : index
    %get3A_743 = arith.constant 0 : index
    %get3A_744 = memref.load %arg1[%get3A_741, %get3A_742, %get3A_743] : memref<1x12x5xf32, #tpu.memory_space<smem>>
    %broadcast_in_dim3A_745 = vector.broadcast %get3A_744 : f32 to vector<8x2040xf32>
    %select_n3A_746 = arith.select %eq3A_740, %broadcast_in_dim3A_745, %broadcast_in_dim3A_729 : vector<8x2040xi1>, vector<8x2040xf32>
    %get3A_747 = arith.constant 0 : index
    %get3A_748 = arith.constant 0 : index
    %get3A_749 = arith.constant 1 : index
    %get3A_750 = memref.load %arg1[%get3A_747, %get3A_748, %get3A_749] : memref<1x12x5xf32, #tpu.memory_space<smem>>
    %broadcast_in_dim3A_751 = vector.broadcast %get3A_750 : f32 to vector<8x2040xf32>
    %select_n3A_752 = arith.select %eq3A_740, %broadcast_in_dim3A_751, %broadcast_in_dim3A_731 : vector<8x2040xi1>, vector<8x2040xf32>
    %get3A_753 = arith.constant 0 : index
    %get3A_754 = arith.constant 0 : index
    %get3A_755 = arith.constant 2 : index
    %get3A_756 = memref.load %arg1[%get3A_753, %get3A_754, %get3A_755] : memref<1x12x5xf32, #tpu.memory_space<smem>>
    %broadcast_in_dim3A_757 = vector.broadcast %get3A_756 : f32 to vector<8x2040xf32>
    %select_n3A_758 = arith.select %eq3A_740, %broadcast_in_dim3A_757, %broadcast_in_dim3A_733 : vector<8x2040xi1>, vector<8x2040xf32>
    %get3A_759 = arith.constant 0 : index
    %get3A_760 = arith.constant 0 : index
    %get3A_761 = arith.constant 3 : index
    %get3A_762 = memref.load %arg1[%get3A_759, %get3A_760, %get3A_761] : memref<1x12x5xf32, #tpu.memory_space<smem>>
    %broadcast_in_dim3A_763 = vector.broadcast %get3A_762 : f32 to vector<8x2040xf32>
    %select_n3A_764 = arith.select %eq3A_740, %broadcast_in_dim3A_763, %broadcast_in_dim3A_735 : vector<8x2040xi1>, vector<8x2040xf32>
    %get3A_765 = arith.constant 0 : index
    %get3A_766 = arith.constant 0 : index
    %get3A_767 = arith.constant 4 : index
    %get3A_768 = memref.load %arg1[%get3A_765, %get3A_766, %get3A_767] : memref<1x12x5xf32, #tpu.memory_space<smem>>
    %broadcast_in_dim3A_769 = vector.broadcast %get3A_768 : f32 to vector<8x2040xf32>
    %select_n3A_770 = arith.select %eq3A_740, %broadcast_in_dim3A_769, %broadcast_in_dim3A_737 : vector<8x2040xi1>, vector<8x2040xf32>
    %eq3A_771 = arith.constant 1 : i32
    %eq3A_772 = vector.broadcast %eq3A_771 : i32 to vector<8x2040xi32>
    %eq3A_773 = arith.cmpi eq, %select_n3A_727, %eq3A_772 : vector<8x2040xi32>
    %get3A_774 = arith.constant 0 : index
    %get3A_775 = arith.constant 1 : index
    %get3A_776 = arith.constant 0 : index
    %get3A_777 = memref.load %arg1[%get3A_774, %get3A_775, %get3A_776] : memref<1x12x5xf32, #tpu.memory_space<smem>>
    %broadcast_in_dim3A_778 = vector.broadcast %get3A_777 : f32 to vector<8x2040xf32>
    %select_n3A_779 = arith.select %eq3A_773, %broadcast_in_dim3A_778, %select_n3A_746 : vector<8x2040xi1>, vector<8x2040xf32>
    %get3A_780 = arith.constant 0 : index
    %get3A_781 = arith.constant 1 : index
    %get3A_782 = arith.constant 1 : index
    %get3A_783 = memref.load %arg1[%get3A_780, %get3A_781, %get3A_782] : memref<1x12x5xf32, #tpu.memory_space<smem>>
    %broadcast_in_dim3A_784 = vector.broadcast %get3A_783 : f32 to vector<8x2040xf32>
    %select_n3A_785 = arith.select %eq3A_773, %broadcast_in_dim3A_784, %select_n3A_752 : vector<8x2040xi1>, vector<8x2040xf32>
    %get3A_786 = arith.constant 0 : index
    %get3A_787 = arith.constant 1 : index
    %get3A_788 = arith.constant 2 : index
    %get3A_789 = memref.load %arg1[%get3A_786, %get3A_787, %get3A_788] : memref<1x12x5xf32, #tpu.memory_space<smem>>
    %broadcast_in_dim3A_790 = vector.broadcast %get3A_789 : f32 to vector<8x2040xf32>
    %select_n3A_791 = arith.select %eq3A_773, %broadcast_in_dim3A_790, %select_n3A_758 : vector<8x2040xi1>, vector<8x2040xf32>
    %get3A_792 = arith.constant 0 : index
    %get3A_793 = arith.constant 1 : index
    %get3A_794 = arith.constant 3 : index
    %get3A_795 = memref.load %arg1[%get3A_792, %get3A_793, %get3A_794] : memref<1x12x5xf32, #tpu.memory_space<smem>>
    %broadcast_in_dim3A_796 = vector.broadcast %get3A_795 : f32 to vector<8x2040xf32>
    %select_n3A_797 = arith.select %eq3A_773, %broadcast_in_dim3A_796, %select_n3A_764 : vector<8x2040xi1>, vector<8x2040xf32>
    %get3A_798 = arith.constant 0 : index
    %get3A_799 = arith.constant 1 : index
    %get3A_800 = arith.constant 4 : index
    %get3A_801 = memref.load %arg1[%get3A_798, %get3A_799, %get3A_800] : memref<1x12x5xf32, #tpu.memory_space<smem>>
    %broadcast_in_dim3A_802 = vector.broadcast %get3A_801 : f32 to vector<8x2040xf32>
    %select_n3A_803 = arith.select %eq3A_773, %broadcast_in_dim3A_802, %select_n3A_770 : vector<8x2040xi1>, vector<8x2040xf32>
    %eq3A_804 = arith.constant 2 : i32
    %eq3A_805 = vector.broadcast %eq3A_804 : i32 to vector<8x2040xi32>
    %eq3A_806 = arith.cmpi eq, %select_n3A_727, %eq3A_805 : vector<8x2040xi32>
    %get3A_807 = arith.constant 0 : index
    %get3A_808 = arith.constant 2 : index
    %get3A_809 = arith.constant 0 : index
    %get3A_810 = memref.load %arg1[%get3A_807, %get3A_808, %get3A_809] : memref<1x12x5xf32, #tpu.memory_space<smem>>
    %broadcast_in_dim3A_811 = vector.broadcast %get3A_810 : f32 to vector<8x2040xf32>
    %select_n3A_812 = arith.select %eq3A_806, %broadcast_in_dim3A_811, %select_n3A_779 : vector<8x2040xi1>, vector<8x2040xf32>
    %get3A_813 = arith.constant 0 : index
    %get3A_814 = arith.constant 2 : index
    %get3A_815 = arith.constant 1 : index
    %get3A_816 = memref.load %arg1[%get3A_813, %get3A_814, %get3A_815] : memref<1x12x5xf32, #tpu.memory_space<smem>>
    %broadcast_in_dim3A_817 = vector.broadcast %get3A_816 : f32 to vector<8x2040xf32>
    %select_n3A_818 = arith.select %eq3A_806, %broadcast_in_dim3A_817, %select_n3A_785 : vector<8x2040xi1>, vector<8x2040xf32>
    %get3A_819 = arith.constant 0 : index
    %get3A_820 = arith.constant 2 : index
    %get3A_821 = arith.constant 2 : index
    %get3A_822 = memref.load %arg1[%get3A_819, %get3A_820, %get3A_821] : memref<1x12x5xf32, #tpu.memory_space<smem>>
    %broadcast_in_dim3A_823 = vector.broadcast %get3A_822 : f32 to vector<8x2040xf32>
    %select_n3A_824 = arith.select %eq3A_806, %broadcast_in_dim3A_823, %select_n3A_791 : vector<8x2040xi1>, vector<8x2040xf32>
    %get3A_825 = arith.constant 0 : index
    %get3A_826 = arith.constant 2 : index
    %get3A_827 = arith.constant 3 : index
    %get3A_828 = memref.load %arg1[%get3A_825, %get3A_826, %get3A_827] : memref<1x12x5xf32, #tpu.memory_space<smem>>
    %broadcast_in_dim3A_829 = vector.broadcast %get3A_828 : f32 to vector<8x2040xf32>
    %select_n3A_830 = arith.select %eq3A_806, %broadcast_in_dim3A_829, %select_n3A_797 : vector<8x2040xi1>, vector<8x2040xf32>
    %get3A_831 = arith.constant 0 : index
    %get3A_832 = arith.constant 2 : index
    %get3A_833 = arith.constant 4 : index
    %get3A_834 = memref.load %arg1[%get3A_831, %get3A_832, %get3A_833] : memref<1x12x5xf32, #tpu.memory_space<smem>>
    %broadcast_in_dim3A_835 = vector.broadcast %get3A_834 : f32 to vector<8x2040xf32>
    %select_n3A_836 = arith.select %eq3A_806, %broadcast_in_dim3A_835, %select_n3A_803 : vector<8x2040xi1>, vector<8x2040xf32>
    %eq3A_837 = arith.constant 3 : i32
    %eq3A_838 = vector.broadcast %eq3A_837 : i32 to vector<8x2040xi32>
    %eq3A_839 = arith.cmpi eq, %select_n3A_727, %eq3A_838 : vector<8x2040xi32>
    %get3A_840 = arith.constant 0 : index
    %get3A_841 = arith.constant 3 : index
    %get3A_842 = arith.constant 0 : index
    %get3A_843 = memref.load %arg1[%get3A_840, %get3A_841, %get3A_842] : memref<1x12x5xf32, #tpu.memory_space<smem>>
    %broadcast_in_dim3A_844 = vector.broadcast %get3A_843 : f32 to vector<8x2040xf32>
    %select_n3A_845 = arith.select %eq3A_839, %broadcast_in_dim3A_844, %select_n3A_812 : vector<8x2040xi1>, vector<8x2040xf32>
    %get3A_846 = arith.constant 0 : index
    %get3A_847 = arith.constant 3 : index
    %get3A_848 = arith.constant 1 : index
    %get3A_849 = memref.load %arg1[%get3A_846, %get3A_847, %get3A_848] : memref<1x12x5xf32, #tpu.memory_space<smem>>
    %broadcast_in_dim3A_850 = vector.broadcast %get3A_849 : f32 to vector<8x2040xf32>
    %select_n3A_851 = arith.select %eq3A_839, %broadcast_in_dim3A_850, %select_n3A_818 : vector<8x2040xi1>, vector<8x2040xf32>
    %get3A_852 = arith.constant 0 : index
    %get3A_853 = arith.constant 3 : index
    %get3A_854 = arith.constant 2 : index
    %get3A_855 = memref.load %arg1[%get3A_852, %get3A_853, %get3A_854] : memref<1x12x5xf32, #tpu.memory_space<smem>>
    %broadcast_in_dim3A_856 = vector.broadcast %get3A_855 : f32 to vector<8x2040xf32>
    %select_n3A_857 = arith.select %eq3A_839, %broadcast_in_dim3A_856, %select_n3A_824 : vector<8x2040xi1>, vector<8x2040xf32>
    %get3A_858 = arith.constant 0 : index
    %get3A_859 = arith.constant 3 : index
    %get3A_860 = arith.constant 3 : index
    %get3A_861 = memref.load %arg1[%get3A_858, %get3A_859, %get3A_860] : memref<1x12x5xf32, #tpu.memory_space<smem>>
    %broadcast_in_dim3A_862 = vector.broadcast %get3A_861 : f32 to vector<8x2040xf32>
    %select_n3A_863 = arith.select %eq3A_839, %broadcast_in_dim3A_862, %select_n3A_830 : vector<8x2040xi1>, vector<8x2040xf32>
    %get3A_864 = arith.constant 0 : index
    %get3A_865 = arith.constant 3 : index
    %get3A_866 = arith.constant 4 : index
    %get3A_867 = memref.load %arg1[%get3A_864, %get3A_865, %get3A_866] : memref<1x12x5xf32, #tpu.memory_space<smem>>
    %broadcast_in_dim3A_868 = vector.broadcast %get3A_867 : f32 to vector<8x2040xf32>
    %select_n3A_869 = arith.select %eq3A_839, %broadcast_in_dim3A_868, %select_n3A_836 : vector<8x2040xi1>, vector<8x2040xf32>
    %eq3A_870 = arith.constant 4 : i32
    %eq3A_871 = vector.broadcast %eq3A_870 : i32 to vector<8x2040xi32>
    %eq3A_872 = arith.cmpi eq, %select_n3A_727, %eq3A_871 : vector<8x2040xi32>
    %get3A_873 = arith.constant 0 : index
    %get3A_874 = arith.constant 4 : index
    %get3A_875 = arith.constant 0 : index
    %get3A_876 = memref.load %arg1[%get3A_873, %get3A_874, %get3A_875] : memref<1x12x5xf32, #tpu.memory_space<smem>>
    %broadcast_in_dim3A_877 = vector.broadcast %get3A_876 : f32 to vector<8x2040xf32>
    %select_n3A_878 = arith.select %eq3A_872, %broadcast_in_dim3A_877, %select_n3A_845 : vector<8x2040xi1>, vector<8x2040xf32>
    %get3A_879 = arith.constant 0 : index
    %get3A_880 = arith.constant 4 : index
    %get3A_881 = arith.constant 1 : index
    %get3A_882 = memref.load %arg1[%get3A_879, %get3A_880, %get3A_881] : memref<1x12x5xf32, #tpu.memory_space<smem>>
    %broadcast_in_dim3A_883 = vector.broadcast %get3A_882 : f32 to vector<8x2040xf32>
    %select_n3A_884 = arith.select %eq3A_872, %broadcast_in_dim3A_883, %select_n3A_851 : vector<8x2040xi1>, vector<8x2040xf32>
    %get3A_885 = arith.constant 0 : index
    %get3A_886 = arith.constant 4 : index
    %get3A_887 = arith.constant 2 : index
    %get3A_888 = memref.load %arg1[%get3A_885, %get3A_886, %get3A_887] : memref<1x12x5xf32, #tpu.memory_space<smem>>
    %broadcast_in_dim3A_889 = vector.broadcast %get3A_888 : f32 to vector<8x2040xf32>
    %select_n3A_890 = arith.select %eq3A_872, %broadcast_in_dim3A_889, %select_n3A_857 : vector<8x2040xi1>, vector<8x2040xf32>
    %get3A_891 = arith.constant 0 : index
    %get3A_892 = arith.constant 4 : index
    %get3A_893 = arith.constant 3 : index
    %get3A_894 = memref.load %arg1[%get3A_891, %get3A_892, %get3A_893] : memref<1x12x5xf32, #tpu.memory_space<smem>>
    %broadcast_in_dim3A_895 = vector.broadcast %get3A_894 : f32 to vector<8x2040xf32>
    %select_n3A_896 = arith.select %eq3A_872, %broadcast_in_dim3A_895, %select_n3A_863 : vector<8x2040xi1>, vector<8x2040xf32>
    %get3A_897 = arith.constant 0 : index
    %get3A_898 = arith.constant 4 : index
    %get3A_899 = arith.constant 4 : index
    %get3A_900 = memref.load %arg1[%get3A_897, %get3A_898, %get3A_899] : memref<1x12x5xf32, #tpu.memory_space<smem>>
    %broadcast_in_dim3A_901 = vector.broadcast %get3A_900 : f32 to vector<8x2040xf32>
    %select_n3A_902 = arith.select %eq3A_872, %broadcast_in_dim3A_901, %select_n3A_869 : vector<8x2040xi1>, vector<8x2040xf32>
    %eq3A_903 = arith.constant 5 : i32
    %eq3A_904 = vector.broadcast %eq3A_903 : i32 to vector<8x2040xi32>
    %eq3A_905 = arith.cmpi eq, %select_n3A_727, %eq3A_904 : vector<8x2040xi32>
    %get3A_906 = arith.constant 0 : index
    %get3A_907 = arith.constant 5 : index
    %get3A_908 = arith.constant 0 : index
    %get3A_909 = memref.load %arg1[%get3A_906, %get3A_907, %get3A_908] : memref<1x12x5xf32, #tpu.memory_space<smem>>
    %broadcast_in_dim3A_910 = vector.broadcast %get3A_909 : f32 to vector<8x2040xf32>
    %select_n3A_911 = arith.select %eq3A_905, %broadcast_in_dim3A_910, %select_n3A_878 : vector<8x2040xi1>, vector<8x2040xf32>
    %get3A_912 = arith.constant 0 : index
    %get3A_913 = arith.constant 5 : index
    %get3A_914 = arith.constant 1 : index
    %get3A_915 = memref.load %arg1[%get3A_912, %get3A_913, %get3A_914] : memref<1x12x5xf32, #tpu.memory_space<smem>>
    %broadcast_in_dim3A_916 = vector.broadcast %get3A_915 : f32 to vector<8x2040xf32>
    %select_n3A_917 = arith.select %eq3A_905, %broadcast_in_dim3A_916, %select_n3A_884 : vector<8x2040xi1>, vector<8x2040xf32>
    %get3A_918 = arith.constant 0 : index
    %get3A_919 = arith.constant 5 : index
    %get3A_920 = arith.constant 2 : index
    %get3A_921 = memref.load %arg1[%get3A_918, %get3A_919, %get3A_920] : memref<1x12x5xf32, #tpu.memory_space<smem>>
    %broadcast_in_dim3A_922 = vector.broadcast %get3A_921 : f32 to vector<8x2040xf32>
    %select_n3A_923 = arith.select %eq3A_905, %broadcast_in_dim3A_922, %select_n3A_890 : vector<8x2040xi1>, vector<8x2040xf32>
    %get3A_924 = arith.constant 0 : index
    %get3A_925 = arith.constant 5 : index
    %get3A_926 = arith.constant 3 : index
    %get3A_927 = memref.load %arg1[%get3A_924, %get3A_925, %get3A_926] : memref<1x12x5xf32, #tpu.memory_space<smem>>
    %broadcast_in_dim3A_928 = vector.broadcast %get3A_927 : f32 to vector<8x2040xf32>
    %select_n3A_929 = arith.select %eq3A_905, %broadcast_in_dim3A_928, %select_n3A_896 : vector<8x2040xi1>, vector<8x2040xf32>
    %get3A_930 = arith.constant 0 : index
    %get3A_931 = arith.constant 5 : index
    %get3A_932 = arith.constant 4 : index
    %get3A_933 = memref.load %arg1[%get3A_930, %get3A_931, %get3A_932] : memref<1x12x5xf32, #tpu.memory_space<smem>>
    %broadcast_in_dim3A_934 = vector.broadcast %get3A_933 : f32 to vector<8x2040xf32>
    %select_n3A_935 = arith.select %eq3A_905, %broadcast_in_dim3A_934, %select_n3A_902 : vector<8x2040xi1>, vector<8x2040xf32>
    %eq3A_936 = arith.constant 6 : i32
    %eq3A_937 = vector.broadcast %eq3A_936 : i32 to vector<8x2040xi32>
    %eq3A_938 = arith.cmpi eq, %select_n3A_727, %eq3A_937 : vector<8x2040xi32>
    %get3A_939 = arith.constant 0 : index
    %get3A_940 = arith.constant 6 : index
    %get3A_941 = arith.constant 0 : index
    %get3A_942 = memref.load %arg1[%get3A_939, %get3A_940, %get3A_941] : memref<1x12x5xf32, #tpu.memory_space<smem>>
    %broadcast_in_dim3A_943 = vector.broadcast %get3A_942 : f32 to vector<8x2040xf32>
    %select_n3A_944 = arith.select %eq3A_938, %broadcast_in_dim3A_943, %select_n3A_911 : vector<8x2040xi1>, vector<8x2040xf32>
    %get3A_945 = arith.constant 0 : index
    %get3A_946 = arith.constant 6 : index
    %get3A_947 = arith.constant 1 : index
    %get3A_948 = memref.load %arg1[%get3A_945, %get3A_946, %get3A_947] : memref<1x12x5xf32, #tpu.memory_space<smem>>
    %broadcast_in_dim3A_949 = vector.broadcast %get3A_948 : f32 to vector<8x2040xf32>
    %select_n3A_950 = arith.select %eq3A_938, %broadcast_in_dim3A_949, %select_n3A_917 : vector<8x2040xi1>, vector<8x2040xf32>
    %get3A_951 = arith.constant 0 : index
    %get3A_952 = arith.constant 6 : index
    %get3A_953 = arith.constant 2 : index
    %get3A_954 = memref.load %arg1[%get3A_951, %get3A_952, %get3A_953] : memref<1x12x5xf32, #tpu.memory_space<smem>>
    %broadcast_in_dim3A_955 = vector.broadcast %get3A_954 : f32 to vector<8x2040xf32>
    %select_n3A_956 = arith.select %eq3A_938, %broadcast_in_dim3A_955, %select_n3A_923 : vector<8x2040xi1>, vector<8x2040xf32>
    %get3A_957 = arith.constant 0 : index
    %get3A_958 = arith.constant 6 : index
    %get3A_959 = arith.constant 3 : index
    %get3A_960 = memref.load %arg1[%get3A_957, %get3A_958, %get3A_959] : memref<1x12x5xf32, #tpu.memory_space<smem>>
    %broadcast_in_dim3A_961 = vector.broadcast %get3A_960 : f32 to vector<8x2040xf32>
    %select_n3A_962 = arith.select %eq3A_938, %broadcast_in_dim3A_961, %select_n3A_929 : vector<8x2040xi1>, vector<8x2040xf32>
    %get3A_963 = arith.constant 0 : index
    %get3A_964 = arith.constant 6 : index
    %get3A_965 = arith.constant 4 : index
    %get3A_966 = memref.load %arg1[%get3A_963, %get3A_964, %get3A_965] : memref<1x12x5xf32, #tpu.memory_space<smem>>
    %broadcast_in_dim3A_967 = vector.broadcast %get3A_966 : f32 to vector<8x2040xf32>
    %select_n3A_968 = arith.select %eq3A_938, %broadcast_in_dim3A_967, %select_n3A_935 : vector<8x2040xi1>, vector<8x2040xf32>
    %eq3A_969 = arith.constant 7 : i32
    %eq3A_970 = vector.broadcast %eq3A_969 : i32 to vector<8x2040xi32>
    %eq3A_971 = arith.cmpi eq, %select_n3A_727, %eq3A_970 : vector<8x2040xi32>
    %get3A_972 = arith.constant 0 : index
    %get3A_973 = arith.constant 7 : index
    %get3A_974 = arith.constant 0 : index
    %get3A_975 = memref.load %arg1[%get3A_972, %get3A_973, %get3A_974] : memref<1x12x5xf32, #tpu.memory_space<smem>>
    %broadcast_in_dim3A_976 = vector.broadcast %get3A_975 : f32 to vector<8x2040xf32>
    %select_n3A_977 = arith.select %eq3A_971, %broadcast_in_dim3A_976, %select_n3A_944 : vector<8x2040xi1>, vector<8x2040xf32>
    %get3A_978 = arith.constant 0 : index
    %get3A_979 = arith.constant 7 : index
    %get3A_980 = arith.constant 1 : index
    %get3A_981 = memref.load %arg1[%get3A_978, %get3A_979, %get3A_980] : memref<1x12x5xf32, #tpu.memory_space<smem>>
    %broadcast_in_dim3A_982 = vector.broadcast %get3A_981 : f32 to vector<8x2040xf32>
    %select_n3A_983 = arith.select %eq3A_971, %broadcast_in_dim3A_982, %select_n3A_950 : vector<8x2040xi1>, vector<8x2040xf32>
    %get3A_984 = arith.constant 0 : index
    %get3A_985 = arith.constant 7 : index
    %get3A_986 = arith.constant 2 : index
    %get3A_987 = memref.load %arg1[%get3A_984, %get3A_985, %get3A_986] : memref<1x12x5xf32, #tpu.memory_space<smem>>
    %broadcast_in_dim3A_988 = vector.broadcast %get3A_987 : f32 to vector<8x2040xf32>
    %select_n3A_989 = arith.select %eq3A_971, %broadcast_in_dim3A_988, %select_n3A_956 : vector<8x2040xi1>, vector<8x2040xf32>
    %get3A_990 = arith.constant 0 : index
    %get3A_991 = arith.constant 7 : index
    %get3A_992 = arith.constant 3 : index
    %get3A_993 = memref.load %arg1[%get3A_990, %get3A_991, %get3A_992] : memref<1x12x5xf32, #tpu.memory_space<smem>>
    %broadcast_in_dim3A_994 = vector.broadcast %get3A_993 : f32 to vector<8x2040xf32>
    %select_n3A_995 = arith.select %eq3A_971, %broadcast_in_dim3A_994, %select_n3A_962 : vector<8x2040xi1>, vector<8x2040xf32>
    %get3A_996 = arith.constant 0 : index
    %get3A_997 = arith.constant 7 : index
    %get3A_998 = arith.constant 4 : index
    %get3A_999 = memref.load %arg1[%get3A_996, %get3A_997, %get3A_998] : memref<1x12x5xf32, #tpu.memory_space<smem>>
    %broadcast_in_dim3A_1000 = vector.broadcast %get3A_999 : f32 to vector<8x2040xf32>
    %select_n3A_1001 = arith.select %eq3A_971, %broadcast_in_dim3A_1000, %select_n3A_968 : vector<8x2040xi1>, vector<8x2040xf32>
    %eq3A_1002 = arith.constant 8 : i32
    %eq3A_1003 = vector.broadcast %eq3A_1002 : i32 to vector<8x2040xi32>
    %eq3A_1004 = arith.cmpi eq, %select_n3A_727, %eq3A_1003 : vector<8x2040xi32>
    %get3A_1005 = arith.constant 0 : index
    %get3A_1006 = arith.constant 8 : index
    %get3A_1007 = arith.constant 0 : index
    %get3A_1008 = memref.load %arg1[%get3A_1005, %get3A_1006, %get3A_1007] : memref<1x12x5xf32, #tpu.memory_space<smem>>
    %broadcast_in_dim3A_1009 = vector.broadcast %get3A_1008 : f32 to vector<8x2040xf32>
    %select_n3A_1010 = arith.select %eq3A_1004, %broadcast_in_dim3A_1009, %select_n3A_977 : vector<8x2040xi1>, vector<8x2040xf32>
    %get3A_1011 = arith.constant 0 : index
    %get3A_1012 = arith.constant 8 : index
    %get3A_1013 = arith.constant 1 : index
    %get3A_1014 = memref.load %arg1[%get3A_1011, %get3A_1012, %get3A_1013] : memref<1x12x5xf32, #tpu.memory_space<smem>>
    %broadcast_in_dim3A_1015 = vector.broadcast %get3A_1014 : f32 to vector<8x2040xf32>
    %select_n3A_1016 = arith.select %eq3A_1004, %broadcast_in_dim3A_1015, %select_n3A_983 : vector<8x2040xi1>, vector<8x2040xf32>
    %get3A_1017 = arith.constant 0 : index
    %get3A_1018 = arith.constant 8 : index
    %get3A_1019 = arith.constant 2 : index
    %get3A_1020 = memref.load %arg1[%get3A_1017, %get3A_1018, %get3A_1019] : memref<1x12x5xf32, #tpu.memory_space<smem>>
    %broadcast_in_dim3A_1021 = vector.broadcast %get3A_1020 : f32 to vector<8x2040xf32>
    %select_n3A_1022 = arith.select %eq3A_1004, %broadcast_in_dim3A_1021, %select_n3A_989 : vector<8x2040xi1>, vector<8x2040xf32>
    %get3A_1023 = arith.constant 0 : index
    %get3A_1024 = arith.constant 8 : index
    %get3A_1025 = arith.constant 3 : index
    %get3A_1026 = memref.load %arg1[%get3A_1023, %get3A_1024, %get3A_1025] : memref<1x12x5xf32, #tpu.memory_space<smem>>
    %broadcast_in_dim3A_1027 = vector.broadcast %get3A_1026 : f32 to vector<8x2040xf32>
    %select_n3A_1028 = arith.select %eq3A_1004, %broadcast_in_dim3A_1027, %select_n3A_995 : vector<8x2040xi1>, vector<8x2040xf32>
    %get3A_1029 = arith.constant 0 : index
    %get3A_1030 = arith.constant 8 : index
    %get3A_1031 = arith.constant 4 : index
    %get3A_1032 = memref.load %arg1[%get3A_1029, %get3A_1030, %get3A_1031] : memref<1x12x5xf32, #tpu.memory_space<smem>>
    %broadcast_in_dim3A_1033 = vector.broadcast %get3A_1032 : f32 to vector<8x2040xf32>
    %select_n3A_1034 = arith.select %eq3A_1004, %broadcast_in_dim3A_1033, %select_n3A_1001 : vector<8x2040xi1>, vector<8x2040xf32>
    %eq3A_1035 = arith.constant 9 : i32
    %eq3A_1036 = vector.broadcast %eq3A_1035 : i32 to vector<8x2040xi32>
    %eq3A_1037 = arith.cmpi eq, %select_n3A_727, %eq3A_1036 : vector<8x2040xi32>
    %get3A_1038 = arith.constant 0 : index
    %get3A_1039 = arith.constant 9 : index
    %get3A_1040 = arith.constant 0 : index
    %get3A_1041 = memref.load %arg1[%get3A_1038, %get3A_1039, %get3A_1040] : memref<1x12x5xf32, #tpu.memory_space<smem>>
    %broadcast_in_dim3A_1042 = vector.broadcast %get3A_1041 : f32 to vector<8x2040xf32>
    %select_n3A_1043 = arith.select %eq3A_1037, %broadcast_in_dim3A_1042, %select_n3A_1010 : vector<8x2040xi1>, vector<8x2040xf32>
    %get3A_1044 = arith.constant 0 : index
    %get3A_1045 = arith.constant 9 : index
    %get3A_1046 = arith.constant 1 : index
    %get3A_1047 = memref.load %arg1[%get3A_1044, %get3A_1045, %get3A_1046] : memref<1x12x5xf32, #tpu.memory_space<smem>>
    %broadcast_in_dim3A_1048 = vector.broadcast %get3A_1047 : f32 to vector<8x2040xf32>
    %select_n3A_1049 = arith.select %eq3A_1037, %broadcast_in_dim3A_1048, %select_n3A_1016 : vector<8x2040xi1>, vector<8x2040xf32>
    %get3A_1050 = arith.constant 0 : index
    %get3A_1051 = arith.constant 9 : index
    %get3A_1052 = arith.constant 2 : index
    %get3A_1053 = memref.load %arg1[%get3A_1050, %get3A_1051, %get3A_1052] : memref<1x12x5xf32, #tpu.memory_space<smem>>
    %broadcast_in_dim3A_1054 = vector.broadcast %get3A_1053 : f32 to vector<8x2040xf32>
    %select_n3A_1055 = arith.select %eq3A_1037, %broadcast_in_dim3A_1054, %select_n3A_1022 : vector<8x2040xi1>, vector<8x2040xf32>
    %get3A_1056 = arith.constant 0 : index
    %get3A_1057 = arith.constant 9 : index
    %get3A_1058 = arith.constant 3 : index
    %get3A_1059 = memref.load %arg1[%get3A_1056, %get3A_1057, %get3A_1058] : memref<1x12x5xf32, #tpu.memory_space<smem>>
    %broadcast_in_dim3A_1060 = vector.broadcast %get3A_1059 : f32 to vector<8x2040xf32>
    %select_n3A_1061 = arith.select %eq3A_1037, %broadcast_in_dim3A_1060, %select_n3A_1028 : vector<8x2040xi1>, vector<8x2040xf32>
    %get3A_1062 = arith.constant 0 : index
    %get3A_1063 = arith.constant 9 : index
    %get3A_1064 = arith.constant 4 : index
    %get3A_1065 = memref.load %arg1[%get3A_1062, %get3A_1063, %get3A_1064] : memref<1x12x5xf32, #tpu.memory_space<smem>>
    %broadcast_in_dim3A_1066 = vector.broadcast %get3A_1065 : f32 to vector<8x2040xf32>
    %select_n3A_1067 = arith.select %eq3A_1037, %broadcast_in_dim3A_1066, %select_n3A_1034 : vector<8x2040xi1>, vector<8x2040xf32>
    %eq3A_1068 = arith.constant 10 : i32
    %eq3A_1069 = vector.broadcast %eq3A_1068 : i32 to vector<8x2040xi32>
    %eq3A_1070 = arith.cmpi eq, %select_n3A_727, %eq3A_1069 : vector<8x2040xi32>
    %get3A_1071 = arith.constant 0 : index
    %get3A_1072 = arith.constant 10 : index
    %get3A_1073 = arith.constant 0 : index
    %get3A_1074 = memref.load %arg1[%get3A_1071, %get3A_1072, %get3A_1073] : memref<1x12x5xf32, #tpu.memory_space<smem>>
    %broadcast_in_dim3A_1075 = vector.broadcast %get3A_1074 : f32 to vector<8x2040xf32>
    %select_n3A_1076 = arith.select %eq3A_1070, %broadcast_in_dim3A_1075, %select_n3A_1043 : vector<8x2040xi1>, vector<8x2040xf32>
    %get3A_1077 = arith.constant 0 : index
    %get3A_1078 = arith.constant 10 : index
    %get3A_1079 = arith.constant 1 : index
    %get3A_1080 = memref.load %arg1[%get3A_1077, %get3A_1078, %get3A_1079] : memref<1x12x5xf32, #tpu.memory_space<smem>>
    %broadcast_in_dim3A_1081 = vector.broadcast %get3A_1080 : f32 to vector<8x2040xf32>
    %select_n3A_1082 = arith.select %eq3A_1070, %broadcast_in_dim3A_1081, %select_n3A_1049 : vector<8x2040xi1>, vector<8x2040xf32>
    %get3A_1083 = arith.constant 0 : index
    %get3A_1084 = arith.constant 10 : index
    %get3A_1085 = arith.constant 2 : index
    %get3A_1086 = memref.load %arg1[%get3A_1083, %get3A_1084, %get3A_1085] : memref<1x12x5xf32, #tpu.memory_space<smem>>
    %broadcast_in_dim3A_1087 = vector.broadcast %get3A_1086 : f32 to vector<8x2040xf32>
    %select_n3A_1088 = arith.select %eq3A_1070, %broadcast_in_dim3A_1087, %select_n3A_1055 : vector<8x2040xi1>, vector<8x2040xf32>
    %get3A_1089 = arith.constant 0 : index
    %get3A_1090 = arith.constant 10 : index
    %get3A_1091 = arith.constant 3 : index
    %get3A_1092 = memref.load %arg1[%get3A_1089, %get3A_1090, %get3A_1091] : memref<1x12x5xf32, #tpu.memory_space<smem>>
    %broadcast_in_dim3A_1093 = vector.broadcast %get3A_1092 : f32 to vector<8x2040xf32>
    %select_n3A_1094 = arith.select %eq3A_1070, %broadcast_in_dim3A_1093, %select_n3A_1061 : vector<8x2040xi1>, vector<8x2040xf32>
    %get3A_1095 = arith.constant 0 : index
    %get3A_1096 = arith.constant 10 : index
    %get3A_1097 = arith.constant 4 : index
    %get3A_1098 = memref.load %arg1[%get3A_1095, %get3A_1096, %get3A_1097] : memref<1x12x5xf32, #tpu.memory_space<smem>>
    %broadcast_in_dim3A_1099 = vector.broadcast %get3A_1098 : f32 to vector<8x2040xf32>
    %select_n3A_1100 = arith.select %eq3A_1070, %broadcast_in_dim3A_1099, %select_n3A_1067 : vector<8x2040xi1>, vector<8x2040xf32>
    %eq3A_1101 = arith.constant 11 : i32
    %eq3A_1102 = vector.broadcast %eq3A_1101 : i32 to vector<8x2040xi32>
    %eq3A_1103 = arith.cmpi eq, %select_n3A_727, %eq3A_1102 : vector<8x2040xi32>
    %get3A_1104 = arith.constant 0 : index
    %get3A_1105 = arith.constant 11 : index
    %get3A_1106 = arith.constant 0 : index
    %get3A_1107 = memref.load %arg1[%get3A_1104, %get3A_1105, %get3A_1106] : memref<1x12x5xf32, #tpu.memory_space<smem>>
    %broadcast_in_dim3A_1108 = vector.broadcast %get3A_1107 : f32 to vector<8x2040xf32>
    %select_n3A_1109 = arith.select %eq3A_1103, %broadcast_in_dim3A_1108, %select_n3A_1076 : vector<8x2040xi1>, vector<8x2040xf32>
    %get3A_1110 = arith.constant 0 : index
    %get3A_1111 = arith.constant 11 : index
    %get3A_1112 = arith.constant 1 : index
    %get3A_1113 = memref.load %arg1[%get3A_1110, %get3A_1111, %get3A_1112] : memref<1x12x5xf32, #tpu.memory_space<smem>>
    %broadcast_in_dim3A_1114 = vector.broadcast %get3A_1113 : f32 to vector<8x2040xf32>
    %select_n3A_1115 = arith.select %eq3A_1103, %broadcast_in_dim3A_1114, %select_n3A_1082 : vector<8x2040xi1>, vector<8x2040xf32>
    %get3A_1116 = arith.constant 0 : index
    %get3A_1117 = arith.constant 11 : index
    %get3A_1118 = arith.constant 2 : index
    %get3A_1119 = memref.load %arg1[%get3A_1116, %get3A_1117, %get3A_1118] : memref<1x12x5xf32, #tpu.memory_space<smem>>
    %broadcast_in_dim3A_1120 = vector.broadcast %get3A_1119 : f32 to vector<8x2040xf32>
    %select_n3A_1121 = arith.select %eq3A_1103, %broadcast_in_dim3A_1120, %select_n3A_1088 : vector<8x2040xi1>, vector<8x2040xf32>
    %get3A_1122 = arith.constant 0 : index
    %get3A_1123 = arith.constant 11 : index
    %get3A_1124 = arith.constant 3 : index
    %get3A_1125 = memref.load %arg1[%get3A_1122, %get3A_1123, %get3A_1124] : memref<1x12x5xf32, #tpu.memory_space<smem>>
    %broadcast_in_dim3A_1126 = vector.broadcast %get3A_1125 : f32 to vector<8x2040xf32>
    %select_n3A_1127 = arith.select %eq3A_1103, %broadcast_in_dim3A_1126, %select_n3A_1094 : vector<8x2040xi1>, vector<8x2040xf32>
    %get3A_1128 = arith.constant 0 : index
    %get3A_1129 = arith.constant 11 : index
    %get3A_1130 = arith.constant 4 : index
    %get3A_1131 = memref.load %arg1[%get3A_1128, %get3A_1129, %get3A_1130] : memref<1x12x5xf32, #tpu.memory_space<smem>>
    %broadcast_in_dim3A_1132 = vector.broadcast %get3A_1131 : f32 to vector<8x2040xf32>
    %select_n3A_1133 = arith.select %eq3A_1103, %broadcast_in_dim3A_1132, %select_n3A_1100 : vector<8x2040xi1>, vector<8x2040xf32>
    %add3A_1134 = arith.addf %select_n3A_1109, %select_n3A_1121 : vector<8x2040xf32>
    %mul3A_1135 = arith.constant 5.000000e-01 : f32
    %mul3A_1136 = vector.broadcast %mul3A_1135 : f32 to vector<8x2040xf32>
    %mul3A_1137 = arith.mulf %add3A_1134, %mul3A_1136 : vector<8x2040xf32>
    %sub3A_1138 = arith.subf %mul3A_1137, %get3A_3 : vector<8x2040xf32>
    %mul3A_1139 = arith.constant 1.000000e-01 : f32
    %mul3A_1140 = vector.broadcast %mul3A_1139 : f32 to vector<8x2040xf32>
    %mul3A_1141 = arith.mulf %mul3A_1140, %get3A_13 : vector<8x2040xf32>
    %div3A_1142 = arith.divf %sub3A_1138, %mul3A_1141 : vector<8x2040xf32>
    %add3A_1143 = arith.addf %select_n3A_1115, %select_n3A_1127 : vector<8x2040xf32>
    %mul3A_1144 = arith.constant 5.000000e-01 : f32
    %mul3A_1145 = vector.broadcast %mul3A_1144 : f32 to vector<8x2040xf32>
    %mul3A_1146 = arith.mulf %add3A_1143, %mul3A_1145 : vector<8x2040xf32>
    %sub3A_1147 = arith.subf %mul3A_1146, %get3A_8 : vector<8x2040xf32>
    %mul3A_1148 = arith.constant 1.000000e-01 : f32
    %mul3A_1149 = vector.broadcast %mul3A_1148 : f32 to vector<8x2040xf32>
    %mul3A_1150 = arith.mulf %mul3A_1149, %get3A_18 : vector<8x2040xf32>
    %div3A_1151 = arith.divf %sub3A_1147, %mul3A_1150 : vector<8x2040xf32>
    %sub3A_1152 = arith.subf %select_n3A_1121, %select_n3A_1109 : vector<8x2040xf32>
    %div3A_1153 = arith.divf %sub3A_1152, %get3A_13 : vector<8x2040xf32>
    %add3A_1154 = arith.constant 9.99999974E-6 : f32
    %add3A_1155 = vector.broadcast %add3A_1154 : f32 to vector<8x2040xf32>
    %add3A_1156 = arith.addf %div3A_1153, %add3A_1155 : vector<8x2040xf32>
    %log3A = math.log %add3A_1156 : vector<8x2040xf32>
    %div3A_1157 = arith.constant 2.000000e-01 : f32
    %div3A_1158 = vector.broadcast %div3A_1157 : f32 to vector<8x2040xf32>
    %div3A_1159 = arith.divf %log3A, %div3A_1158 : vector<8x2040xf32>
    %sub3A_1160 = arith.subf %select_n3A_1127, %select_n3A_1115 : vector<8x2040xf32>
    %div3A_1161 = arith.divf %sub3A_1160, %get3A_18 : vector<8x2040xf32>
    %add3A_1162 = arith.constant 9.99999974E-6 : f32
    %add3A_1163 = vector.broadcast %add3A_1162 : f32 to vector<8x2040xf32>
    %add3A_1164 = arith.addf %div3A_1161, %add3A_1163 : vector<8x2040xf32>
    %log3A_1165 = math.log %add3A_1164 : vector<8x2040xf32>
    %div3A_1166 = arith.constant 2.000000e-01 : f32
    %div3A_1167 = vector.broadcast %div3A_1166 : f32 to vector<8x2040xf32>
    %div3A_1168 = arith.divf %log3A_1165, %div3A_1167 : vector<8x2040xf32>
    %lt3A = arith.constant 5.000000e-01 : f32
    %lt3A_1169 = vector.broadcast %lt3A : f32 to vector<8x2040xf32>
    %lt3A_1170 = arith.cmpf olt, %select_n3A_722, %lt3A_1169 : vector<8x2040xf32>
    %convert_element_type3A = arith.fptosi %select_n3A_1133 : vector<8x2040xf32> to vector<8x2040xi32>
    %jit3A_1171 = arith.constant 0 : i32
    %broadcast_in_dim3A_1172 = vector.broadcast %jit3A_1171 : i32 to vector<8x2040xi32>
    %select_n3A_1173 = arith.select %lt3A_1170, %broadcast_in_dim3A_1172, %convert_element_type3A : vector<8x2040xi1>, vector<8x2040xi32>
    %gt3A_1174 = arith.constant 0 : i32
    %gt3A_1175 = vector.broadcast %gt3A_1174 : i32 to vector<8x2040xi32>
    %gt3A_1176 = arith.cmpi sgt, %select_n3A_1173, %gt3A_1175 : vector<8x2040xi32>
    %convert_element_type3A_1177 = arith.extui %gt3A_1176 : vector<8x2040xi1> to vector<8x2040xi32>
    %convert_element_type3A_1178 = arith.sitofp %convert_element_type3A_1177 : vector<8x2040xi32> to vector<8x2040xf32>
    %get3A_1179 = arith.constant 0 : index
    %get3A_1180 = arith.constant 0 : index
    %get3A_1181 = arith.constant 0 : index
    %get3A_1182 = arith.constant 0 : index
    %get3A_1183 = vector.load %arg3[%get3A_1179, %get3A_1180, %get3A_1181, %get3A_1182] : memref<1x4x8x2040xf32, #tpu.memory_space<vmem>>, vector<1x1x8x2040xf32>
    %get3A_1184 = vector.shape_cast %get3A_1183 : vector<1x1x8x2040xf32> to vector<8x2040xf32>
    %sub3A_1185 = arith.subf %get3A_1184, %div3A_1142 : vector<8x2040xf32>
    %abs3A = math.absf %sub3A_1185 : vector<8x2040xf32>
    %lt3A_1186 = arith.constant 1.000000e+00 : f32
    %lt3A_1187 = vector.broadcast %lt3A_1186 : f32 to vector<8x2040xf32>
    %lt3A_1188 = arith.cmpf olt, %abs3A, %lt3A_1187 : vector<8x2040xf32>
    %mul3A_1189 = arith.constant 5.000000e-01 : f32
    %mul3A_1190 = vector.broadcast %mul3A_1189 : f32 to vector<8x2040xf32>
    %mul3A_1191 = arith.mulf %mul3A_1190, %sub3A_1185 : vector<8x2040xf32>
    %mul3A_1192 = arith.mulf %mul3A_1191, %sub3A_1185 : vector<8x2040xf32>
    %sub3A_1193 = arith.constant 5.000000e-01 : f32
    %sub3A_1194 = vector.broadcast %sub3A_1193 : f32 to vector<8x2040xf32>
    %sub3A_1195 = arith.subf %abs3A, %sub3A_1194 : vector<8x2040xf32>
    %select_n3A_1196 = arith.select %lt3A_1188, %mul3A_1192, %sub3A_1195 : vector<8x2040xi1>, vector<8x2040xf32>
    %mul3A_1197 = arith.mulf %select_n3A_1196, %convert_element_type3A_1178 : vector<8x2040xf32>
    %reduce_sum3A = vector.shape_cast %mul3A_1197 : vector<8x2040xf32> to vector<1x8x2040xf32>
    %reduce_sum3A_1198 = arith.constant dense<0.000000e+00> : vector<1xf32>
    %reduce_sum3A_1199 = vector.multi_reduction <add>, %reduce_sum3A, %reduce_sum3A_1198 [1, 2] : vector<1x8x2040xf32> to vector<1xf32>
    %reduce_sum3A_1200 = vector.shape_cast %reduce_sum3A_1199 : vector<1xf32> to vector<1x1x1xf32>
    %reduce_sum3A_1201 = vector.extract %reduce_sum3A_1200[0, 0, 0] : f32 from vector<1x1x1xf32>
    %add3A_1202 = arith.constant 0.000000e+00 : f32
    %add3A_1203 = arith.addf %add3A_1202, %reduce_sum3A_1201 : f32
    %get3A_1204 = arith.constant 0 : index
    %get3A_1205 = arith.constant 1 : index
    %get3A_1206 = arith.constant 0 : index
    %get3A_1207 = arith.constant 0 : index
    %get3A_1208 = vector.load %arg3[%get3A_1204, %get3A_1205, %get3A_1206, %get3A_1207] : memref<1x4x8x2040xf32, #tpu.memory_space<vmem>>, vector<1x1x8x2040xf32>
    %get3A_1209 = vector.shape_cast %get3A_1208 : vector<1x1x8x2040xf32> to vector<8x2040xf32>
    %sub3A_1210 = arith.subf %get3A_1209, %div3A_1151 : vector<8x2040xf32>
    %abs3A_1211 = math.absf %sub3A_1210 : vector<8x2040xf32>
    %lt3A_1212 = arith.constant 1.000000e+00 : f32
    %lt3A_1213 = vector.broadcast %lt3A_1212 : f32 to vector<8x2040xf32>
    %lt3A_1214 = arith.cmpf olt, %abs3A_1211, %lt3A_1213 : vector<8x2040xf32>
    %mul3A_1215 = arith.constant 5.000000e-01 : f32
    %mul3A_1216 = vector.broadcast %mul3A_1215 : f32 to vector<8x2040xf32>
    %mul3A_1217 = arith.mulf %mul3A_1216, %sub3A_1210 : vector<8x2040xf32>
    %mul3A_1218 = arith.mulf %mul3A_1217, %sub3A_1210 : vector<8x2040xf32>
    %sub3A_1219 = arith.constant 5.000000e-01 : f32
    %sub3A_1220 = vector.broadcast %sub3A_1219 : f32 to vector<8x2040xf32>
    %sub3A_1221 = arith.subf %abs3A_1211, %sub3A_1220 : vector<8x2040xf32>
    %select_n3A_1222 = arith.select %lt3A_1214, %mul3A_1218, %sub3A_1221 : vector<8x2040xi1>, vector<8x2040xf32>
    %mul3A_1223 = arith.mulf %select_n3A_1222, %convert_element_type3A_1178 : vector<8x2040xf32>
    %reduce_sum3A_1224 = vector.shape_cast %mul3A_1223 : vector<8x2040xf32> to vector<1x8x2040xf32>
    %reduce_sum3A_1225 = arith.constant dense<0.000000e+00> : vector<1xf32>
    %reduce_sum3A_1226 = vector.multi_reduction <add>, %reduce_sum3A_1224, %reduce_sum3A_1225 [1, 2] : vector<1x8x2040xf32> to vector<1xf32>
    %reduce_sum3A_1227 = vector.shape_cast %reduce_sum3A_1226 : vector<1xf32> to vector<1x1x1xf32>
    %reduce_sum3A_1228 = vector.extract %reduce_sum3A_1227[0, 0, 0] : f32 from vector<1x1x1xf32>
    %add3A_1229 = arith.addf %add3A_1203, %reduce_sum3A_1228 : f32
    %get3A_1230 = arith.constant 0 : index
    %get3A_1231 = arith.constant 2 : index
    %get3A_1232 = arith.constant 0 : index
    %get3A_1233 = arith.constant 0 : index
    %get3A_1234 = vector.load %arg3[%get3A_1230, %get3A_1231, %get3A_1232, %get3A_1233] : memref<1x4x8x2040xf32, #tpu.memory_space<vmem>>, vector<1x1x8x2040xf32>
    %get3A_1235 = vector.shape_cast %get3A_1234 : vector<1x1x8x2040xf32> to vector<8x2040xf32>
    %sub3A_1236 = arith.subf %get3A_1235, %div3A_1159 : vector<8x2040xf32>
    %abs3A_1237 = math.absf %sub3A_1236 : vector<8x2040xf32>
    %lt3A_1238 = arith.constant 1.000000e+00 : f32
    %lt3A_1239 = vector.broadcast %lt3A_1238 : f32 to vector<8x2040xf32>
    %lt3A_1240 = arith.cmpf olt, %abs3A_1237, %lt3A_1239 : vector<8x2040xf32>
    %mul3A_1241 = arith.constant 5.000000e-01 : f32
    %mul3A_1242 = vector.broadcast %mul3A_1241 : f32 to vector<8x2040xf32>
    %mul3A_1243 = arith.mulf %mul3A_1242, %sub3A_1236 : vector<8x2040xf32>
    %mul3A_1244 = arith.mulf %mul3A_1243, %sub3A_1236 : vector<8x2040xf32>
    %sub3A_1245 = arith.constant 5.000000e-01 : f32
    %sub3A_1246 = vector.broadcast %sub3A_1245 : f32 to vector<8x2040xf32>
    %sub3A_1247 = arith.subf %abs3A_1237, %sub3A_1246 : vector<8x2040xf32>
    %select_n3A_1248 = arith.select %lt3A_1240, %mul3A_1244, %sub3A_1247 : vector<8x2040xi1>, vector<8x2040xf32>
    %mul3A_1249 = arith.mulf %select_n3A_1248, %convert_element_type3A_1178 : vector<8x2040xf32>
    %reduce_sum3A_1250 = vector.shape_cast %mul3A_1249 : vector<8x2040xf32> to vector<1x8x2040xf32>
    %reduce_sum3A_1251 = arith.constant dense<0.000000e+00> : vector<1xf32>
    %reduce_sum3A_1252 = vector.multi_reduction <add>, %reduce_sum3A_1250, %reduce_sum3A_1251 [1, 2] : vector<1x8x2040xf32> to vector<1xf32>
    %reduce_sum3A_1253 = vector.shape_cast %reduce_sum3A_1252 : vector<1xf32> to vector<1x1x1xf32>
    %reduce_sum3A_1254 = vector.extract %reduce_sum3A_1253[0, 0, 0] : f32 from vector<1x1x1xf32>
    %add3A_1255 = arith.addf %add3A_1229, %reduce_sum3A_1254 : f32
    %get3A_1256 = arith.constant 0 : index
    %get3A_1257 = arith.constant 3 : index
    %get3A_1258 = arith.constant 0 : index
    %get3A_1259 = arith.constant 0 : index
    %get3A_1260 = vector.load %arg3[%get3A_1256, %get3A_1257, %get3A_1258, %get3A_1259] : memref<1x4x8x2040xf32, #tpu.memory_space<vmem>>, vector<1x1x8x2040xf32>
    %get3A_1261 = vector.shape_cast %get3A_1260 : vector<1x1x8x2040xf32> to vector<8x2040xf32>
    %sub3A_1262 = arith.subf %get3A_1261, %div3A_1168 : vector<8x2040xf32>
    %abs3A_1263 = math.absf %sub3A_1262 : vector<8x2040xf32>
    %lt3A_1264 = arith.constant 1.000000e+00 : f32
    %lt3A_1265 = vector.broadcast %lt3A_1264 : f32 to vector<8x2040xf32>
    %lt3A_1266 = arith.cmpf olt, %abs3A_1263, %lt3A_1265 : vector<8x2040xf32>
    %mul3A_1267 = arith.constant 5.000000e-01 : f32
    %mul3A_1268 = vector.broadcast %mul3A_1267 : f32 to vector<8x2040xf32>
    %mul3A_1269 = arith.mulf %mul3A_1268, %sub3A_1262 : vector<8x2040xf32>
    %mul3A_1270 = arith.mulf %mul3A_1269, %sub3A_1262 : vector<8x2040xf32>
    %sub3A_1271 = arith.constant 5.000000e-01 : f32
    %sub3A_1272 = vector.broadcast %sub3A_1271 : f32 to vector<8x2040xf32>
    %sub3A_1273 = arith.subf %abs3A_1263, %sub3A_1272 : vector<8x2040xf32>
    %select_n3A_1274 = arith.select %lt3A_1266, %mul3A_1270, %sub3A_1273 : vector<8x2040xi1>, vector<8x2040xf32>
    %mul3A_1275 = arith.mulf %select_n3A_1274, %convert_element_type3A_1178 : vector<8x2040xf32>
    %reduce_sum3A_1276 = vector.shape_cast %mul3A_1275 : vector<8x2040xf32> to vector<1x8x2040xf32>
    %reduce_sum3A_1277 = arith.constant dense<0.000000e+00> : vector<1xf32>
    %reduce_sum3A_1278 = vector.multi_reduction <add>, %reduce_sum3A_1276, %reduce_sum3A_1277 [1, 2] : vector<1x8x2040xf32> to vector<1xf32>
    %reduce_sum3A_1279 = vector.shape_cast %reduce_sum3A_1278 : vector<1xf32> to vector<1x1x1xf32>
    %reduce_sum3A_1280 = vector.extract %reduce_sum3A_1279[0, 0, 0] : f32 from vector<1x1x1xf32>
    %add3A_1281 = arith.addf %add3A_1255, %reduce_sum3A_1280 : f32
    %get3A_1282 = arith.constant 0 : index
    %get3A_1283 = arith.constant 0 : index
    %get3A_1284 = arith.constant 0 : index
    %get3A_1285 = arith.constant 0 : index
    %get3A_1286 = vector.load %arg4[%get3A_1282, %get3A_1283, %get3A_1284, %get3A_1285] : memref<1x21x8x2040xf32, #tpu.memory_space<vmem>>, vector<1x1x8x2040xf32>
    %get3A_1287 = vector.shape_cast %get3A_1286 : vector<1x1x8x2040xf32> to vector<8x2040xf32>
    %get3A_1288 = arith.constant 0 : index
    %get3A_1289 = arith.constant 1 : index
    %get3A_1290 = arith.constant 0 : index
    %get3A_1291 = arith.constant 0 : index
    %get3A_1292 = vector.load %arg4[%get3A_1288, %get3A_1289, %get3A_1290, %get3A_1291] : memref<1x21x8x2040xf32, #tpu.memory_space<vmem>>, vector<1x1x8x2040xf32>
    %get3A_1293 = vector.shape_cast %get3A_1292 : vector<1x1x8x2040xf32> to vector<8x2040xf32>
    %max3A_1294 = arith.maximumf %get3A_1287, %get3A_1293 : vector<8x2040xf32>
    %get3A_1295 = arith.constant 0 : index
    %get3A_1296 = arith.constant 2 : index
    %get3A_1297 = arith.constant 0 : index
    %get3A_1298 = arith.constant 0 : index
    %get3A_1299 = vector.load %arg4[%get3A_1295, %get3A_1296, %get3A_1297, %get3A_1298] : memref<1x21x8x2040xf32, #tpu.memory_space<vmem>>, vector<1x1x8x2040xf32>
    %get3A_1300 = vector.shape_cast %get3A_1299 : vector<1x1x8x2040xf32> to vector<8x2040xf32>
    %max3A_1301 = arith.maximumf %max3A_1294, %get3A_1300 : vector<8x2040xf32>
    %get3A_1302 = arith.constant 0 : index
    %get3A_1303 = arith.constant 3 : index
    %get3A_1304 = arith.constant 0 : index
    %get3A_1305 = arith.constant 0 : index
    %get3A_1306 = vector.load %arg4[%get3A_1302, %get3A_1303, %get3A_1304, %get3A_1305] : memref<1x21x8x2040xf32, #tpu.memory_space<vmem>>, vector<1x1x8x2040xf32>
    %get3A_1307 = vector.shape_cast %get3A_1306 : vector<1x1x8x2040xf32> to vector<8x2040xf32>
    %max3A_1308 = arith.maximumf %max3A_1301, %get3A_1307 : vector<8x2040xf32>
    %get3A_1309 = arith.constant 0 : index
    %get3A_1310 = arith.constant 4 : index
    %get3A_1311 = arith.constant 0 : index
    %get3A_1312 = arith.constant 0 : index
    %get3A_1313 = vector.load %arg4[%get3A_1309, %get3A_1310, %get3A_1311, %get3A_1312] : memref<1x21x8x2040xf32, #tpu.memory_space<vmem>>, vector<1x1x8x2040xf32>
    %get3A_1314 = vector.shape_cast %get3A_1313 : vector<1x1x8x2040xf32> to vector<8x2040xf32>
    %max3A_1315 = arith.maximumf %max3A_1308, %get3A_1314 : vector<8x2040xf32>
    %get3A_1316 = arith.constant 0 : index
    %get3A_1317 = arith.constant 5 : index
    %get3A_1318 = arith.constant 0 : index
    %get3A_1319 = arith.constant 0 : index
    %get3A_1320 = vector.load %arg4[%get3A_1316, %get3A_1317, %get3A_1318, %get3A_1319] : memref<1x21x8x2040xf32, #tpu.memory_space<vmem>>, vector<1x1x8x2040xf32>
    %get3A_1321 = vector.shape_cast %get3A_1320 : vector<1x1x8x2040xf32> to vector<8x2040xf32>
    %max3A_1322 = arith.maximumf %max3A_1315, %get3A_1321 : vector<8x2040xf32>
    %get3A_1323 = arith.constant 0 : index
    %get3A_1324 = arith.constant 6 : index
    %get3A_1325 = arith.constant 0 : index
    %get3A_1326 = arith.constant 0 : index
    %get3A_1327 = vector.load %arg4[%get3A_1323, %get3A_1324, %get3A_1325, %get3A_1326] : memref<1x21x8x2040xf32, #tpu.memory_space<vmem>>, vector<1x1x8x2040xf32>
    %get3A_1328 = vector.shape_cast %get3A_1327 : vector<1x1x8x2040xf32> to vector<8x2040xf32>
    %max3A_1329 = arith.maximumf %max3A_1322, %get3A_1328 : vector<8x2040xf32>
    %get3A_1330 = arith.constant 0 : index
    %get3A_1331 = arith.constant 7 : index
    %get3A_1332 = arith.constant 0 : index
    %get3A_1333 = arith.constant 0 : index
    %get3A_1334 = vector.load %arg4[%get3A_1330, %get3A_1331, %get3A_1332, %get3A_1333] : memref<1x21x8x2040xf32, #tpu.memory_space<vmem>>, vector<1x1x8x2040xf32>
    %get3A_1335 = vector.shape_cast %get3A_1334 : vector<1x1x8x2040xf32> to vector<8x2040xf32>
    %max3A_1336 = arith.maximumf %max3A_1329, %get3A_1335 : vector<8x2040xf32>
    %get3A_1337 = arith.constant 0 : index
    %get3A_1338 = arith.constant 8 : index
    %get3A_1339 = arith.constant 0 : index
    %get3A_1340 = arith.constant 0 : index
    %get3A_1341 = vector.load %arg4[%get3A_1337, %get3A_1338, %get3A_1339, %get3A_1340] : memref<1x21x8x2040xf32, #tpu.memory_space<vmem>>, vector<1x1x8x2040xf32>
    %get3A_1342 = vector.shape_cast %get3A_1341 : vector<1x1x8x2040xf32> to vector<8x2040xf32>
    %max3A_1343 = arith.maximumf %max3A_1336, %get3A_1342 : vector<8x2040xf32>
    %get3A_1344 = arith.constant 0 : index
    %get3A_1345 = arith.constant 9 : index
    %get3A_1346 = arith.constant 0 : index
    %get3A_1347 = arith.constant 0 : index
    %get3A_1348 = vector.load %arg4[%get3A_1344, %get3A_1345, %get3A_1346, %get3A_1347] : memref<1x21x8x2040xf32, #tpu.memory_space<vmem>>, vector<1x1x8x2040xf32>
    %get3A_1349 = vector.shape_cast %get3A_1348 : vector<1x1x8x2040xf32> to vector<8x2040xf32>
    %max3A_1350 = arith.maximumf %max3A_1343, %get3A_1349 : vector<8x2040xf32>
    %get3A_1351 = arith.constant 0 : index
    %get3A_1352 = arith.constant 10 : index
    %get3A_1353 = arith.constant 0 : index
    %get3A_1354 = arith.constant 0 : index
    %get3A_1355 = vector.load %arg4[%get3A_1351, %get3A_1352, %get3A_1353, %get3A_1354] : memref<1x21x8x2040xf32, #tpu.memory_space<vmem>>, vector<1x1x8x2040xf32>
    %get3A_1356 = vector.shape_cast %get3A_1355 : vector<1x1x8x2040xf32> to vector<8x2040xf32>
    %max3A_1357 = arith.maximumf %max3A_1350, %get3A_1356 : vector<8x2040xf32>
    %get3A_1358 = arith.constant 0 : index
    %get3A_1359 = arith.constant 11 : index
    %get3A_1360 = arith.constant 0 : index
    %get3A_1361 = arith.constant 0 : index
    %get3A_1362 = vector.load %arg4[%get3A_1358, %get3A_1359, %get3A_1360, %get3A_1361] : memref<1x21x8x2040xf32, #tpu.memory_space<vmem>>, vector<1x1x8x2040xf32>
    %get3A_1363 = vector.shape_cast %get3A_1362 : vector<1x1x8x2040xf32> to vector<8x2040xf32>
    %max3A_1364 = arith.maximumf %max3A_1357, %get3A_1363 : vector<8x2040xf32>
    %get3A_1365 = arith.constant 0 : index
    %get3A_1366 = arith.constant 12 : index
    %get3A_1367 = arith.constant 0 : index
    %get3A_1368 = arith.constant 0 : index
    %get3A_1369 = vector.load %arg4[%get3A_1365, %get3A_1366, %get3A_1367, %get3A_1368] : memref<1x21x8x2040xf32, #tpu.memory_space<vmem>>, vector<1x1x8x2040xf32>
    %get3A_1370 = vector.shape_cast %get3A_1369 : vector<1x1x8x2040xf32> to vector<8x2040xf32>
    %max3A_1371 = arith.maximumf %max3A_1364, %get3A_1370 : vector<8x2040xf32>
    %get3A_1372 = arith.constant 0 : index
    %get3A_1373 = arith.constant 13 : index
    %get3A_1374 = arith.constant 0 : index
    %get3A_1375 = arith.constant 0 : index
    %get3A_1376 = vector.load %arg4[%get3A_1372, %get3A_1373, %get3A_1374, %get3A_1375] : memref<1x21x8x2040xf32, #tpu.memory_space<vmem>>, vector<1x1x8x2040xf32>
    %get3A_1377 = vector.shape_cast %get3A_1376 : vector<1x1x8x2040xf32> to vector<8x2040xf32>
    %max3A_1378 = arith.maximumf %max3A_1371, %get3A_1377 : vector<8x2040xf32>
    %get3A_1379 = arith.constant 0 : index
    %get3A_1380 = arith.constant 14 : index
    %get3A_1381 = arith.constant 0 : index
    %get3A_1382 = arith.constant 0 : index
    %get3A_1383 = vector.load %arg4[%get3A_1379, %get3A_1380, %get3A_1381, %get3A_1382] : memref<1x21x8x2040xf32, #tpu.memory_space<vmem>>, vector<1x1x8x2040xf32>
    %get3A_1384 = vector.shape_cast %get3A_1383 : vector<1x1x8x2040xf32> to vector<8x2040xf32>
    %max3A_1385 = arith.maximumf %max3A_1378, %get3A_1384 : vector<8x2040xf32>
    %get3A_1386 = arith.constant 0 : index
    %get3A_1387 = arith.constant 15 : index
    %get3A_1388 = arith.constant 0 : index
    %get3A_1389 = arith.constant 0 : index
    %get3A_1390 = vector.load %arg4[%get3A_1386, %get3A_1387, %get3A_1388, %get3A_1389] : memref<1x21x8x2040xf32, #tpu.memory_space<vmem>>, vector<1x1x8x2040xf32>
    %get3A_1391 = vector.shape_cast %get3A_1390 : vector<1x1x8x2040xf32> to vector<8x2040xf32>
    %max3A_1392 = arith.maximumf %max3A_1385, %get3A_1391 : vector<8x2040xf32>
    %get3A_1393 = arith.constant 0 : index
    %get3A_1394 = arith.constant 16 : index
    %get3A_1395 = arith.constant 0 : index
    %get3A_1396 = arith.constant 0 : index
    %get3A_1397 = vector.load %arg4[%get3A_1393, %get3A_1394, %get3A_1395, %get3A_1396] : memref<1x21x8x2040xf32, #tpu.memory_space<vmem>>, vector<1x1x8x2040xf32>
    %get3A_1398 = vector.shape_cast %get3A_1397 : vector<1x1x8x2040xf32> to vector<8x2040xf32>
    %max3A_1399 = arith.maximumf %max3A_1392, %get3A_1398 : vector<8x2040xf32>
    %get3A_1400 = arith.constant 0 : index
    %get3A_1401 = arith.constant 17 : index
    %get3A_1402 = arith.constant 0 : index
    %get3A_1403 = arith.constant 0 : index
    %get3A_1404 = vector.load %arg4[%get3A_1400, %get3A_1401, %get3A_1402, %get3A_1403] : memref<1x21x8x2040xf32, #tpu.memory_space<vmem>>, vector<1x1x8x2040xf32>
    %get3A_1405 = vector.shape_cast %get3A_1404 : vector<1x1x8x2040xf32> to vector<8x2040xf32>
    %max3A_1406 = arith.maximumf %max3A_1399, %get3A_1405 : vector<8x2040xf32>
    %get3A_1407 = arith.constant 0 : index
    %get3A_1408 = arith.constant 18 : index
    %get3A_1409 = arith.constant 0 : index
    %get3A_1410 = arith.constant 0 : index
    %get3A_1411 = vector.load %arg4[%get3A_1407, %get3A_1408, %get3A_1409, %get3A_1410] : memref<1x21x8x2040xf32, #tpu.memory_space<vmem>>, vector<1x1x8x2040xf32>
    %get3A_1412 = vector.shape_cast %get3A_1411 : vector<1x1x8x2040xf32> to vector<8x2040xf32>
    %max3A_1413 = arith.maximumf %max3A_1406, %get3A_1412 : vector<8x2040xf32>
    %get3A_1414 = arith.constant 0 : index
    %get3A_1415 = arith.constant 19 : index
    %get3A_1416 = arith.constant 0 : index
    %get3A_1417 = arith.constant 0 : index
    %get3A_1418 = vector.load %arg4[%get3A_1414, %get3A_1415, %get3A_1416, %get3A_1417] : memref<1x21x8x2040xf32, #tpu.memory_space<vmem>>, vector<1x1x8x2040xf32>
    %get3A_1419 = vector.shape_cast %get3A_1418 : vector<1x1x8x2040xf32> to vector<8x2040xf32>
    %max3A_1420 = arith.maximumf %max3A_1413, %get3A_1419 : vector<8x2040xf32>
    %get3A_1421 = arith.constant 0 : index
    %get3A_1422 = arith.constant 20 : index
    %get3A_1423 = arith.constant 0 : index
    %get3A_1424 = arith.constant 0 : index
    %get3A_1425 = vector.load %arg4[%get3A_1421, %get3A_1422, %get3A_1423, %get3A_1424] : memref<1x21x8x2040xf32, #tpu.memory_space<vmem>>, vector<1x1x8x2040xf32>
    %get3A_1426 = vector.shape_cast %get3A_1425 : vector<1x1x8x2040xf32> to vector<8x2040xf32>
    %max3A_1427 = arith.maximumf %max3A_1420, %get3A_1426 : vector<8x2040xf32>
    %broadcast_in_dim3A_1428 = arith.constant 0.000000e+00 : f32
    %broadcast_in_dim3A_1429 = vector.broadcast %broadcast_in_dim3A_1428 : f32 to vector<8x2040xf32>
    %get3A_1430 = arith.constant 0 : index
    %get3A_1431 = arith.constant 0 : index
    %get3A_1432 = arith.constant 0 : index
    %get3A_1433 = arith.constant 0 : index
    %get3A_1434 = vector.load %arg4[%get3A_1430, %get3A_1431, %get3A_1432, %get3A_1433] : memref<1x21x8x2040xf32, #tpu.memory_space<vmem>>, vector<1x1x8x2040xf32>
    %get3A_1435 = vector.shape_cast %get3A_1434 : vector<1x1x8x2040xf32> to vector<8x2040xf32>
    %sub3A_1436 = arith.subf %get3A_1435, %max3A_1427 : vector<8x2040xf32>
    %exp3A = math.exp %sub3A_1436 : vector<8x2040xf32>
    %add3A_1437 = arith.addf %broadcast_in_dim3A_1429, %exp3A : vector<8x2040xf32>
    %get3A_1438 = arith.constant 0 : index
    %get3A_1439 = arith.constant 1 : index
    %get3A_1440 = arith.constant 0 : index
    %get3A_1441 = arith.constant 0 : index
    %get3A_1442 = vector.load %arg4[%get3A_1438, %get3A_1439, %get3A_1440, %get3A_1441] : memref<1x21x8x2040xf32, #tpu.memory_space<vmem>>, vector<1x1x8x2040xf32>
    %get3A_1443 = vector.shape_cast %get3A_1442 : vector<1x1x8x2040xf32> to vector<8x2040xf32>
    %sub3A_1444 = arith.subf %get3A_1443, %max3A_1427 : vector<8x2040xf32>
    %exp3A_1445 = math.exp %sub3A_1444 : vector<8x2040xf32>
    %add3A_1446 = arith.addf %add3A_1437, %exp3A_1445 : vector<8x2040xf32>
    %get3A_1447 = arith.constant 0 : index
    %get3A_1448 = arith.constant 2 : index
    %get3A_1449 = arith.constant 0 : index
    %get3A_1450 = arith.constant 0 : index
    %get3A_1451 = vector.load %arg4[%get3A_1447, %get3A_1448, %get3A_1449, %get3A_1450] : memref<1x21x8x2040xf32, #tpu.memory_space<vmem>>, vector<1x1x8x2040xf32>
    %get3A_1452 = vector.shape_cast %get3A_1451 : vector<1x1x8x2040xf32> to vector<8x2040xf32>
    %sub3A_1453 = arith.subf %get3A_1452, %max3A_1427 : vector<8x2040xf32>
    %exp3A_1454 = math.exp %sub3A_1453 : vector<8x2040xf32>
    %add3A_1455 = arith.addf %add3A_1446, %exp3A_1454 : vector<8x2040xf32>
    %get3A_1456 = arith.constant 0 : index
    %get3A_1457 = arith.constant 3 : index
    %get3A_1458 = arith.constant 0 : index
    %get3A_1459 = arith.constant 0 : index
    %get3A_1460 = vector.load %arg4[%get3A_1456, %get3A_1457, %get3A_1458, %get3A_1459] : memref<1x21x8x2040xf32, #tpu.memory_space<vmem>>, vector<1x1x8x2040xf32>
    %get3A_1461 = vector.shape_cast %get3A_1460 : vector<1x1x8x2040xf32> to vector<8x2040xf32>
    %sub3A_1462 = arith.subf %get3A_1461, %max3A_1427 : vector<8x2040xf32>
    %exp3A_1463 = math.exp %sub3A_1462 : vector<8x2040xf32>
    %add3A_1464 = arith.addf %add3A_1455, %exp3A_1463 : vector<8x2040xf32>
    %get3A_1465 = arith.constant 0 : index
    %get3A_1466 = arith.constant 4 : index
    %get3A_1467 = arith.constant 0 : index
    %get3A_1468 = arith.constant 0 : index
    %get3A_1469 = vector.load %arg4[%get3A_1465, %get3A_1466, %get3A_1467, %get3A_1468] : memref<1x21x8x2040xf32, #tpu.memory_space<vmem>>, vector<1x1x8x2040xf32>
    %get3A_1470 = vector.shape_cast %get3A_1469 : vector<1x1x8x2040xf32> to vector<8x2040xf32>
    %sub3A_1471 = arith.subf %get3A_1470, %max3A_1427 : vector<8x2040xf32>
    %exp3A_1472 = math.exp %sub3A_1471 : vector<8x2040xf32>
    %add3A_1473 = arith.addf %add3A_1464, %exp3A_1472 : vector<8x2040xf32>
    %get3A_1474 = arith.constant 0 : index
    %get3A_1475 = arith.constant 5 : index
    %get3A_1476 = arith.constant 0 : index
    %get3A_1477 = arith.constant 0 : index
    %get3A_1478 = vector.load %arg4[%get3A_1474, %get3A_1475, %get3A_1476, %get3A_1477] : memref<1x21x8x2040xf32, #tpu.memory_space<vmem>>, vector<1x1x8x2040xf32>
    %get3A_1479 = vector.shape_cast %get3A_1478 : vector<1x1x8x2040xf32> to vector<8x2040xf32>
    %sub3A_1480 = arith.subf %get3A_1479, %max3A_1427 : vector<8x2040xf32>
    %exp3A_1481 = math.exp %sub3A_1480 : vector<8x2040xf32>
    %add3A_1482 = arith.addf %add3A_1473, %exp3A_1481 : vector<8x2040xf32>
    %get3A_1483 = arith.constant 0 : index
    %get3A_1484 = arith.constant 6 : index
    %get3A_1485 = arith.constant 0 : index
    %get3A_1486 = arith.constant 0 : index
    %get3A_1487 = vector.load %arg4[%get3A_1483, %get3A_1484, %get3A_1485, %get3A_1486] : memref<1x21x8x2040xf32, #tpu.memory_space<vmem>>, vector<1x1x8x2040xf32>
    %get3A_1488 = vector.shape_cast %get3A_1487 : vector<1x1x8x2040xf32> to vector<8x2040xf32>
    %sub3A_1489 = arith.subf %get3A_1488, %max3A_1427 : vector<8x2040xf32>
    %exp3A_1490 = math.exp %sub3A_1489 : vector<8x2040xf32>
    %add3A_1491 = arith.addf %add3A_1482, %exp3A_1490 : vector<8x2040xf32>
    %get3A_1492 = arith.constant 0 : index
    %get3A_1493 = arith.constant 7 : index
    %get3A_1494 = arith.constant 0 : index
    %get3A_1495 = arith.constant 0 : index
    %get3A_1496 = vector.load %arg4[%get3A_1492, %get3A_1493, %get3A_1494, %get3A_1495] : memref<1x21x8x2040xf32, #tpu.memory_space<vmem>>, vector<1x1x8x2040xf32>
    %get3A_1497 = vector.shape_cast %get3A_1496 : vector<1x1x8x2040xf32> to vector<8x2040xf32>
    %sub3A_1498 = arith.subf %get3A_1497, %max3A_1427 : vector<8x2040xf32>
    %exp3A_1499 = math.exp %sub3A_1498 : vector<8x2040xf32>
    %add3A_1500 = arith.addf %add3A_1491, %exp3A_1499 : vector<8x2040xf32>
    %get3A_1501 = arith.constant 0 : index
    %get3A_1502 = arith.constant 8 : index
    %get3A_1503 = arith.constant 0 : index
    %get3A_1504 = arith.constant 0 : index
    %get3A_1505 = vector.load %arg4[%get3A_1501, %get3A_1502, %get3A_1503, %get3A_1504] : memref<1x21x8x2040xf32, #tpu.memory_space<vmem>>, vector<1x1x8x2040xf32>
    %get3A_1506 = vector.shape_cast %get3A_1505 : vector<1x1x8x2040xf32> to vector<8x2040xf32>
    %sub3A_1507 = arith.subf %get3A_1506, %max3A_1427 : vector<8x2040xf32>
    %exp3A_1508 = math.exp %sub3A_1507 : vector<8x2040xf32>
    %add3A_1509 = arith.addf %add3A_1500, %exp3A_1508 : vector<8x2040xf32>
    %get3A_1510 = arith.constant 0 : index
    %get3A_1511 = arith.constant 9 : index
    %get3A_1512 = arith.constant 0 : index
    %get3A_1513 = arith.constant 0 : index
    %get3A_1514 = vector.load %arg4[%get3A_1510, %get3A_1511, %get3A_1512, %get3A_1513] : memref<1x21x8x2040xf32, #tpu.memory_space<vmem>>, vector<1x1x8x2040xf32>
    %get3A_1515 = vector.shape_cast %get3A_1514 : vector<1x1x8x2040xf32> to vector<8x2040xf32>
    %sub3A_1516 = arith.subf %get3A_1515, %max3A_1427 : vector<8x2040xf32>
    %exp3A_1517 = math.exp %sub3A_1516 : vector<8x2040xf32>
    %add3A_1518 = arith.addf %add3A_1509, %exp3A_1517 : vector<8x2040xf32>
    %get3A_1519 = arith.constant 0 : index
    %get3A_1520 = arith.constant 10 : index
    %get3A_1521 = arith.constant 0 : index
    %get3A_1522 = arith.constant 0 : index
    %get3A_1523 = vector.load %arg4[%get3A_1519, %get3A_1520, %get3A_1521, %get3A_1522] : memref<1x21x8x2040xf32, #tpu.memory_space<vmem>>, vector<1x1x8x2040xf32>
    %get3A_1524 = vector.shape_cast %get3A_1523 : vector<1x1x8x2040xf32> to vector<8x2040xf32>
    %sub3A_1525 = arith.subf %get3A_1524, %max3A_1427 : vector<8x2040xf32>
    %exp3A_1526 = math.exp %sub3A_1525 : vector<8x2040xf32>
    %add3A_1527 = arith.addf %add3A_1518, %exp3A_1526 : vector<8x2040xf32>
    %get3A_1528 = arith.constant 0 : index
    %get3A_1529 = arith.constant 11 : index
    %get3A_1530 = arith.constant 0 : index
    %get3A_1531 = arith.constant 0 : index
    %get3A_1532 = vector.load %arg4[%get3A_1528, %get3A_1529, %get3A_1530, %get3A_1531] : memref<1x21x8x2040xf32, #tpu.memory_space<vmem>>, vector<1x1x8x2040xf32>
    %get3A_1533 = vector.shape_cast %get3A_1532 : vector<1x1x8x2040xf32> to vector<8x2040xf32>
    %sub3A_1534 = arith.subf %get3A_1533, %max3A_1427 : vector<8x2040xf32>
    %exp3A_1535 = math.exp %sub3A_1534 : vector<8x2040xf32>
    %add3A_1536 = arith.addf %add3A_1527, %exp3A_1535 : vector<8x2040xf32>
    %get3A_1537 = arith.constant 0 : index
    %get3A_1538 = arith.constant 12 : index
    %get3A_1539 = arith.constant 0 : index
    %get3A_1540 = arith.constant 0 : index
    %get3A_1541 = vector.load %arg4[%get3A_1537, %get3A_1538, %get3A_1539, %get3A_1540] : memref<1x21x8x2040xf32, #tpu.memory_space<vmem>>, vector<1x1x8x2040xf32>
    %get3A_1542 = vector.shape_cast %get3A_1541 : vector<1x1x8x2040xf32> to vector<8x2040xf32>
    %sub3A_1543 = arith.subf %get3A_1542, %max3A_1427 : vector<8x2040xf32>
    %exp3A_1544 = math.exp %sub3A_1543 : vector<8x2040xf32>
    %add3A_1545 = arith.addf %add3A_1536, %exp3A_1544 : vector<8x2040xf32>
    %get3A_1546 = arith.constant 0 : index
    %get3A_1547 = arith.constant 13 : index
    %get3A_1548 = arith.constant 0 : index
    %get3A_1549 = arith.constant 0 : index
    %get3A_1550 = vector.load %arg4[%get3A_1546, %get3A_1547, %get3A_1548, %get3A_1549] : memref<1x21x8x2040xf32, #tpu.memory_space<vmem>>, vector<1x1x8x2040xf32>
    %get3A_1551 = vector.shape_cast %get3A_1550 : vector<1x1x8x2040xf32> to vector<8x2040xf32>
    %sub3A_1552 = arith.subf %get3A_1551, %max3A_1427 : vector<8x2040xf32>
    %exp3A_1553 = math.exp %sub3A_1552 : vector<8x2040xf32>
    %add3A_1554 = arith.addf %add3A_1545, %exp3A_1553 : vector<8x2040xf32>
    %get3A_1555 = arith.constant 0 : index
    %get3A_1556 = arith.constant 14 : index
    %get3A_1557 = arith.constant 0 : index
    %get3A_1558 = arith.constant 0 : index
    %get3A_1559 = vector.load %arg4[%get3A_1555, %get3A_1556, %get3A_1557, %get3A_1558] : memref<1x21x8x2040xf32, #tpu.memory_space<vmem>>, vector<1x1x8x2040xf32>
    %get3A_1560 = vector.shape_cast %get3A_1559 : vector<1x1x8x2040xf32> to vector<8x2040xf32>
    %sub3A_1561 = arith.subf %get3A_1560, %max3A_1427 : vector<8x2040xf32>
    %exp3A_1562 = math.exp %sub3A_1561 : vector<8x2040xf32>
    %add3A_1563 = arith.addf %add3A_1554, %exp3A_1562 : vector<8x2040xf32>
    %get3A_1564 = arith.constant 0 : index
    %get3A_1565 = arith.constant 15 : index
    %get3A_1566 = arith.constant 0 : index
    %get3A_1567 = arith.constant 0 : index
    %get3A_1568 = vector.load %arg4[%get3A_1564, %get3A_1565, %get3A_1566, %get3A_1567] : memref<1x21x8x2040xf32, #tpu.memory_space<vmem>>, vector<1x1x8x2040xf32>
    %get3A_1569 = vector.shape_cast %get3A_1568 : vector<1x1x8x2040xf32> to vector<8x2040xf32>
    %sub3A_1570 = arith.subf %get3A_1569, %max3A_1427 : vector<8x2040xf32>
    %exp3A_1571 = math.exp %sub3A_1570 : vector<8x2040xf32>
    %add3A_1572 = arith.addf %add3A_1563, %exp3A_1571 : vector<8x2040xf32>
    %get3A_1573 = arith.constant 0 : index
    %get3A_1574 = arith.constant 16 : index
    %get3A_1575 = arith.constant 0 : index
    %get3A_1576 = arith.constant 0 : index
    %get3A_1577 = vector.load %arg4[%get3A_1573, %get3A_1574, %get3A_1575, %get3A_1576] : memref<1x21x8x2040xf32, #tpu.memory_space<vmem>>, vector<1x1x8x2040xf32>
    %get3A_1578 = vector.shape_cast %get3A_1577 : vector<1x1x8x2040xf32> to vector<8x2040xf32>
    %sub3A_1579 = arith.subf %get3A_1578, %max3A_1427 : vector<8x2040xf32>
    %exp3A_1580 = math.exp %sub3A_1579 : vector<8x2040xf32>
    %add3A_1581 = arith.addf %add3A_1572, %exp3A_1580 : vector<8x2040xf32>
    %get3A_1582 = arith.constant 0 : index
    %get3A_1583 = arith.constant 17 : index
    %get3A_1584 = arith.constant 0 : index
    %get3A_1585 = arith.constant 0 : index
    %get3A_1586 = vector.load %arg4[%get3A_1582, %get3A_1583, %get3A_1584, %get3A_1585] : memref<1x21x8x2040xf32, #tpu.memory_space<vmem>>, vector<1x1x8x2040xf32>
    %get3A_1587 = vector.shape_cast %get3A_1586 : vector<1x1x8x2040xf32> to vector<8x2040xf32>
    %sub3A_1588 = arith.subf %get3A_1587, %max3A_1427 : vector<8x2040xf32>
    %exp3A_1589 = math.exp %sub3A_1588 : vector<8x2040xf32>
    %add3A_1590 = arith.addf %add3A_1581, %exp3A_1589 : vector<8x2040xf32>
    %get3A_1591 = arith.constant 0 : index
    %get3A_1592 = arith.constant 18 : index
    %get3A_1593 = arith.constant 0 : index
    %get3A_1594 = arith.constant 0 : index
    %get3A_1595 = vector.load %arg4[%get3A_1591, %get3A_1592, %get3A_1593, %get3A_1594] : memref<1x21x8x2040xf32, #tpu.memory_space<vmem>>, vector<1x1x8x2040xf32>
    %get3A_1596 = vector.shape_cast %get3A_1595 : vector<1x1x8x2040xf32> to vector<8x2040xf32>
    %sub3A_1597 = arith.subf %get3A_1596, %max3A_1427 : vector<8x2040xf32>
    %exp3A_1598 = math.exp %sub3A_1597 : vector<8x2040xf32>
    %add3A_1599 = arith.addf %add3A_1590, %exp3A_1598 : vector<8x2040xf32>
    %get3A_1600 = arith.constant 0 : index
    %get3A_1601 = arith.constant 19 : index
    %get3A_1602 = arith.constant 0 : index
    %get3A_1603 = arith.constant 0 : index
    %get3A_1604 = vector.load %arg4[%get3A_1600, %get3A_1601, %get3A_1602, %get3A_1603] : memref<1x21x8x2040xf32, #tpu.memory_space<vmem>>, vector<1x1x8x2040xf32>
    %get3A_1605 = vector.shape_cast %get3A_1604 : vector<1x1x8x2040xf32> to vector<8x2040xf32>
    %sub3A_1606 = arith.subf %get3A_1605, %max3A_1427 : vector<8x2040xf32>
    %exp3A_1607 = math.exp %sub3A_1606 : vector<8x2040xf32>
    %add3A_1608 = arith.addf %add3A_1599, %exp3A_1607 : vector<8x2040xf32>
    %get3A_1609 = arith.constant 0 : index
    %get3A_1610 = arith.constant 20 : index
    %get3A_1611 = arith.constant 0 : index
    %get3A_1612 = arith.constant 0 : index
    %get3A_1613 = vector.load %arg4[%get3A_1609, %get3A_1610, %get3A_1611, %get3A_1612] : memref<1x21x8x2040xf32, #tpu.memory_space<vmem>>, vector<1x1x8x2040xf32>
    %get3A_1614 = vector.shape_cast %get3A_1613 : vector<1x1x8x2040xf32> to vector<8x2040xf32>
    %sub3A_1615 = arith.subf %get3A_1614, %max3A_1427 : vector<8x2040xf32>
    %exp3A_1616 = math.exp %sub3A_1615 : vector<8x2040xf32>
    %add3A_1617 = arith.addf %add3A_1608, %exp3A_1616 : vector<8x2040xf32>
    %log3A_1618 = math.log %add3A_1617 : vector<8x2040xf32>
    %add3A_1619 = arith.addf %log3A_1618, %max3A_1427 : vector<8x2040xf32>
    %broadcast_in_dim3A_1620 = arith.constant 0.000000e+00 : f32
    %broadcast_in_dim3A_1621 = vector.broadcast %broadcast_in_dim3A_1620 : f32 to vector<8x2040xf32>
    %eq3A_1622 = arith.constant 0 : i32
    %eq3A_1623 = vector.broadcast %eq3A_1622 : i32 to vector<8x2040xi32>
    %eq3A_1624 = arith.cmpi eq, %select_n3A_1173, %eq3A_1623 : vector<8x2040xi32>
    %get3A_1625 = arith.constant 0 : index
    %get3A_1626 = arith.constant 0 : index
    %get3A_1627 = arith.constant 0 : index
    %get3A_1628 = arith.constant 0 : index
    %get3A_1629 = vector.load %arg4[%get3A_1625, %get3A_1626, %get3A_1627, %get3A_1628] : memref<1x21x8x2040xf32, #tpu.memory_space<vmem>>, vector<1x1x8x2040xf32>
    %get3A_1630 = vector.shape_cast %get3A_1629 : vector<1x1x8x2040xf32> to vector<8x2040xf32>
    %select_n3A_1631 = arith.select %eq3A_1624, %get3A_1630, %broadcast_in_dim3A_1621 : vector<8x2040xi1>, vector<8x2040xf32>
    %eq3A_1632 = arith.constant 1 : i32
    %eq3A_1633 = vector.broadcast %eq3A_1632 : i32 to vector<8x2040xi32>
    %eq3A_1634 = arith.cmpi eq, %select_n3A_1173, %eq3A_1633 : vector<8x2040xi32>
    %get3A_1635 = arith.constant 0 : index
    %get3A_1636 = arith.constant 1 : index
    %get3A_1637 = arith.constant 0 : index
    %get3A_1638 = arith.constant 0 : index
    %get3A_1639 = vector.load %arg4[%get3A_1635, %get3A_1636, %get3A_1637, %get3A_1638] : memref<1x21x8x2040xf32, #tpu.memory_space<vmem>>, vector<1x1x8x2040xf32>
    %get3A_1640 = vector.shape_cast %get3A_1639 : vector<1x1x8x2040xf32> to vector<8x2040xf32>
    %select_n3A_1641 = arith.select %eq3A_1634, %get3A_1640, %select_n3A_1631 : vector<8x2040xi1>, vector<8x2040xf32>
    %eq3A_1642 = arith.constant 2 : i32
    %eq3A_1643 = vector.broadcast %eq3A_1642 : i32 to vector<8x2040xi32>
    %eq3A_1644 = arith.cmpi eq, %select_n3A_1173, %eq3A_1643 : vector<8x2040xi32>
    %get3A_1645 = arith.constant 0 : index
    %get3A_1646 = arith.constant 2 : index
    %get3A_1647 = arith.constant 0 : index
    %get3A_1648 = arith.constant 0 : index
    %get3A_1649 = vector.load %arg4[%get3A_1645, %get3A_1646, %get3A_1647, %get3A_1648] : memref<1x21x8x2040xf32, #tpu.memory_space<vmem>>, vector<1x1x8x2040xf32>
    %get3A_1650 = vector.shape_cast %get3A_1649 : vector<1x1x8x2040xf32> to vector<8x2040xf32>
    %select_n3A_1651 = arith.select %eq3A_1644, %get3A_1650, %select_n3A_1641 : vector<8x2040xi1>, vector<8x2040xf32>
    %eq3A_1652 = arith.constant 3 : i32
    %eq3A_1653 = vector.broadcast %eq3A_1652 : i32 to vector<8x2040xi32>
    %eq3A_1654 = arith.cmpi eq, %select_n3A_1173, %eq3A_1653 : vector<8x2040xi32>
    %get3A_1655 = arith.constant 0 : index
    %get3A_1656 = arith.constant 3 : index
    %get3A_1657 = arith.constant 0 : index
    %get3A_1658 = arith.constant 0 : index
    %get3A_1659 = vector.load %arg4[%get3A_1655, %get3A_1656, %get3A_1657, %get3A_1658] : memref<1x21x8x2040xf32, #tpu.memory_space<vmem>>, vector<1x1x8x2040xf32>
    %get3A_1660 = vector.shape_cast %get3A_1659 : vector<1x1x8x2040xf32> to vector<8x2040xf32>
    %select_n3A_1661 = arith.select %eq3A_1654, %get3A_1660, %select_n3A_1651 : vector<8x2040xi1>, vector<8x2040xf32>
    %eq3A_1662 = arith.constant 4 : i32
    %eq3A_1663 = vector.broadcast %eq3A_1662 : i32 to vector<8x2040xi32>
    %eq3A_1664 = arith.cmpi eq, %select_n3A_1173, %eq3A_1663 : vector<8x2040xi32>
    %get3A_1665 = arith.constant 0 : index
    %get3A_1666 = arith.constant 4 : index
    %get3A_1667 = arith.constant 0 : index
    %get3A_1668 = arith.constant 0 : index
    %get3A_1669 = vector.load %arg4[%get3A_1665, %get3A_1666, %get3A_1667, %get3A_1668] : memref<1x21x8x2040xf32, #tpu.memory_space<vmem>>, vector<1x1x8x2040xf32>
    %get3A_1670 = vector.shape_cast %get3A_1669 : vector<1x1x8x2040xf32> to vector<8x2040xf32>
    %select_n3A_1671 = arith.select %eq3A_1664, %get3A_1670, %select_n3A_1661 : vector<8x2040xi1>, vector<8x2040xf32>
    %eq3A_1672 = arith.constant 5 : i32
    %eq3A_1673 = vector.broadcast %eq3A_1672 : i32 to vector<8x2040xi32>
    %eq3A_1674 = arith.cmpi eq, %select_n3A_1173, %eq3A_1673 : vector<8x2040xi32>
    %get3A_1675 = arith.constant 0 : index
    %get3A_1676 = arith.constant 5 : index
    %get3A_1677 = arith.constant 0 : index
    %get3A_1678 = arith.constant 0 : index
    %get3A_1679 = vector.load %arg4[%get3A_1675, %get3A_1676, %get3A_1677, %get3A_1678] : memref<1x21x8x2040xf32, #tpu.memory_space<vmem>>, vector<1x1x8x2040xf32>
    %get3A_1680 = vector.shape_cast %get3A_1679 : vector<1x1x8x2040xf32> to vector<8x2040xf32>
    %select_n3A_1681 = arith.select %eq3A_1674, %get3A_1680, %select_n3A_1671 : vector<8x2040xi1>, vector<8x2040xf32>
    %eq3A_1682 = arith.constant 6 : i32
    %eq3A_1683 = vector.broadcast %eq3A_1682 : i32 to vector<8x2040xi32>
    %eq3A_1684 = arith.cmpi eq, %select_n3A_1173, %eq3A_1683 : vector<8x2040xi32>
    %get3A_1685 = arith.constant 0 : index
    %get3A_1686 = arith.constant 6 : index
    %get3A_1687 = arith.constant 0 : index
    %get3A_1688 = arith.constant 0 : index
    %get3A_1689 = vector.load %arg4[%get3A_1685, %get3A_1686, %get3A_1687, %get3A_1688] : memref<1x21x8x2040xf32, #tpu.memory_space<vmem>>, vector<1x1x8x2040xf32>
    %get3A_1690 = vector.shape_cast %get3A_1689 : vector<1x1x8x2040xf32> to vector<8x2040xf32>
    %select_n3A_1691 = arith.select %eq3A_1684, %get3A_1690, %select_n3A_1681 : vector<8x2040xi1>, vector<8x2040xf32>
    %eq3A_1692 = arith.constant 7 : i32
    %eq3A_1693 = vector.broadcast %eq3A_1692 : i32 to vector<8x2040xi32>
    %eq3A_1694 = arith.cmpi eq, %select_n3A_1173, %eq3A_1693 : vector<8x2040xi32>
    %get3A_1695 = arith.constant 0 : index
    %get3A_1696 = arith.constant 7 : index
    %get3A_1697 = arith.constant 0 : index
    %get3A_1698 = arith.constant 0 : index
    %get3A_1699 = vector.load %arg4[%get3A_1695, %get3A_1696, %get3A_1697, %get3A_1698] : memref<1x21x8x2040xf32, #tpu.memory_space<vmem>>, vector<1x1x8x2040xf32>
    %get3A_1700 = vector.shape_cast %get3A_1699 : vector<1x1x8x2040xf32> to vector<8x2040xf32>
    %select_n3A_1701 = arith.select %eq3A_1694, %get3A_1700, %select_n3A_1691 : vector<8x2040xi1>, vector<8x2040xf32>
    %eq3A_1702 = arith.constant 8 : i32
    %eq3A_1703 = vector.broadcast %eq3A_1702 : i32 to vector<8x2040xi32>
    %eq3A_1704 = arith.cmpi eq, %select_n3A_1173, %eq3A_1703 : vector<8x2040xi32>
    %get3A_1705 = arith.constant 0 : index
    %get3A_1706 = arith.constant 8 : index
    %get3A_1707 = arith.constant 0 : index
    %get3A_1708 = arith.constant 0 : index
    %get3A_1709 = vector.load %arg4[%get3A_1705, %get3A_1706, %get3A_1707, %get3A_1708] : memref<1x21x8x2040xf32, #tpu.memory_space<vmem>>, vector<1x1x8x2040xf32>
    %get3A_1710 = vector.shape_cast %get3A_1709 : vector<1x1x8x2040xf32> to vector<8x2040xf32>
    %select_n3A_1711 = arith.select %eq3A_1704, %get3A_1710, %select_n3A_1701 : vector<8x2040xi1>, vector<8x2040xf32>
    %eq3A_1712 = arith.constant 9 : i32
    %eq3A_1713 = vector.broadcast %eq3A_1712 : i32 to vector<8x2040xi32>
    %eq3A_1714 = arith.cmpi eq, %select_n3A_1173, %eq3A_1713 : vector<8x2040xi32>
    %get3A_1715 = arith.constant 0 : index
    %get3A_1716 = arith.constant 9 : index
    %get3A_1717 = arith.constant 0 : index
    %get3A_1718 = arith.constant 0 : index
    %get3A_1719 = vector.load %arg4[%get3A_1715, %get3A_1716, %get3A_1717, %get3A_1718] : memref<1x21x8x2040xf32, #tpu.memory_space<vmem>>, vector<1x1x8x2040xf32>
    %get3A_1720 = vector.shape_cast %get3A_1719 : vector<1x1x8x2040xf32> to vector<8x2040xf32>
    %select_n3A_1721 = arith.select %eq3A_1714, %get3A_1720, %select_n3A_1711 : vector<8x2040xi1>, vector<8x2040xf32>
    %eq3A_1722 = arith.constant 10 : i32
    %eq3A_1723 = vector.broadcast %eq3A_1722 : i32 to vector<8x2040xi32>
    %eq3A_1724 = arith.cmpi eq, %select_n3A_1173, %eq3A_1723 : vector<8x2040xi32>
    %get3A_1725 = arith.constant 0 : index
    %get3A_1726 = arith.constant 10 : index
    %get3A_1727 = arith.constant 0 : index
    %get3A_1728 = arith.constant 0 : index
    %get3A_1729 = vector.load %arg4[%get3A_1725, %get3A_1726, %get3A_1727, %get3A_1728] : memref<1x21x8x2040xf32, #tpu.memory_space<vmem>>, vector<1x1x8x2040xf32>
    %get3A_1730 = vector.shape_cast %get3A_1729 : vector<1x1x8x2040xf32> to vector<8x2040xf32>
    %select_n3A_1731 = arith.select %eq3A_1724, %get3A_1730, %select_n3A_1721 : vector<8x2040xi1>, vector<8x2040xf32>
    %eq3A_1732 = arith.constant 11 : i32
    %eq3A_1733 = vector.broadcast %eq3A_1732 : i32 to vector<8x2040xi32>
    %eq3A_1734 = arith.cmpi eq, %select_n3A_1173, %eq3A_1733 : vector<8x2040xi32>
    %get3A_1735 = arith.constant 0 : index
    %get3A_1736 = arith.constant 11 : index
    %get3A_1737 = arith.constant 0 : index
    %get3A_1738 = arith.constant 0 : index
    %get3A_1739 = vector.load %arg4[%get3A_1735, %get3A_1736, %get3A_1737, %get3A_1738] : memref<1x21x8x2040xf32, #tpu.memory_space<vmem>>, vector<1x1x8x2040xf32>
    %get3A_1740 = vector.shape_cast %get3A_1739 : vector<1x1x8x2040xf32> to vector<8x2040xf32>
    %select_n3A_1741 = arith.select %eq3A_1734, %get3A_1740, %select_n3A_1731 : vector<8x2040xi1>, vector<8x2040xf32>
    %eq3A_1742 = arith.constant 12 : i32
    %eq3A_1743 = vector.broadcast %eq3A_1742 : i32 to vector<8x2040xi32>
    %eq3A_1744 = arith.cmpi eq, %select_n3A_1173, %eq3A_1743 : vector<8x2040xi32>
    %get3A_1745 = arith.constant 0 : index
    %get3A_1746 = arith.constant 12 : index
    %get3A_1747 = arith.constant 0 : index
    %get3A_1748 = arith.constant 0 : index
    %get3A_1749 = vector.load %arg4[%get3A_1745, %get3A_1746, %get3A_1747, %get3A_1748] : memref<1x21x8x2040xf32, #tpu.memory_space<vmem>>, vector<1x1x8x2040xf32>
    %get3A_1750 = vector.shape_cast %get3A_1749 : vector<1x1x8x2040xf32> to vector<8x2040xf32>
    %select_n3A_1751 = arith.select %eq3A_1744, %get3A_1750, %select_n3A_1741 : vector<8x2040xi1>, vector<8x2040xf32>
    %eq3A_1752 = arith.constant 13 : i32
    %eq3A_1753 = vector.broadcast %eq3A_1752 : i32 to vector<8x2040xi32>
    %eq3A_1754 = arith.cmpi eq, %select_n3A_1173, %eq3A_1753 : vector<8x2040xi32>
    %get3A_1755 = arith.constant 0 : index
    %get3A_1756 = arith.constant 13 : index
    %get3A_1757 = arith.constant 0 : index
    %get3A_1758 = arith.constant 0 : index
    %get3A_1759 = vector.load %arg4[%get3A_1755, %get3A_1756, %get3A_1757, %get3A_1758] : memref<1x21x8x2040xf32, #tpu.memory_space<vmem>>, vector<1x1x8x2040xf32>
    %get3A_1760 = vector.shape_cast %get3A_1759 : vector<1x1x8x2040xf32> to vector<8x2040xf32>
    %select_n3A_1761 = arith.select %eq3A_1754, %get3A_1760, %select_n3A_1751 : vector<8x2040xi1>, vector<8x2040xf32>
    %eq3A_1762 = arith.constant 14 : i32
    %eq3A_1763 = vector.broadcast %eq3A_1762 : i32 to vector<8x2040xi32>
    %eq3A_1764 = arith.cmpi eq, %select_n3A_1173, %eq3A_1763 : vector<8x2040xi32>
    %get3A_1765 = arith.constant 0 : index
    %get3A_1766 = arith.constant 14 : index
    %get3A_1767 = arith.constant 0 : index
    %get3A_1768 = arith.constant 0 : index
    %get3A_1769 = vector.load %arg4[%get3A_1765, %get3A_1766, %get3A_1767, %get3A_1768] : memref<1x21x8x2040xf32, #tpu.memory_space<vmem>>, vector<1x1x8x2040xf32>
    %get3A_1770 = vector.shape_cast %get3A_1769 : vector<1x1x8x2040xf32> to vector<8x2040xf32>
    %select_n3A_1771 = arith.select %eq3A_1764, %get3A_1770, %select_n3A_1761 : vector<8x2040xi1>, vector<8x2040xf32>
    %eq3A_1772 = arith.constant 15 : i32
    %eq3A_1773 = vector.broadcast %eq3A_1772 : i32 to vector<8x2040xi32>
    %eq3A_1774 = arith.cmpi eq, %select_n3A_1173, %eq3A_1773 : vector<8x2040xi32>
    %get3A_1775 = arith.constant 0 : index
    %get3A_1776 = arith.constant 15 : index
    %get3A_1777 = arith.constant 0 : index
    %get3A_1778 = arith.constant 0 : index
    %get3A_1779 = vector.load %arg4[%get3A_1775, %get3A_1776, %get3A_1777, %get3A_1778] : memref<1x21x8x2040xf32, #tpu.memory_space<vmem>>, vector<1x1x8x2040xf32>
    %get3A_1780 = vector.shape_cast %get3A_1779 : vector<1x1x8x2040xf32> to vector<8x2040xf32>
    %select_n3A_1781 = arith.select %eq3A_1774, %get3A_1780, %select_n3A_1771 : vector<8x2040xi1>, vector<8x2040xf32>
    %eq3A_1782 = arith.constant 16 : i32
    %eq3A_1783 = vector.broadcast %eq3A_1782 : i32 to vector<8x2040xi32>
    %eq3A_1784 = arith.cmpi eq, %select_n3A_1173, %eq3A_1783 : vector<8x2040xi32>
    %get3A_1785 = arith.constant 0 : index
    %get3A_1786 = arith.constant 16 : index
    %get3A_1787 = arith.constant 0 : index
    %get3A_1788 = arith.constant 0 : index
    %get3A_1789 = vector.load %arg4[%get3A_1785, %get3A_1786, %get3A_1787, %get3A_1788] : memref<1x21x8x2040xf32, #tpu.memory_space<vmem>>, vector<1x1x8x2040xf32>
    %get3A_1790 = vector.shape_cast %get3A_1789 : vector<1x1x8x2040xf32> to vector<8x2040xf32>
    %select_n3A_1791 = arith.select %eq3A_1784, %get3A_1790, %select_n3A_1781 : vector<8x2040xi1>, vector<8x2040xf32>
    %eq3A_1792 = arith.constant 17 : i32
    %eq3A_1793 = vector.broadcast %eq3A_1792 : i32 to vector<8x2040xi32>
    %eq3A_1794 = arith.cmpi eq, %select_n3A_1173, %eq3A_1793 : vector<8x2040xi32>
    %get3A_1795 = arith.constant 0 : index
    %get3A_1796 = arith.constant 17 : index
    %get3A_1797 = arith.constant 0 : index
    %get3A_1798 = arith.constant 0 : index
    %get3A_1799 = vector.load %arg4[%get3A_1795, %get3A_1796, %get3A_1797, %get3A_1798] : memref<1x21x8x2040xf32, #tpu.memory_space<vmem>>, vector<1x1x8x2040xf32>
    %get3A_1800 = vector.shape_cast %get3A_1799 : vector<1x1x8x2040xf32> to vector<8x2040xf32>
    %select_n3A_1801 = arith.select %eq3A_1794, %get3A_1800, %select_n3A_1791 : vector<8x2040xi1>, vector<8x2040xf32>
    %eq3A_1802 = arith.constant 18 : i32
    %eq3A_1803 = vector.broadcast %eq3A_1802 : i32 to vector<8x2040xi32>
    %eq3A_1804 = arith.cmpi eq, %select_n3A_1173, %eq3A_1803 : vector<8x2040xi32>
    %get3A_1805 = arith.constant 0 : index
    %get3A_1806 = arith.constant 18 : index
    %get3A_1807 = arith.constant 0 : index
    %get3A_1808 = arith.constant 0 : index
    %get3A_1809 = vector.load %arg4[%get3A_1805, %get3A_1806, %get3A_1807, %get3A_1808] : memref<1x21x8x2040xf32, #tpu.memory_space<vmem>>, vector<1x1x8x2040xf32>
    %get3A_1810 = vector.shape_cast %get3A_1809 : vector<1x1x8x2040xf32> to vector<8x2040xf32>
    %select_n3A_1811 = arith.select %eq3A_1804, %get3A_1810, %select_n3A_1801 : vector<8x2040xi1>, vector<8x2040xf32>
    %eq3A_1812 = arith.constant 19 : i32
    %eq3A_1813 = vector.broadcast %eq3A_1812 : i32 to vector<8x2040xi32>
    %eq3A_1814 = arith.cmpi eq, %select_n3A_1173, %eq3A_1813 : vector<8x2040xi32>
    %get3A_1815 = arith.constant 0 : index
    %get3A_1816 = arith.constant 19 : index
    %get3A_1817 = arith.constant 0 : index
    %get3A_1818 = arith.constant 0 : index
    %get3A_1819 = vector.load %arg4[%get3A_1815, %get3A_1816, %get3A_1817, %get3A_1818] : memref<1x21x8x2040xf32, #tpu.memory_space<vmem>>, vector<1x1x8x2040xf32>
    %get3A_1820 = vector.shape_cast %get3A_1819 : vector<1x1x8x2040xf32> to vector<8x2040xf32>
    %select_n3A_1821 = arith.select %eq3A_1814, %get3A_1820, %select_n3A_1811 : vector<8x2040xi1>, vector<8x2040xf32>
    %eq3A_1822 = arith.constant 20 : i32
    %eq3A_1823 = vector.broadcast %eq3A_1822 : i32 to vector<8x2040xi32>
    %eq3A_1824 = arith.cmpi eq, %select_n3A_1173, %eq3A_1823 : vector<8x2040xi32>
    %get3A_1825 = arith.constant 0 : index
    %get3A_1826 = arith.constant 20 : index
    %get3A_1827 = arith.constant 0 : index
    %get3A_1828 = arith.constant 0 : index
    %get3A_1829 = vector.load %arg4[%get3A_1825, %get3A_1826, %get3A_1827, %get3A_1828] : memref<1x21x8x2040xf32, #tpu.memory_space<vmem>>, vector<1x1x8x2040xf32>
    %get3A_1830 = vector.shape_cast %get3A_1829 : vector<1x1x8x2040xf32> to vector<8x2040xf32>
    %select_n3A_1831 = arith.select %eq3A_1824, %get3A_1830, %select_n3A_1821 : vector<8x2040xi1>, vector<8x2040xf32>
    %sub3A_1832 = arith.subf %add3A_1619, %select_n3A_1831 : vector<8x2040xf32>
    %swap3A = arith.index_cast %arg0 : i32 to index
    %swap3A_1833 = arith.constant 0 : index
    %swap3A_1834 = arith.constant 0 : index
    %swap3A_1835 = vector.load %arg8[%swap3A, %swap3A_1833, %swap3A_1834] : memref<32x8x2040xf32, #tpu.memory_space<vmem>>, vector<1x8x2040xf32>
    %swap3A_1836 = vector.shape_cast %swap3A_1835 : vector<1x8x2040xf32> to vector<8x2040xf32>
    %swap3A_1837 = vector.shape_cast %sub3A_1832 : vector<8x2040xf32> to vector<1x8x2040xf32>
    tpu.vector_store %arg8[%swap3A, %swap3A_1833, %swap3A_1834], %swap3A_1837 {strides = array<i32>} : memref<32x8x2040xf32, #tpu.memory_space<vmem>>, vector<1x8x2040xf32>,
    %swap3A_1838 = arith.index_cast %arg0 : i32 to index
    %swap3A_1839 = arith.constant 0 : index
    %swap3A_1840 = arith.constant 0 : index
    %swap3A_1841 = vector.load %arg9[%swap3A_1838, %swap3A_1839, %swap3A_1840] : memref<32x8x2040xf32, #tpu.memory_space<vmem>>, vector<1x8x2040xf32>
    %swap3A_1842 = vector.shape_cast %swap3A_1841 : vector<1x8x2040xf32> to vector<8x2040xf32>
    %swap3A_1843 = vector.shape_cast %convert_element_type3A_1178 : vector<8x2040xf32> to vector<1x8x2040xf32>
    tpu.vector_store %arg9[%swap3A_1838, %swap3A_1839, %swap3A_1840], %swap3A_1843 {strides = array<i32>} : memref<32x8x2040xf32, #tpu.memory_space<vmem>>, vector<1x8x2040xf32>,
    %eq3A_1844 = arith.constant 0 : i32
    %eq3A_1845 = arith.cmpi eq, %arg0, %eq3A_1844 : i32
    %convert_element_type3A_1846 = arith.extui %eq3A_1845 : i1 to i32
    %cond3A = arith.constant 0 : i32
    %cond3A_1847 = arith.cmpi ne, %convert_element_type3A_1846, %cond3A : i32
    scf.if %cond3A_1847 {
      %swap3A_1860 = arith.constant 0.000000e+00 : f32
      %swap3A_1861 = arith.constant 0 : index
      %swap3A_1862 = arith.constant 0 : index
      %swap3A_1863 = memref.load %arg5[%swap3A_1861, %swap3A_1862] : memref<1x1xf32, #tpu.memory_space<smem>>
      memref.store %swap3A_1860, %arg5[%swap3A_1861, %swap3A_1862] : memref<1x1xf32, #tpu.memory_space<smem>>
      %swap3A_1864 = arith.constant 0.000000e+00 : f32
      %swap3A_1865 = arith.constant 0 : index
      %swap3A_1866 = arith.constant 0 : index
      %swap3A_1867 = memref.load %arg6[%swap3A_1865, %swap3A_1866] : memref<1x1xf32, #tpu.memory_space<smem>>
      memref.store %swap3A_1864, %arg6[%swap3A_1865, %swap3A_1866] : memref<1x1xf32, #tpu.memory_space<smem>>
      %swap3A_1868 = arith.constant 0 : i32
      %swap3A_1869 = arith.constant 0 : index
      %swap3A_1870 = arith.constant 0 : index
      %swap3A_1871 = memref.load %arg7[%swap3A_1869, %swap3A_1870] : memref<1x1xi32, #tpu.memory_space<smem>>
      memref.store %swap3A_1868, %arg7[%swap3A_1869, %swap3A_1870] : memref<1x1xi32, #tpu.memory_space<smem>>
    } else {
    }
    %get3A_1848 = arith.constant 0 : index
    %get3A_1849 = arith.constant 0 : index
    %get3A_1850 = memref.load %arg5[%get3A_1848, %get3A_1849] : memref<1x1xf32, #tpu.memory_space<smem>>
    %add3A_1851 = arith.addf %get3A_1850, %add3A_1281 : f32
    %swap3A_1852 = arith.constant 0 : index
    %swap3A_1853 = arith.constant 0 : index
    %swap3A_1854 = memref.load %arg5[%swap3A_1852, %swap3A_1853] : memref<1x1xf32, #tpu.memory_space<smem>>
    memref.store %add3A_1851, %arg5[%swap3A_1852, %swap3A_1853] : memref<1x1xf32, #tpu.memory_space<smem>>
    %eq3A_1855 = arith.constant 31 : i32
    %eq3A_1856 = arith.cmpi eq, %arg0, %eq3A_1855 : i32
    %convert_element_type3A_1857 = arith.extui %eq3A_1856 : i1 to i32
    %cond3A_1858 = arith.constant 0 : i32
    %cond3A_1859 = arith.cmpi ne, %convert_element_type3A_1857, %cond3A_1858 : i32
    scf.if %cond3A_1859 {
      %get3A_1860 = arith.constant 0 : index
      %get3A_1861 = arith.constant 0 : index
      %get3A_1862 = arith.constant 0 : index
      %get3A_1863 = vector.load %arg8[%get3A_1860, %get3A_1861, %get3A_1862] : memref<32x8x2040xf32, #tpu.memory_space<vmem>>, vector<32x8x2040xf32>
      %get3A_1864 = arith.constant 0 : index
      %get3A_1865 = arith.constant 0 : index
      %get3A_1866 = arith.constant 0 : index
      %get3A_1867 = vector.load %arg9[%get3A_1864, %get3A_1865, %get3A_1866] : memref<32x8x2040xf32, #tpu.memory_space<vmem>>, vector<32x8x2040xf32>
      %gt3A_1868 = arith.constant 0.000000e+00 : f32
      %gt3A_1869 = vector.broadcast %gt3A_1868 : f32 to vector<32x8x2040xf32>
      %gt3A_1870 = arith.cmpf ogt, %get3A_1867, %gt3A_1869 : vector<32x8x2040xf32>
      %jit3A_1871 = arith.constant 0.000000e+00 : f32
      %broadcast_in_dim3A_1872 = vector.broadcast %jit3A_1871 : f32 to vector<32x8x2040xf32>
      %select_n3A_1873 = arith.select %gt3A_1870, %get3A_1863, %broadcast_in_dim3A_1872 : vector<32x8x2040xi1>, vector<32x8x2040xf32>
      %reduce_sum3A_1874 = vector.shape_cast %select_n3A_1873 : vector<32x8x2040xf32> to vector<1x32x8x2040xf32>
      %reduce_sum3A_1875 = arith.constant dense<0.000000e+00> : vector<1xf32>
      %reduce_sum3A_1876 = vector.multi_reduction <add>, %reduce_sum3A_1874, %reduce_sum3A_1875 [1, 2, 3] : vector<1x32x8x2040xf32> to vector<1xf32>
      %reduce_sum3A_1877 = vector.shape_cast %reduce_sum3A_1876 : vector<1xf32> to vector<1x1x1x1xf32>
      %reduce_sum3A_1878 = vector.extract %reduce_sum3A_1877[0, 0, 0, 0] : f32 from vector<1x1x1x1xf32>
      %reduce_sum3A_1879 = arith.constant dense<0.000000e+00> : vector<32x8xf32>
      %reduce_sum3A_1880 = vector.multi_reduction <add>, %get3A_1867, %reduce_sum3A_1879 [2] : vector<32x8x2040xf32> to vector<32x8xf32>
      %broadcast_in_dim3A_1881 = vector.shape_cast %reduce_sum3A_1880 : vector<32x8xf32> to vector<32x8x1xf32>
      %reduce_sum3A_1882 = arith.constant dense<0.000000e+00> : vector<32x1xf32>
      %reduce_sum3A_1883 = vector.multi_reduction <add>, %broadcast_in_dim3A_1881, %reduce_sum3A_1882 [1] : vector<32x8x1xf32> to vector<32x1xf32>
      %broadcast_in_dim3A_1884 = vector.shape_cast %reduce_sum3A_1883 : vector<32x1xf32> to vector<32x1x1xf32>
      %convert_element_type3A_1885 = arith.fptosi %broadcast_in_dim3A_1884 : vector<32x1x1xf32> to vector<32x1x1xi32>
      %mul3A_1886 = arith.constant 3 : i32
      %mul3A_1887 = vector.broadcast %mul3A_1886 : i32 to vector<32x1x1xi32>
      %mul3A_1888 = arith.muli %mul3A_1887, %convert_element_type3A_1885 : vector<32x1x1xi32>
      %min3A_1889 = arith.constant 16319 : i32
      %min3A_1890 = vector.broadcast %min3A_1889 : i32 to vector<32x1x1xi32>
      %min3A_1891 = arith.minsi %mul3A_1888, %min3A_1890 : vector<32x1x1xi32>
      %jit3A_1892 = arith.constant 0.000000e+00 : f32
      %broadcast_in_dim3A_1893 = vector.broadcast %jit3A_1892 : f32 to vector<32x8x2040xf32>
      %select_n3A_1894 = arith.select %gt3A_1870, %broadcast_in_dim3A_1893, %get3A_1863 : vector<32x8x2040xi1>, vector<32x8x2040xf32>
      %bitcast_convert_type3A = tpu.bitcast %select_n3A_1894 : vector<32x8x2040xf32> -> vector<32x8x2040xi32>
      %broadcast_in_dim3A_1895 = arith.constant 0 : i32
      %broadcast_in_dim3A_1896 = vector.broadcast %broadcast_in_dim3A_1895 : i32 to vector<32x1x1xi32>
      %scan3A = arith.constant 0 : i32
      %scan3A_1897 = arith.constant 23 : i32
      %scan3A_1898 = arith.addi %scan3A, %scan3A_1897 : i32
      %scan3A_1899 = arith.constant 1 : i32
      %scan3A_1900 = scf.for %scan3A_1952 = %scan3A to %scan3A_1898 step %scan3A_1899 iter_args(%scan3A_1953 = %broadcast_in_dim3A_1896) -> (vector<32x1x1xi32>)  : i32 {
        %sub3A_1954 = arith.constant 30 : i32
        %sub3A_1955 = arith.subi %sub3A_1954, %scan3A_1952 : i32
        %shift_left3A = arith.constant 1 : i32
        %shift_left3A_1956 = arith.shli %shift_left3A, %sub3A_1955 : i32
        %or3A = vector.broadcast %shift_left3A_1956 : i32 to vector<32x1x1xi32>
        %or3A_1957 = arith.ori %scan3A_1953, %or3A : vector<32x1x1xi32>
        %ge3A = vector.broadcast %or3A_1957 : vector<32x1x1xi32> to vector<32x8x2040xi32>
        %ge3A_1958 = arith.cmpi sge, %bitcast_convert_type3A, %ge3A : vector<32x8x2040xi32>
        %convert_element_type3A_1959 = arith.extui %ge3A_1958 : vector<32x8x2040xi1> to vector<32x8x2040xi32>
        %reduce_sum3A_1960 = arith.constant dense<0> : vector<32x8xi32>
        %reduce_sum3A_1961 = vector.multi_reduction <add>, %convert_element_type3A_1959, %reduce_sum3A_1960 [2] : vector<32x8x2040xi32> to vector<32x8xi32>
        %broadcast_in_dim3A_1962 = vector.shape_cast %reduce_sum3A_1961 : vector<32x8xi32> to vector<32x8x1xi32>
        %reduce_sum3A_1963 = arith.constant dense<0> : vector<32x1xi32>
        %reduce_sum3A_1964 = vector.multi_reduction <add>, %broadcast_in_dim3A_1962, %reduce_sum3A_1963 [1] : vector<32x8x1xi32> to vector<32x1xi32>
        %broadcast_in_dim3A_1965 = vector.shape_cast %reduce_sum3A_1964 : vector<32x1xi32> to vector<32x1x1xi32>
        %ge3A_1966 = arith.cmpi sge, %broadcast_in_dim3A_1965, %min3A_1891 : vector<32x1x1xi32>
        %select_n3A_1967 = arith.select %ge3A_1966, %or3A_1957, %scan3A_1953 : vector<32x1x1xi1>, vector<32x1x1xi32>
        scf.yield %select_n3A_1967 : vector<32x1x1xi32>
      }
      %scan3A_1901 = arith.constant 23 : i32
      %gt3A_1902 = vector.broadcast %scan3A_1900 : vector<32x1x1xi32> to vector<32x8x2040xi32>
      %gt3A_1903 = arith.cmpi sgt, %bitcast_convert_type3A, %gt3A_1902 : vector<32x8x2040xi32>
      %convert_element_type3A_1904 = arith.extui %gt3A_1903 : vector<32x8x2040xi1> to vector<32x8x2040xi32>
      %reduce_sum3A_1905 = arith.constant dense<0> : vector<32x8xi32>
      %reduce_sum3A_1906 = vector.multi_reduction <add>, %convert_element_type3A_1904, %reduce_sum3A_1905 [2] : vector<32x8x2040xi32> to vector<32x8xi32>
      %broadcast_in_dim3A_1907 = vector.shape_cast %reduce_sum3A_1906 : vector<32x8xi32> to vector<32x8x1xi32>
      %reduce_sum3A_1908 = arith.constant dense<0> : vector<32x1xi32>
      %reduce_sum3A_1909 = vector.multi_reduction <add>, %broadcast_in_dim3A_1907, %reduce_sum3A_1908 [1] : vector<32x8x1xi32> to vector<32x1xi32>
      %broadcast_in_dim3A_1910 = vector.shape_cast %reduce_sum3A_1909 : vector<32x1xi32> to vector<32x1x1xi32>
      %jit3A_1911 = arith.constant 0.000000e+00 : f32
      %broadcast_in_dim3A_1912 = vector.broadcast %jit3A_1911 : f32 to vector<32x8x2040xf32>
      %select_n3A_1913 = arith.select %gt3A_1903, %select_n3A_1894, %broadcast_in_dim3A_1912 : vector<32x8x2040xi1>, vector<32x8x2040xf32>
      %reduce_sum3A_1914 = arith.constant dense<0.000000e+00> : vector<32x8xf32>
      %reduce_sum3A_1915 = vector.multi_reduction <add>, %select_n3A_1913, %reduce_sum3A_1914 [2] : vector<32x8x2040xf32> to vector<32x8xf32>
      %broadcast_in_dim3A_1916 = vector.shape_cast %reduce_sum3A_1915 : vector<32x8xf32> to vector<32x8x1xf32>
      %reduce_sum3A_1917 = arith.constant dense<0.000000e+00> : vector<32x1xf32>
      %reduce_sum3A_1918 = vector.multi_reduction <add>, %broadcast_in_dim3A_1916, %reduce_sum3A_1917 [1] : vector<32x8x1xf32> to vector<32x1xf32>
      %broadcast_in_dim3A_1919 = vector.shape_cast %reduce_sum3A_1918 : vector<32x1xf32> to vector<32x1x1xf32>
      %bitcast_convert_type3A_1920 = tpu.bitcast %scan3A_1900 : vector<32x1x1xi32> -> vector<32x1x1xf32>
      %gt3A_1921 = arith.constant 0 : i32
      %gt3A_1922 = vector.broadcast %gt3A_1921 : i32 to vector<32x1x1xi32>
      %gt3A_1923 = arith.cmpi sgt, %min3A_1891, %gt3A_1922 : vector<32x1x1xi32>
      %sub3A_1924 = arith.subi %min3A_1891, %broadcast_in_dim3A_1910 : vector<32x1x1xi32>
      %convert_element_type3A_1925 = arith.sitofp %sub3A_1924 : vector<32x1x1xi32> to vector<32x1x1xf32>
      %mul3A_1926 = arith.mulf %convert_element_type3A_1925, %bitcast_convert_type3A_1920 : vector<32x1x1xf32>
      %add3A_1927 = arith.addf %broadcast_in_dim3A_1919, %mul3A_1926 : vector<32x1x1xf32>
      %jit3A_1928 = arith.constant 0.000000e+00 : f32
      %broadcast_in_dim3A_1929 = vector.broadcast %jit3A_1928 : f32 to vector<32x1x1xf32>
      %select_n3A_1930 = arith.select %gt3A_1923, %add3A_1927, %broadcast_in_dim3A_1929 : vector<32x1x1xi1>, vector<32x1x1xf32>
      %get3A_1931 = arith.constant 0 : index
      %get3A_1932 = arith.constant 0 : index
      %get3A_1933 = memref.load %arg6[%get3A_1931, %get3A_1932] : memref<1x1xf32, #tpu.memory_space<smem>>
      %reduce_sum3A_1934 = vector.shape_cast %select_n3A_1930 : vector<32x1x1xf32> to vector<1x32x1x1xf32>
      %reduce_sum3A_1935 = arith.constant dense<0.000000e+00> : vector<1xf32>
      %reduce_sum3A_1936 = vector.multi_reduction <add>, %reduce_sum3A_1934, %reduce_sum3A_1935 [1, 2, 3] : vector<1x32x1x1xf32> to vector<1xf32>
      %reduce_sum3A_1937 = vector.shape_cast %reduce_sum3A_1936 : vector<1xf32> to vector<1x1x1x1xf32>
      %reduce_sum3A_1938 = vector.extract %reduce_sum3A_1937[0, 0, 0, 0] : f32 from vector<1x1x1x1xf32>
      %add3A_1939 = arith.addf %reduce_sum3A_1878, %reduce_sum3A_1938 : f32
      %add3A_1940 = arith.addf %get3A_1933, %add3A_1939 : f32
      %swap3A_1941 = arith.constant 0 : index
      %swap3A_1942 = arith.constant 0 : index
      %swap3A_1943 = memref.load %arg6[%swap3A_1941, %swap3A_1942] : memref<1x1xf32, #tpu.memory_space<smem>>
      memref.store %add3A_1940, %arg6[%swap3A_1941, %swap3A_1942] : memref<1x1xf32, #tpu.memory_space<smem>>
      %reduce_sum3A_1944 = vector.shape_cast %convert_element_type3A_1885 : vector<32x1x1xi32> to vector<1x32x1x1xi32>
      %reduce_sum3A_1945 = arith.constant dense<0> : vector<1xi32>
      %reduce_sum3A_1946 = vector.multi_reduction <add>, %reduce_sum3A_1944, %reduce_sum3A_1945 [1, 2, 3] : vector<1x32x1x1xi32> to vector<1xi32>
      %reduce_sum3A_1947 = vector.shape_cast %reduce_sum3A_1946 : vector<1xi32> to vector<1x1x1x1xi32>
      %reduce_sum3A_1948 = vector.extract %reduce_sum3A_1947[0, 0, 0, 0] : i32 from vector<1x1x1x1xi32>
      %swap3A_1949 = arith.constant 0 : index
      %swap3A_1950 = arith.constant 0 : index
      %swap3A_1951 = memref.load %arg7[%swap3A_1949, %swap3A_1950] : memref<1x1xi32, #tpu.memory_space<smem>>
      memref.store %reduce_sum3A_1948, %arg7[%swap3A_1949, %swap3A_1950] : memref<1x1xi32, #tpu.memory_space<smem>>
    } else {
    }
    return
  }
  func.func @transform_0(%arg0: i32) -> (i32, i32, i32) {
    %c0_i32 = arith.constant 0 : i32
    %c0_i32_0 = arith.constant 0 : i32
    %c0_i32_1 = arith.constant 0 : i32
    return %arg0, %c0_i32, %c0_i32_0 : i32, i32, i32
  }
  func.func @transform_1(%arg0: i32) -> (i32, i32, i32) {
    %c0_i32 = arith.constant 0 : i32
    %c0_i32_0 = arith.constant 0 : i32
    %c0_i32_1 = arith.constant 0 : i32
    %c0_i32_2 = arith.constant 0 : i32
    return %c0_i32, %c0_i32_0, %c0_i32_1 : i32, i32, i32
  }
  func.func @transform_2(%arg0: i32) -> (i32, i32, i32, i32) {
    %c0_i32 = arith.constant 0 : i32
    %c0_i32_0 = arith.constant 0 : i32
    %c0_i32_1 = arith.constant 0 : i32
    %c0_i32_2 = arith.constant 0 : i32
    return %arg0, %c0_i32, %c0_i32_0, %c0_i32_1 : i32, i32, i32, i32
  }
  func.func @transform_3(%arg0: i32) -> (i32, i32, i32, i32) {
    %c0_i32 = arith.constant 0 : i32
    %c0_i32_0 = arith.constant 0 : i32
    %c0_i32_1 = arith.constant 0 : i32
    %c0_i32_2 = arith.constant 0 : i32
    return %arg0, %c0_i32, %c0_i32_0, %c0_i32_1 : i32, i32, i32, i32
  }
  func.func @transform_4(%arg0: i32) -> (i32, i32) {
    %c0_i32 = arith.constant 0 : i32
    %c0_i32_0 = arith.constant 0 : i32
    %c0_i32_1 = arith.constant 0 : i32
    return %c0_i32, %c0_i32_0 : i32, i32
  }
  func.func @transform_5(%arg0: i32) -> (i32, i32) {
    %c0_i32 = arith.constant 0 : i32
    %c0_i32_0 = arith.constant 0 : i32
    %c0_i32_1 = arith.constant 0 : i32
    return %c0_i32, %c0_i32_0 : i32, i32
  }
  func.func @transform_6(%arg0: i32) -> (i32, i32) {
    %c0_i32 = arith.constant 0 : i32
    %c0_i32_0 = arith.constant 0 : i32
    %c0_i32_1 = arith.constant 0 : i32
    return %c0_i32, %c0_i32_0 : i32, i32
  }
}

</mosaic_0001>

<sc_bundles>
// kernel: sparse-core-data-format-call.1.cloned.1.call-start
scs
called_computation.1_lowered:
.L_overlay_start_0:
0x0: {  	s1 =	sld [smem:$0x3FD9]  }
0x1: {  	s2 =	sld [smem:$0x3FFE];
	_ =	sdelay $0x1  }
0x2: {  	s3 =	srdreg.scid  }
0x3: {  	s0 =	sand.u32 $0x1, s3  }
0x4: {  	s17 =	sshll.u32 s0, $0xA;
	s1 =	sadd.s32 s2, s1  }
0x5: {  	s1 =	sadd.s32 s1, s17  }
0x6: {  	[smem:$0x3FC4] =	sst s1  }
0x7: {  	_ = 	snop  }
0x8: {  	(tm) =	ssettm $0x1  }
0x9: {  	s18 =	sld [smem:$0x3FFB];
	_ =	sdelay $0x3  }
0xa: {  	_ =	strace s18  }
0xb: {  	s1 =	sld [smem:$0x3FFC];
	_ =	sdelay $0x3  }
0xc: {  	_ =	strace s1  }
0xd: {  	s1 =	sld [smem:$0x3FFD];
	_ =	sdelay $0x3  }
0xe: {  	_ =	strace s1  }
0xf: {  	_ =	strace $0x8FFFFFFF  }
0x10: {  	s19 =	sld [smem:$0x3FDB];
	_ =	sdelay $0x1  }
0x11: {  	s20 =	simm.s32 $_scs_section_size  }
0x12: {  	s4 =	simm.s32 $_size__tile_overlayer_lowered;
	s5 =	simm.s32 $_tile_overlayer_lowered  }
0x13: {  	s23 =	simm.s32 $0x1BFF;
	s22 =	sshll.u32 s5, $0x1;
	s1 =	sadd.s32 s20, s19  }
0x14: {  	s6 =	simm.s32 $0x0;
	s21 =	sshll.u32 s4, $0x1;
	s4 =	sadd.s32 s22, s1  }
0x15: {  	[timem:s6], [sflag:s23] =	dma.local [hbm:s4], s21  }
0x16: {  	_ =	swait.ge [sflag:s23], s21  }
0x17: {  	s2 =	ssub.s32 $0x0, s21;
	[sflag:s23] =	ssyncset.done $0x0  }
0x18: {  	[sflag:s23] =	ssyncadd.s32 s2;
	_ =	sdelay $0x1  }
0x19: {  	s24 =	simm.s32 $0x1B8B  }
0x1a: {  	_ =	swait.ge [sflag:s24], $0x1  }
0x1b: {  	[sflag:s24] =	ssyncset.done $0x0  }
0x1c: {  	s26 =	simm.s32 $0x1B8E;
	s25 =	sld [smem:$0x3FFE];
	[sflag:s24] =	ssyncadd.s32 $0xFFFFFFFF  }
0x1d: {  	s27 =	simm.s32 $execute0_lowered;
	[smem:$0x3FD2] =	sst s26  }
0x1e: {  	s4 =	sshll.u32 s27, $0x1;
	_ =	strace $0x80000046;
	[dreg:$0x1] =	wrdreg $0xFFFFFFFF  }
0x1f: {  	s28 =	simm.s32 $_size_execute0_lowered;
	s1 =	sadd.s32 s1, s4;
	[dreg:$0x0] =	wrdreg $0x0  }
0x20: {  	s4 =	sshll.u32 s28, $0x1;
	[dreg:$0x2] =	wrdreg s1  }
0x21: {  	[dreg:$0x3] =	wrdreg s4  }
0x22: {  	[dreg:$0x4] =	wrdreg $0xC0  }
0x23: {  	_ =	task [dreg:s6], $0x5FFFF  }
0x24: {  	[dreg:$0x1] =	wrdreg $0xFFFFFFFF  }
0x25: {  	[dreg:$0x0] =	wrdreg $0x60  }
0x26: {  	[dreg:$0x2] =	wrdreg s25  }
0x27: {  	[dreg:$0x3] =	wrdreg $0x9  }
0x28: {  	_ =	task.clear_ibuf [dreg:s6], $0x4FFFF;
	_ =	strace $0x90000046  }
0x29: {  	s29 =	simm.s32 $0x9;
	_ =	strace $0x80000048  }
0x2a: {  	_ =	swait.ge [sflag:s29], $0x1  }
0x2b: {  	[sflag:s29] =	ssyncadd.s32 $0xFFFFFFFF  }
0x2c: {  	_ =	strace $0x90000048  }
0x2d: {  	_ =	sfence  }
0x2e: {  	s30 =	sld [smem:$0x0];
	_ =	sdelay $0x2  }
0x2f: {  	s31 =	sshll.u32 s3, $0xD;
	s3 =	sshrl.u32 s3, $0x2  }
0x30: {  	s2 =	sand.u32 $0x4000, s31;
	s1 =	sadd.s32 s3, s30  }
0x31: {  	s0 =	sor.u32 s2, s0;
	s1 =	sshll.u32 s1, $0x11  }
0x32: {  	s0 =	sor.u32 s1, s0  }
0x33: {  	s0 =	sadd.s32 $0x8F2B, s0  }
0x34: {  	[sflag:s0] =	ssyncadd.remote.s32 $0x1  }
0x35: {  	_ =	sfence.sel $0xFFFF  }
0x36: {  	[dreg:$0x0] =	wrdreg $0xFFFFFFFF;
	(pc) =	sbr.abs _section_cstart, $3  }
0x37: {  	[dreg:$0x1] =	wrdreg $0xFFFFFFFF  }
0x38: {  	_ =	task.clear_ibuf [dreg:s6], $0x2FFFF;
	_ =	strace $0x9FFFFFFF  }
0x39: {  	(tm) =	ssettm $0x7FFFFFFF  }
tec
execute0_lowered:
.L_overlay_start_1:
0x0: {  	(tag) =	ssettag $0x1  }
0x1: {  	s0 =	rddreg [dreg:$0x0]  }
0x2: {  	_ =	strace $0x80000047;
	s1 =	srdreg.scid;
	s30 =	stileid.u32  }
0x3: {  	s2 =	simm.s32 $0x1;
	s31 =	simm.s32 $0x2;
	s16 =	simm.s32 $0x0  }
0x4: {  	p0 =	por $0x0, $0x0;
	s15 =	simm.s32 $0x0;
	s17 =	simm.s32 $0x0  }
0x5: {  	s8 =	simm.s32 $0x0;
	s10 =	simm.s32 $0x0;
	s11 =	simm.s32 $0x0  }
.Ltmp0:
0x6: {  	s12 =	simm.s32 $0x0;
	s13 =	simm.s32 $0x0;
	(pc) =	sbr.rel .LBB1_1-.Ltmp0, $4  }
0x7: {  	s6 =	sadd.s32 $0x7F9000, s0;
	s0 =	sadd.s32 $0x1000, s0;
	s29 =	sshll.u32 s1, $0x4  }
0x8: {  	s9 =	simm.s32 $0x0;
	[dreg:$0x3] =	wrdreg s0;
	s0 =	sand.u32 $0x10, s29  }
0x9: {  	[sflag:s2] =	ssyncpa.u1 $0x0;
	[dreg:$0x2] =	wrdreg s6;
	s7 =	sor.u32 s30, s0  }
0xa: {  	[sflag:s31] =	ssyncpa.u1 $0x0;
	s14 =	smov.u32 s7;
	[dreg:$0x4] =	wrdreg s7  }
.LBB1_14:
0xb: {  	s10 =	rddreg [dreg:$0x7]  }
0xc: {  	s11 =	rddreg [dreg:$0x8]  }
0xd: {  	s8 =	rddreg [dreg:$0x5]  }
0xe: {  	s4 =	rddreg [dreg:$0x10]  }
0xf: {  	s5 =	rddreg [dreg:$0x11]  }
0x10: {  	s23 =	rddreg [dreg:$0xf]  }
0x11: {  	s25 =	rddreg [dreg:$0x12]  }
0x12: {  	s27 =	rddreg [dreg:$0x3]  }
0x13: {  	s7 =	rddreg [dreg:$0x4]  }
0x14: {  	s9 =	rddreg [dreg:$0x6]  }
0x15: {  	s12 =	rddreg [dreg:$0x9]  }
0x16: {  	s13 =	rddreg [dreg:$0xa]  }
0x17: {  	s14 =	rddreg [dreg:$0xb]  }
0x18: {  	s15 =	rddreg [dreg:$0xc]  }
0x19: {  	s16 =	rddreg [dreg:$0xd]  }
0x1a: {  	s31 =	simm.s32 $0x10000;
	s17 =	rddreg [dreg:$0xe]  }
0x1b: {  	p1 =	sgt.s32 s10, $0x780;
	s0 =	smov.u32 s10;
	s1 =	sand.u32 $0x78, s10  }
0x1c: {  	s2 =	sshll.u32 s11, $0xB;
	s3 =	smov.u32 s8;
	s22 =	sshll.u32 s11, $0x7  }
0x1d: {  	s24 =	sshll.u32 s10, $0x3;
	s26 =	sshll.u32 s8, $0xD;
	s28 =	sand.u32 $0x7, s10  }
0x1e: {  	s0 =	simm.s32 @!p1 $0x780;
	p1 =	sgt.s32 s8, $0x28;
	s2 =	sand.u32 $0xC000, s2  }
0x1f: {  	s6 =	sand.u32 $0x400, s24;
	s29 =	sshll.u32 s28, $0x12;
	s0 =	sadd.s32 s4, s0  }
0x20: {  	s3 =	simm.s32 @!p1 $0x28;
	s2 =	sadd.s32 s2, s24;
	s4 =	sadd.s32 $0xFFFFF880, s0  }
0x21: {  	s3 =	sadd.s32 s5, s3;
	s0 =	ssub.s32 $0x800, s0;
	p1 =	sgt.s32 s4, $0x7F  }
0x22: {  	s30 =	sor.u32 $0x80, s29;
	s5 =	sadd.s32 $0xFFFFFFD8, s3;
	s0 =	simm.s32 @p1 $0x0  }
0x23: {  	s3 =	ssub.s32 $0xA8, s3;
	p1 =	sgt.s32 s5, $0x7F;
	s0 =	smul.u32 s23, s0  }
0x24: {  	s2 =	sshrl.u32 s2, $0x3;
	s4 =	sand.u32 $0x380, s22;
	s3 =	simm.s32 @p1 $0x0  }
0x25: {  	s2 =	sand.u32 $0x1F00, s2;
	s1 =	sor.u32 s4, s1;
	s0 =	smul.u32 s3, s0  }
0x26: {  	s4 =	sadd.s32 s27, s26;
	s1 =	sor.u32 s6, s1;
	s3 =	smul.u32 $0x4080, s25  }
0x27: {  	s2 =	sadd.s32 s2, s4;
	s6 =	rddreg [dreg:$0x2];
	s1 =	sshrl.u32 s1, $0x3  }
0x28: {  	s1 =	sadd.s32 s1, s2;
	s0 =	sand.u32 $0x3FFFFFFF, s0;
	s3 =	sor.u32 $0x8000, s3  }
0x29: {  	[hbm4b:s1+s30] =	stream.strided.scatter [tilespmem:s3], [sflag:$0x2], s0, s31, s30, $0x20;
	[tilespmem:$0x10100] =	vst v63  }
.LBB1_15:
0x2a: {  	p1 =	slt.u32 s9, $0x2;
	s1 =	smov.u32 s17;
	s3 =	smov.u32 s16  }
0x2b: {  	p2 =	sgt.s32 @!p1 s16, $0x28;
	s0 =	sshra.s32 @!p1 s16, $0x1F;
	p3 =	sgt.s32 @!p1 s17, $0x1F  }
0x2c: {  	s2 =	sshra.s32 @!p1 s17, $0x1F;
	s4 =	sshra.s32 @!p1 s15, $0x1F;
	p2 =	por !p2, p1  }
0x2d: {  	s0 =	sand.u32 @!p1 s0, s16;
	p3 =	por !p3, p1;
	s2 =	sand.u32 @!p1 s2, s17  }
0x2e: {  	s1 =	simm.s32 @p3 $0x1F;
	p3 =	sgt.s32 @!p1 s15, $0x780;
	s3 =	simm.s32 @p2 $0x28  }
0x2f: {  	s1 =	ssub.s32 @!p1 s1, s2;
	p3 =	por !p3, p1;
	s2 =	smov.u32 s15  }
0x30: {  	s4 =	sand.u32 @!p1 s4, s15;
	s0 =	ssub.s32 @!p1 s3, s0;
	s2 =	simm.s32 @p3 $0x780  }
0x31: {  	s3 =	sadd.s32 @!p1 $0xFFFFFFE1, s1;
	s1 =	ssub.s32 @!p1 $0x20, s1;
	s2 =	ssub.s32 @!p1 s2, s4  }
0x32: {  	s4 =	sadd.s32 @!p1 $0xFFFFFFD8, s0;
	p2 =	sgt.s32 @!p1 s3, $0x0;
	s3 =	sadd.s32 @!p1 $0xFFFFF880, s2  }
0x33: {  	s0 =	ssub.s32 @!p1 $0xA8, s0;
	p2 =	por !p2, p1;
	p3 =	sgt.s32 @!p1 s3, $0x7F  }
0x34: {  	s2 =	ssub.s32 @!p1 $0x800, s2;
	s1 =	simm.s32 @!p2 $0x0;
	p2 =	por !p3, p1  }
0x35: {  	s3 =	sadd.s32 $0x80, s13;
	p3 =	sgt.s32 @!p1 s4, $0x7F;
	s2 =	simm.s32 @!p2 $0x0  }
0x36: {  	p2 =	por !p3, p1;
	s1 =	smul.u32 @!p1 s1, s2;
	s2 =	sadd.s32 $0x80, s12  }
0x37: {  	s4 =	smov.u32 s13;
	s0 =	simm.s32 @!p2 $0x0;
	p2 =	sgt.s32 s2, $0xA7  }
0x38: {  	s0 =	smul.u32 @!p1 s0, s1;
	s4 =	smov.u32 @p2 s3  }
0x39: {  	s1 =	sadd.s32 $0x20, s14;
	s3 =	smov.u32 s14;
	p3 =	sgt.s32 s4, $0x7F7  }
0x3a: {  	s9 =	sadd.s32 $0x1, s9;
	p0 =	por !p0, !p0;
	s3 =	smov.u32 @p3 s1  }
0x3b: {  	s16 =	smov.u32 s8;
	s2 =	simm.s32 @p2 $0x0;
	p2 =	sgt.s32 s3, $0x1F  }
0x3c: {  	s17 =	smov.u32 s11;
	s3 =	smov.u32 @p2 s7;
	p2 =	sne.s32 s9, $0x22  }
.Ltmp1:
0x3d: {  	s8 =	smov.u32 s12;
	s11 =	smov.u32 s14;
	(pc) =	sbr.rel @!p2 .LBB1_16-.Ltmp1, $4  }
0x3e: {  	s15 =	smov.u32 s10;
	s0 =	sand.u32 @!p1 $0x3FFFFFFF, s0;
	s1 =	simm.s32 @!p1 $0x2  }
0x3f: {  	s10 =	smov.u32 s13;
	s12 =	smov.u32 s2;
	_ =	swait.ge @!p1 [sflag:s1], s0  }
0x40: {  	s4 =	simm.s32 @p3 $0x0;
	s0 =	ssub.s32 @!p1 $0x0, s0;
	[sflag:s1] =	ssyncset.done @!p1 $0x0  }
0x41: {  	s13 =	smov.u32 s4;
	[sflag:s1] =	ssyncadd.s32 @!p1 s0;
	s14 =	smov.u32 s3  }
.LBB1_1:
0x42: {  	p1 =	sgt.u32 s9, $0x1F;
	s4 =	smov.u32 s13  }
0x43: {  	s0 =	sshll.u32 @!p1 s13, $0x8;
	s1 =	sshll.u32 @!p1 s12, $0x3;
	s2 =	sshll.u32 @!p1 s13, $0x7  }
0x44: {  	p2 =	sgt.s32 @!p1 s14, $0x1F;
	s0 =	sand.u32 @!p1 $0xFFFFF800, s0;
	s1 =	sand.u32 @!p1 $0xFFFFFC00, s1  }
0x45: {  	s3 =	sshra.s32 @!p1 s14, $0x1F;
	s0 =	sadd.s32 @!p1 s0, s1;
	s1 =	sand.u32 @!p1 $0x300, s2  }
0x46: {  	p2 =	por !p2, p1;
	s0 =	sor.u32 @!p1 s1, s0;
	s1 =	smov.u32 s14  }
0x47: {  	s3 =	sand.u32 @!p1 s3, s14;
	s1 =	simm.s32 @p2 $0x1F;
	p2 =	sgt.s32 @!p1 s13, $0x778  }
0x48: {  	s5 =	sshra.s32 @!p1 s13, $0x1F;
	p2 =	por !p2, p1;
	s1 =	ssub.s32 @!p1 s1, s3  }
0x49: {  	s3 =	sand.u32 @!p1 s5, s13;
	s4 =	simm.s32 @p2 $0x778;
	s5 =	sadd.s32 @!p1 $0xFFFFFFE1, s1  }
0x4a: {  	p2 =	sgt.s32 @!p1 s12, $0x80;
	s3 =	ssub.s32 @!p1 s4, s3;
	p3 =	sgt.s32 @!p1 s5, $0x0  }
0x4b: {  	p2 =	por !p2, p1;
	s5 =	smov.u32 s12;
	s4 =	sadd.s32 @!p1 $0xFFFFF888, s3  }
0x4c: {  	s5 =	simm.s32 @p2 $0x80;
	p2 =	sgt.s32 @!p1 s4, $0x7F;
	s4 =	sshra.s32 @!p1 s12, $0x1F  }
0x4d: {  	s1 =	ssub.s32 @!p1 $0x20, s1;
	p3 =	por !p3, p1;
	s4 =	sand.u32 @!p1 s4, s12  }
0x4e: {  	s3 =	ssub.s32 @!p1 $0x7F8, s3;
	p2 =	por !p2, p1;
	s4 =	ssub.s32 @!p1 s5, s4  }
0x4f: {  	s1 =	simm.s32 @!p3 $0x0;
	s3 =	simm.s32 @!p2 $0x0;
	s5 =	sadd.s32 @!p1 $0xFFFFFF80, s4  }
0x50: {  	s0 =	sshrl.u32 @!p1 s0, $0x8;
	s1 =	smul.u32 @!p1 s1, s3;
	p2 =	sgt.s32 @!p1 s5, $0x7F  }
0x51: {  	s3 =	ssub.s32 @!p1 $0x100, s4;
	s5 =	smulhi.u32 @!p1 $0x808081, s0;
	p2 =	por !p2, p1  }
0x52: {  	s3 =	simm.s32 @!p2 $0x0  }
0x53: {  	s2 =	sand.u32 @!p1 $0x80, s2;
	s5 =	sshrl.u32 @!p1 s5, $0x2;
	s1 =	smul.u32 @!p1 s3, s1  }
0x54: {  	s4 =	sxor.u32 @!p1 $0xFFFFFFFF, s9;
	s3 =	sand.u32 @!p1 $0x78, s12;
	s5 =	smul.u32 @!p1 $0x7F8, s5  }
0x55: {  	s4 =	sshll.u32 @!p1 s4, $0xE;
	s2 =	sor.u32 @!p1 s3, s2;
	s3 =	smul.u32 @!p1 $0xFF00, s14  }
0x56: {  	s4 =	sand.u32 @!p1 $0x4000, s4;
	s0 =	ssub.s32 @!p1 s0, s5;
	s1 =	sand.u32 @!p1 $0x3FFFFFFF, s1  }
0x57: {  	s2 =	sshrl.u32 @!p1 s2, $0x3;
	s5 =	sand.u32 @!p1 $0x7, s12;
	s3 =	sadd.s32 @!p1 s6, s3  }
0x58: {  	s0 =	sshll.u32 @!p1 s0, $0x5;
	s2 =	sadd.s32 @!p1 s2, s3;
	s3 =	sshll.u32 @!p1 s5, $0x12  }
0x59: {  	s0 =	sadd.s32 @!p1 s0, s2;
	s2 =	sor.u32 @!p1 $0x400, s3;
	s3 =	simm.s32 @!p1 $0x800  }
0x5a: {  	[tilespmem:s4], [sflag:$0x1] =	stream.strided.gather @!p1 [hbm4b:s0+s2], s1, s3, s2, $0x38;
	[tilespmem:$0x10100] =	vst v63  }
0x5b: {  	p1 =	seq.s32 s9, $0x0  }
0x5c: {  	p2 =	seq.s32 @!p1 s9, $0x21  }
0x5d: {  	p1 =	por p1, p2  }
.Ltmp2:
0x5e: {  	_ = 	snop;
	(pc) =	sbr.rel @p1 .LBB1_15-.Ltmp2, $1  }
0x5f: {  	_ =	sdelay $0x3  }
0x60: {  	[dreg:$0xe] =	wrdreg s17  }
0x61: {  	[dreg:$0xd] =	wrdreg s16  }
0x62: {  	[dreg:$0xc] =	wrdreg s15  }
0x63: {  	[dreg:$0xb] =	wrdreg s14  }
0x64: {  	[dreg:$0xa] =	wrdreg s13  }
0x65: {  	[dreg:$0x9] =	wrdreg s12;
	p1 =	sgt.s32 s11, $0x1F;
	s0 =	smov.u32 s11  }
0x66: {  	s1 =	sshra.s32 s11, $0x1F;
	s25 =	ssub.s32 $0x0, s10;
	s2 =	sshra.s32 s10, $0x1F  }
0x67: {  	s3 =	smov.u32 s10;
	p2 =	sgt.s32 s8, $0x80;
	s27 =	ssub.s32 $0x0, s8  }
0x68: {  	s28 =	sshra.s32 s8, $0x1F;
	s0 =	simm.s32 @!p1 $0x1F;
	s1 =	sand.u32 s1, s11  }
0x69: {  	p1 =	sgt.s32 s10, $0x778;
	s29 =	sand.u32 s27, s28;
	s0 =	ssub.s32 s0, s1  }
0x6a: {  	s1 =	sand.u32 s25, s2;
	s3 =	simm.s32 @!p1 $0x778;
	s2 =	smov.u32 s8  }
0x6b: {  	s4 =	sadd.s32 $0xFFFFFFE1, s0;
	[dreg:$0x10] =	wrdreg s1;
	s1 =	sadd.s32 s1, s3  }
0x6c: {  	s5 =	ssub.s32 $0x20, s0;
	s2 =	simm.s32 @!p2 $0x80;
	p1 =	sgt.s32 s4, $0x0  }
0x6d: {  	s26 =	sadd.s32 $0xFFFFF888, s1;
	s0 =	ssub.s32 $0x7F8, s1;
	s1 =	sadd.s32 s29, s2  }
0x6e: {  	[dreg:$0x5] =	wrdreg s8;
	s5 =	simm.s32 @p1 $0x0;
	s2 =	sadd.s32 $0xFFFFFF80, s1  }
0x6f: {  	s1 =	ssub.s32 $0x100, s1;
	p1 =	sgt.s32 s2, $0x7F;
	s2 =	sadd.s32 $0x1, s11  }
0x70: {  	s3 =	sadd.s32 $0x80, s10;
	s1 =	simm.s32 @p1 $0x0;
	p1 =	slt.s32 s2, $0x20  }
0x71: {  	p2 =	sgt.s32 s26, $0x7F;
	s2 =	simm.s32 @!p1 $0x20;
	p1 =	slt.s32 s3, $0x7F8  }
0x72: {  	s0 =	simm.s32 @p2 $0x0;
	s21 =	ssub.s32 s2, s11;
	s3 =	simm.s32 @!p1 $0x7F8  }
0x73: {  	s0 =	smul.u32 s5, s0;
	s22 =	ssub.s32 s3, s10;
	p1 =	slt.s32 s21, $0x1  }
0x74: {  	[dreg:$0x8] =	wrdreg s11;
	p2 =	slt.s32 @!p1 s22, $0x1  }
0x75: {  	[dreg:$0x7] =	wrdreg s10;
	s0 =	smul.u32 s1, s0;
	p2 =	por p1, p2  }
.Ltmp3:
0x76: {  	[dreg:$0x11] =	wrdreg s29;
	(pc) =	sbr.rel @p2 .LBB1_14-.Ltmp3, $4  }
0x77: {  	s30 =	simm.s32 $0x1;
	[dreg:$0xf] =	wrdreg s5;
	s0 =	sand.u32 $0x3FFFFFFF, s0  }
0x78: {  	s31 =	sand.u32 $0x1, s9;
	_ =	swait.ge [sflag:s30], s0  }
0x79: {  	s0 =	ssub.s32 $0x0, s0;
	[dreg:$0x6] =	wrdreg s9;
	[sflag:s30] =	ssyncset.done $0x0  }
0x7a: {  	[dreg:$0x12] =	wrdreg s31;
	[sflag:s30] =	ssyncadd.s32 s0  }
0x7b: {  	s2 =	rddreg [dreg:$0x5]  }
0x7c: {  	s0 =	sadd.s32 $0x80, s2  }
0x7d: {  	p2 =	slt.s32 s0, $0xA8  }
0x7e: {  	s0 =	simm.s32 @!p2 $0xA8  }
0x7f: {  	s1 =	simm.s32 $0x1;
	s0 =	ssub.s32 s0, s2  }
0x80: {  	s1 =	simm.s32 @!p0 $0x0;
	s0 =	sadd.s32 $0xF, s0  }
0x81: {  	s1 =	smul.u32 $0x10200, s1;
	s31 =	sshrl.u32 s0, $0x8  }
0x82: {  	s3 =	smul.u32 $0x20400, s31  }
.Ltmp4:
0x83: {  	s29 =	simm.s32 $0x0;
	s4 =	sshrl.u32 s1, $0x2;
	(pc) =	sbr.rel .LBB1_4-.Ltmp4, $4  }
0x84: {  	s30 =	simm.s32 $0x0;
	s26 =	sor.u32 $0x8000, s4;
	s23 =	sand.u32 $0xFFFFFFF0, s0  }
0x85: {  	s24 =	sand.u32 @!p1 $0xFFFFFF00, s0;
	s28 =	sshll.u32 s31, $0xB;
	s1 =	sadd.s32 s1, s3  }
0x86: {  	p2 =	sge.s32 s24, s23;
	s3 =	rddreg [dreg:$0x12];
	s1 =	sshra.s32 s1, $0x2  }
0x87: {  	s25 =	sshll.u32 @!p1 s3, $0xE;
	p1 =	slt.s32 s0, $0x100;
	s27 =	sadd.s32 $0x8000, s1  }
.LBB1_13:
0x88: {  	s30 =	sadd.s32 $0x1, s30  }
0x89: {  	p3 =	sne.s32 s30, s21  }
.Ltmp5:
0x8a: {  	_ = 	snop;
	(pc) =	sbr.rel @!p3 .LBB1_14-.Ltmp5, $2  }
0x8b: {  	_ =	sdelay $0x2  }
0x8c: {  	s29 =	sadd.s32 $0x1, s29  }
.LBB1_4:
.Ltmp6:
0x8d: {  	s0 =	sand.u32 $0x7, s29;
	(pc) =	sbr.rel .LBB1_5-.Ltmp6, $4  }
0x8e: {  	s0 =	smul.u32 $0x204, s0  }
0x8f: {  	s1 =	sshll.u32 s30, $0x10;
	s6 =	simm.s32 $0x0;
	s3 =	simm.s32 $0x0  }
0x90: {  	s4 =	simm.s32 $0x0;
	s1 =	sshra.s32 s1, $0x2;
	s2 =	sshrl.u32 s0, $0x2  }
0x91: {  	s31 =	sadd.s32 s1, s25;
	s0 =	sadd.s32 s2, s26;
	s1 =	sadd.s32 s2, s27  }
.LBB1_12:
0x92: {  	s4 =	sadd.s32 $0x1, s4  }
0x93: {  	p3 =	sne.s32 s4, s22  }
.Ltmp7:
0x94: {  	_ = 	snop;
	(pc) =	sbr.rel @!p3 .LBB1_13-.Ltmp7, $2  }
0x95: {  	_ =	sdelay $0x2  }
0x96: {  	s3 =	sadd.s32 $0x1, s3;
	s6 =	sadd.s32 $0x80, s6  }
.LBB1_5:
.Ltmp8:
0x97: {  	(pc) =	sbr.rel @p1 .LBB1_9-.Ltmp8, $2  }
0x98: {  	_ =	sdelay $0x2  }
0x99: {  	s5 =	sand.u32 $0x7F, s3;
	s2 =	sshll.u32 s4, $0x7  }
0x9a: {  	s14 =	sand.u32 $0x380, s2  }
0x9b: {  	s15 =	sadd.s32 s14, s31  }
0x9c: {  	s13 =	simm.s32 $0x480;
	s16 =	simm.s32 $0x700;
	s17 =	simm.s32 $0x500;
	v0 =	vmov s15  }
0x9d: {  	s18 =	simm.s32 $0x580;
	s19 =	simm.s32 $0x600;
	s10 =	simm.s32 $0x680  }
0x9e: {  	s12 =	sadd.s32 $0x780, s6;
	p3 =	sgt.s32 s24, $0x100;
	s16 =	sand.u32 $0x3C00, s16  }
0x9f: {  	s14 =	simm.s32 $0x780;
	s16 =	sadd.s32 s2, s16;
	s15 =	sand.u32 $0x3C00, s13  }
0xa0: {  	s17 =	sand.u32 $0x3C00, s17;
	s16 =	sand.u32 $0x3C00, s16;
	s15 =	sadd.s32 s2, s15  }
0xa1: {  	s18 =	sand.u32 $0x3C00, s18;
	s17 =	sadd.s32 s2, s17;
	s15 =	sand.u32 $0x3C00, s15;
	v3 =	vld.idx.msk [tilespmem:v0+s16+$0x60 ss:$0x1], $0xffff  }
0xa2: {  	s10 =	sand.u32 $0x3C00, s10;
	s18 =	sadd.s32 s2, s18;
	s8 =	sand.u32 $0x3C00, s17;
	v7 =	vld.idx.msk [tilespmem:v0+s15+$0x10 ss:$0x1], $0xffff  }
0xa3: {  	s7 =	sand.u32 $0x3C00, s19;
	s10 =	sadd.s32 s2, s10;
	s11 =	sand.u32 $0x3C00, s18;
	v1 =	vld.idx.msk [tilespmem:v0+s8+$0x20 ss:$0x1], $0xffff  }
.Ltmp9:
0xa4: {  	s9 =	sadd.s32 s2, s7;
	s10 =	sand.u32 $0x3C00, s10;
	v6 =	vld.idx.msk [tilespmem:v0+s11+$0x30 ss:$0x1], $0xffff;
	(pc) =	sbr.rel @!p3 .LBB1_8-.Ltmp9, $4  }
0xa5: {  	s13 =	sadd.s32 $0xFFFFF880, s12;
	s14 =	sand.u32 $0x3C00, s14;
	s16 =	sand.u32 $0x3C00, s9;
	v2 =	vld.idx.msk [tilespmem:v0+s10+$0x50 ss:$0x1], $0xffff  }
0xa6: {  	s20 =	sadd.s32 s5, s0;
	s17 =	sand.u32 $0x3C00, s13;
	s14 =	sadd.s32 s2, s14;
	v4 =	vld.idx.msk [tilespmem:v0+s16+$0x40 ss:$0x1], $0xffff  }
0xa7: {  	s19 =	simm.s32 $0x100;
	s18 =	sadd.s32 $0xFFFFFC80, s12;
	s14 =	sand.u32 $0x3C00, s14;
	v5 =	vld.idx.msk [tilespmem:v0+s17+$0x10 ss:$0x1], $0xffff;
	[tilespmem:s20+$0x70E0 ss:$0x81] =	vst.msk $0xffff, v3  }
0xa8: {  	s15 =	simm.s32 $0xF80;
	s16 =	sand.u32 $0x3C00, s18;
	s18 =	smov.u32 s20;
	v3 =	vld.idx.msk [tilespmem:v0+s17+$0x0 ss:$0x1], $0xffff;
	[tilespmem:s20+$0x4890 ss:$0x81] =	vst.msk $0xffff, v7  }
.LBB1_7:
0xa9: {  	s10 =	sadd.s32 $0xFFFFFD00, s15;
	s7 =	sadd.s32 $0xFFFFFF80, s15;
	s19 =	sadd.s32 $0x100, s19;
	v7 =	vld.idx.msk [tilespmem:v0+s17+$0x20 ss:$0x1], $0xffff;
	[tilespmem:s20+$0x50A0 ss:$0x81] =	vst.msk $0xffff, v1  }
0xaa: {  	s9 =	sadd.s32 $0xFFFFFD80, s15;
	s7 =	sand.u32 $0x3C00, s7;
	p3 =	slt.s32 s19, s24;
	v1 =	vld.idx.msk [tilespmem:v0+s17+$0x30 ss:$0x1], $0xffff;
	[tilespmem:s20+$0x58B0 ss:$0x81] =	vst.msk $0xffff, v6  }
0xab: {  	s13 =	sadd.s32 $0xFFFFFE00, s15;
	s11 =	sadd.s32 $0xFFFFFE80, s15;
	s7 =	sadd.s32 s2, s7;
	v6 =	vld.idx.msk [tilespmem:v0+s17+$0x40 ss:$0x1], $0xffff;
	[tilespmem:s20+$0x60C0 ss:$0x81] =	vst.msk $0xffff, v4  }
0xac: {  	s12 =	sadd.s32 $0xFFFFFF00, s15;
	s10 =	sand.u32 $0x3C00, s10;
	s7 =	sand.u32 $0x3C00, s7;
	v4 =	vld.idx.msk [tilespmem:v0+s17+$0x50 ss:$0x1], $0xffff;
	[tilespmem:s20+$0x68D0 ss:$0x81] =	vst.msk $0xffff, v2  }
0xad: {  	s9 =	sand.u32 $0x3C00, s9;
	s13 =	sand.u32 $0x3C00, s13;
	s11 =	sand.u32 $0x3C00, s11;
	v2 =	vld.idx.msk [tilespmem:v0+s7+$0x60 ss:$0x1], $0xffff;
	[tilespmem:s20+$0x0 ss:$0x81] =	vst.msk $0xffff, v3  }
0xae: {  	s8 =	sand.u32 $0x3C00, s15;
	s12 =	sand.u32 $0x3C00, s12;
	s7 =	sadd.s32 s15, s6;
	[tilespmem:s20+$0x810 ss:$0x81] =	vst.msk $0xffff, v5;
	v3 =	vld.idx.msk [tilespmem:v0+s17+$0x60 ss:$0x1], $0xffff  }
0xaf: {  	s10 =	sadd.s32 s2, s10;
	s9 =	sadd.s32 s2, s9;
	s13 =	sadd.s32 s2, s13;
	[tilespmem:s20+$0x1020 ss:$0x81] =	vst.msk $0xffff, v7;
	v5 =	vld.idx.msk [tilespmem:v0+s17+$0x70 ss:$0x1], $0xffff  }
0xb0: {  	s11 =	sadd.s32 s2, s11;
	s12 =	sadd.s32 s2, s12;
	s17 =	sadd.s32 $0xFFFFF880, s7;
	[tilespmem:s20+$0x1830 ss:$0x81] =	vst.msk $0xffff, v1;
	v7 =	vld.idx.msk [tilespmem:v0+s16+$0x0 ss:$0x1], $0xffff  }
0xb1: {  	s8 =	sadd.s32 s2, s8;
	s10 =	sand.u32 $0x3C00, s10;
	s7 =	sadd.s32 $0xFFFFFC80, s7;
	[tilespmem:s20+$0x2040 ss:$0x81] =	vst.msk $0xffff, v6;
	v8 =	vld.idx.msk [tilespmem:v0+s14+$0x70 ss:$0x1], $0xffff  }
0xb2: {  	s9 =	sand.u32 $0x3C00, s9;
	s20 =	sadd.s32 $0x8100, s20;
	v9 =	vld.idx.msk [tilespmem:v0+s10+$0x10 ss:$0x1], $0xffff;
	s10 =	sand.u32 $0x3C00, s13;
	[tilespmem:s18+$0x2850 ss:$0x81] =	vst.msk $0xffff, v4  }
0xb3: {  	s17 =	sand.u32 $0x3C00, s17;
	v1 =	vld.idx.msk [tilespmem:v0+s9+$0x20 ss:$0x1], $0xffff;
	s9 =	sand.u32 $0x3C00, s11;
	s11 =	sand.u32 $0x3C00, s12;
	[tilespmem:s20+$0x70E0 ss:$0x81] =	vst.msk $0xffff, v2  }
.Ltmp10:
0xb4: {  	s16 =	sand.u32 $0x3C00, s7;
	s14 =	sand.u32 $0x3C00, s8;
	v6 =	vld.idx.msk [tilespmem:v0+s10+$0x30 ss:$0x1], $0xffff;
	[tilespmem:s18+$0x3060 ss:$0x81] =	vst.msk $0xffff, v3;
	(pc) =	sbr.rel @p3 .LBB1_7-.Ltmp10, $4  }
0xb5: {  	v4 =	vld.idx.msk [tilespmem:v0+s9+$0x40 ss:$0x1], $0xffff;
	[tilespmem:s18+$0x3870 ss:$0x81] =	vst.msk $0xffff, v5  }
0xb6: {  	v2 =	vld.idx.msk [tilespmem:v0+s11+$0x50 ss:$0x1], $0xffff;
	[tilespmem:s18+$0x4080 ss:$0x81] =	vst.msk $0xffff, v7  }
0xb7: {  	v3 =	vld.idx.msk [tilespmem:v0+s17+$0x0 ss:$0x1], $0xffff;
	[tilespmem:s18+$0x78F0 ss:$0x81] =	vst.msk $0xffff, v8;
	s18 =	smov.u32 s20  }
0xb8: {  	s15 =	sadd.s32 $0x800, s15;
	v5 =	vld.idx.msk [tilespmem:v0+s17+$0x10 ss:$0x1], $0xffff;
	[tilespmem:s20+$0x4890 ss:$0x81] =	vst.msk $0xffff, v9  }
.LBB1_8:
0xb9: {  	_ =	sdelay $0x2  }
0xba: {  	[tilespmem:s20+$0x50A0 ss:$0x81] =	vst.msk $0xffff, v1  }
0xbb: {  	v56 =	vld.idx.msk [tilespmem:v0+s17+$0x20 ss:$0x1], $0xffff;
	[tilespmem:s20+$0x58B0 ss:$0x81] =	vst.msk $0xffff, v6  }
0xbc: {  	v57 =	vld.idx.msk [tilespmem:v0+s17+$0x30 ss:$0x1], $0xffff;
	[tilespmem:s20+$0x60C0 ss:$0x81] =	vst.msk $0xffff, v4  }
0xbd: {  	v58 =	vld.idx.msk [tilespmem:v0+s17+$0x40 ss:$0x1], $0xffff;
	[tilespmem:s20+$0x68D0 ss:$0x81] =	vst.msk $0xffff, v2  }
0xbe: {  	v59 =	vld.idx.msk [tilespmem:v0+s17+$0x50 ss:$0x1], $0xffff;
	[tilespmem:s20+$0x0 ss:$0x81] =	vst.msk $0xffff, v3  }
0xbf: {  	v60 =	vld.idx.msk [tilespmem:v0+s17+$0x60 ss:$0x1], $0xffff;
	[tilespmem:s20+$0x810 ss:$0x81] =	vst.msk $0xffff, v5  }
0xc0: {  	v61 =	vld.idx.msk [tilespmem:v0+s17+$0x70 ss:$0x1], $0xffff;
	[tilespmem:s20+$0x1020 ss:$0x81] =	vst.msk $0xffff, v56  }
0xc1: {  	v62 =	vld.idx.msk [tilespmem:v0+s16+$0x0 ss:$0x1], $0xffff;
	[tilespmem:s20+$0x1830 ss:$0x81] =	vst.msk $0xffff, v57  }
0xc2: {  	v63 =	vld.idx.msk [tilespmem:v0+s14+$0x70 ss:$0x1], $0xffff;
	[tilespmem:s20+$0x2040 ss:$0x81] =	vst.msk $0xffff, v58  }
0xc3: {  	[tilespmem:s18+$0x2850 ss:$0x81] =	vst.msk $0xffff, v59  }
0xc4: {  	[tilespmem:s18+$0x3060 ss:$0x81] =	vst.msk $0xffff, v60  }
0xc5: {  	[tilespmem:s18+$0x3870 ss:$0x81] =	vst.msk $0xffff, v61  }
0xc6: {  	[tilespmem:s18+$0x4080 ss:$0x81] =	vst.msk $0xffff, v62  }
0xc7: {  	[tilespmem:s18+$0x78F0 ss:$0x81] =	vst.msk $0xffff, v63  }
.LBB1_9:
.Ltmp11:
0xc8: {  	(pc) =	sbr.rel @p2 .LBB1_12-.Ltmp11, $1  }
0xc9: {  	_ =	sdelay $0x3  }
0xca: {  	s14 =	sand.u32 $0x380, s2;
	s5 =	sadd.s32 s5, s1  }
0xcb: {  	s15 =	smov.u32 s28;
	s16 =	smov.u32 s24;
	s14 =	sadd.s32 s14, s31  }
.LBB1_11:
0xcc: {  	s7 =	sand.u32 $0x3C00, s15  }
0xcd: {  	s7 =	sadd.s32 s2, s7  }
0xce: {  	s7 =	sand.u32 $0x3C00, s7  }
0xcf: {  	s8 =	sand.u32 $0x70, s16;
	s7 =	sadd.s32 s7, s14  }
0xd0: {  	s16 =	sadd.s32 $0x10, s16;
	s7 =	sadd.s32 s8, s7  }
0xd1: {  	p3 =	slt.s32 s16, s23;
	v0 =	vld [tilespmem:s7+$0x0]  }
.Ltmp12:
0xd2: {  	_ = 	snop;
	(pc) =	sbr.rel @p3 .LBB1_11-.Ltmp12, $2  }
0xd3: {  	_ =	sdelay $0x2  }
0xd4: {  	s15 =	sadd.s32 $0x80, s15;
	[tilespmem:s5+$0x0 ss:$0x81] =	vst.msk $0xffff, v0;
	s5 =	sadd.s32 $0x810, s5  }
.Ltmp13:
0xd5: {  	_ = 	snop;
	(pc) =	sbr.rel .LBB1_12-.Ltmp13, $1  }
0xd6: {  	_ =	sdelay $0x3  }
.LBB1_16:
0xd7: {  	_ =	sfence.sel $0x180000  }
0xd8: {  	s0 =	simm.s32 $0x1;
	[bflag:$0x0] =	sbarrier.arrive $0xFFFF  }
0xd9: {  	s30 =	simm.s32 $0x2;
	[sflag:s0] =	ssyncpa.u1 $0x1  }
0xda: {  	[sflag:s30] =	ssyncpa.u1 $0x1  }
0xdb: {  	_ =	strace $0x90000047  }
0xdc: {  	s31 =	stileid.u32;
	[bflag:$0x2] =	sbarrier.arrive $0xFFFF  }
0xdd: {  	p0 =	sne.s32 s31, $0x0;
	s0 =	rddreg [dreg:$0x1]  }
0xde: {  	s0 =	sadd.s32 @!p0 $0x100000, s0  }
0xdf: {  	[sflag:s0] =	ssyncadd.tile.s32 @!p0 $0x1;
	_ =	shalt  }
.Lfunc_end1:
_tile_overlayer_lowered:
.L_overlay_start_2:
0xe0: {  	(tag) =	ssettag $0x2  }
0xe1: {  	s0 =	rddreg [dreg:$0x0];
	s2 =	stileid.u32  }
0xe2: {  	s1 =	rddreg [dreg:$0x1];
	p0 =	sne.s32 s2, $0x0  }
0xe3: {  	s3 =	rddreg [dreg:$0x2];
	[bflag:$0x3] =	sbarrier.arrive $0xFFFF;
	s2 =	simm.s32 @!p0 $0x1C01  }
0xe4: {  	[timem:s3], [sflag:s2] =	dma.local @!p0 [hbm:s0], s1  }
0xe5: {  	s0 =	simm.s32 @!p0 $0x1  }
0xe6: {  	_ =	swait.ge @!p0 [sflag:s0], s1  }
0xe7: {  	s1 =	ssub.s32 @!p0 $0x0, s1;
	[sflag:s0] =	ssyncset.done @!p0 $0x0  }
0xe8: {  	[sflag:s0] =	ssyncadd.s32 @!p0 s1  }
0xe9: {  	[bflag:$0x3] =	sbarrier.arrive $0xFFFF  }
0xea: {  	_ =	shalt  }

// kernel: sparse-core-data-format-call.cloned.1.call-start
scs
called_computation_lowered:
.L_overlay_start_0:
0x0: {  	s1 =	sld [smem:$0x3FD9]  }
0x1: {  	s2 =	sld [smem:$0x3FFE];
	_ =	sdelay $0x1  }
0x2: {  	s3 =	srdreg.scid  }
0x3: {  	s0 =	sand.u32 $0x1, s3  }
0x4: {  	s17 =	sshll.u32 s0, $0xA;
	s1 =	sadd.s32 s2, s1  }
0x5: {  	s1 =	sadd.s32 s1, s17  }
0x6: {  	[smem:$0x3FC4] =	sst s1  }
0x7: {  	_ = 	snop  }
0x8: {  	(tm) =	ssettm $0x1  }
0x9: {  	s18 =	sld [smem:$0x3FFB];
	_ =	sdelay $0x3  }
0xa: {  	_ =	strace s18  }
0xb: {  	s1 =	sld [smem:$0x3FFC];
	_ =	sdelay $0x3  }
0xc: {  	_ =	strace s1  }
0xd: {  	s1 =	sld [smem:$0x3FFD];
	_ =	sdelay $0x3  }
0xe: {  	_ =	strace s1  }
0xf: {  	_ =	strace $0x8FFFFFFF  }
0x10: {  	s19 =	sld [smem:$0x3FDB];
	_ =	sdelay $0x1  }
0x11: {  	s20 =	simm.s32 $_scs_section_size  }
0x12: {  	s4 =	simm.s32 $_size__tile_overlayer_lowered;
	s5 =	simm.s32 $_tile_overlayer_lowered  }
0x13: {  	s23 =	simm.s32 $0x1BFF;
	s22 =	sshll.u32 s5, $0x1;
	s1 =	sadd.s32 s20, s19  }
0x14: {  	s6 =	simm.s32 $0x0;
	s21 =	sshll.u32 s4, $0x1;
	s4 =	sadd.s32 s22, s1  }
0x15: {  	[timem:s6], [sflag:s23] =	dma.local [hbm:s4], s21  }
0x16: {  	_ =	swait.ge [sflag:s23], s21  }
0x17: {  	s2 =	ssub.s32 $0x0, s21;
	[sflag:s23] =	ssyncset.done $0x0  }
0x18: {  	[sflag:s23] =	ssyncadd.s32 s2;
	_ =	sdelay $0x1  }
0x19: {  	s24 =	simm.s32 $0x1B8B  }
0x1a: {  	_ =	swait.ge [sflag:s24], $0x1  }
0x1b: {  	[sflag:s24] =	ssyncset.done $0x0  }
0x1c: {  	s26 =	simm.s32 $0x1B8E;
	s25 =	sld [smem:$0x3FFE];
	[sflag:s24] =	ssyncadd.s32 $0xFFFFFFFF  }
0x1d: {  	s27 =	simm.s32 $execute0_lowered;
	[smem:$0x3FD2] =	sst s26  }
0x1e: {  	s4 =	sshll.u32 s27, $0x1;
	_ =	strace $0x80000049;
	[dreg:$0x1] =	wrdreg $0xFFFFFFFF  }
0x1f: {  	s28 =	simm.s32 $_size_execute0_lowered;
	s1 =	sadd.s32 s1, s4;
	[dreg:$0x0] =	wrdreg $0x0  }
0x20: {  	s4 =	sshll.u32 s28, $0x1;
	[dreg:$0x2] =	wrdreg s1  }
0x21: {  	[dreg:$0x3] =	wrdreg s4  }
0x22: {  	[dreg:$0x4] =	wrdreg $0xC0  }
0x23: {  	_ =	task [dreg:s6], $0x5FFFF  }
0x24: {  	[dreg:$0x1] =	wrdreg $0xFFFFFFFF  }
0x25: {  	[dreg:$0x0] =	wrdreg $0x60  }
0x26: {  	[dreg:$0x2] =	wrdreg s25  }
0x27: {  	[dreg:$0x3] =	wrdreg $0x9  }
0x28: {  	_ =	task.clear_ibuf [dreg:s6], $0x4FFFF;
	_ =	strace $0x90000049  }
0x29: {  	s29 =	simm.s32 $0x9;
	_ =	strace $0x8000004B  }
0x2a: {  	_ =	swait.ge [sflag:s29], $0x1  }
0x2b: {  	[sflag:s29] =	ssyncadd.s32 $0xFFFFFFFF  }
0x2c: {  	_ =	strace $0x9000004B  }
0x2d: {  	_ =	sfence  }
0x2e: {  	s30 =	sld [smem:$0x0];
	_ =	sdelay $0x2  }
0x2f: {  	s31 =	sshll.u32 s3, $0xD;
	s3 =	sshrl.u32 s3, $0x2  }
0x30: {  	s2 =	sand.u32 $0x4000, s31;
	s1 =	sadd.s32 s3, s30  }
0x31: {  	s0 =	sor.u32 s2, s0;
	s1 =	sshll.u32 s1, $0x11  }
0x32: {  	s0 =	sor.u32 s1, s0  }
0x33: {  	s0 =	sadd.s32 $0x8F2B, s0  }
0x34: {  	[sflag:s0] =	ssyncadd.remote.s32 $0x1  }
0x35: {  	_ =	sfence.sel $0xFFFF  }
0x36: {  	[dreg:$0x0] =	wrdreg $0xFFFFFFFF;
	(pc) =	sbr.abs _section_cstart, $3  }
0x37: {  	[dreg:$0x1] =	wrdreg $0xFFFFFFFF  }
0x38: {  	_ =	task.clear_ibuf [dreg:s6], $0x2FFFF;
	_ =	strace $0x9FFFFFFF  }
0x39: {  	(tm) =	ssettm $0x7FFFFFFF  }
tec
execute0_lowered:
.L_overlay_start_1:
0x0: {  	(tag) =	ssettag $0x1  }
0x1: {  	s0 =	stileid.u32;
	s1 =	rddreg [dreg:$0x0]  }
0x2: {  	s2 =	srdreg.scid;
	_ =	strace $0x8000004A;
	s6 =	simm.s32 $0x1  }
0x3: {  	s8 =	simm.s32 $0x2;
	s15 =	simm.s32 $0x0;
	s10 =	simm.s32 $0x54000  }
0x4: {  	s11 =	simm.s32 $0x0;
	s18 =	simm.s32 $0x0;
	s16 =	simm.s32 $0x0  }
0x5: {  	s17 =	simm.s32 $0x0;
	s12 =	simm.s32 $0x0;
	s3 =	sshll.u32 s0, $0x3  }
0x6: {  	s13 =	simm.s32 $0x0;
	s5 =	sshll.u32 s2, $0xA;
	s2 =	sand.u32 $0x18, s3  }
0x7: {  	s14 =	simm.s32 $0x0;
	s24 =	simm.s32 $0x0;
	s28 =	ssub.s32 $0x20, s2  }
0x8: {  	s4 =	sshll.u32 s0, $0x6;
	s30 =	sshll.u32 s0, $0xB;
	s29 =	sand.u32 $0x18, s28  }
0x9: {  	s27 =	sor.u32 s4, s5;
	s4 =	simm.s32 $0x1;
	p0 =	sne.s32 s29, $0x0  }
.Ltmp0:
0xa: {  	s5 =	sshrl.u32 s28, $0x5;
	s6 =	simm.s32 @!p0 $0x0;
	(pc) =	sbr.rel .LBB1_1-.Ltmp0, $4  }
0xb: {  	s9 =	sand.u32 $0x1800, s30;
	s3 =	sand.u32 $0x700, s27;
	s5 =	sadd.s32 s6, s5  }
0xc: {  	[sflag:s4] =	ssyncpa.u1 $0x0;
	s7 =	sadd.s32 s3, s1;
	s5 =	smul.u32 $0x15, s5  }
0xd: {  	[sflag:s8] =	ssyncpa.u1 $0x0;
	s31 =	sadd.s32 s9, s7;
	s9 =	simm.s32 $0x800  }
0xe: {  	s7 =	sadd.s32 $0x1000, s31;
	s6 =	sadd.s32 $0x151000, s1;
	s8 =	sadd.s32 $0x1, s5  }
.LBB1_7:
0xf: {  	s1 =	sadd.s32 $0x1, s12  }
0x10: {  	s16 =	sadd.s32 $0x8, s13;
	s19 =	smov.u32 s13;
	p1 =	sgt.s32 s1, $0x14  }
0x11: {  	s19 =	smov.u32 @p1 s16  }
0x12: {  	s1 =	simm.s32 @p1 $0x0;
	p1 =	sgt.s32 s19, $0x7  }
0x13: {  	p0 =	slt.u32 s14, $0x2;
	s19 =	simm.s32 @p1 $0x0;
	p1 =	sne.s32 s14, s8  }
.Ltmp1:
0x14: {  	s15 =	simm.s32 @!p0 $0x2;
	(pc) =	sbr.rel @!p1 .LBB1_8-.Ltmp1, $4  }
0x15: {  	s20 =	sadd.s32 $0x1, s14;
	s17 =	smov.u32 s13;
	_ =	swait.ge @!p0 [sflag:s15], $0x4000  }
0x16: {  	s11 =	sadd.s32 $0x4000, s11;
	s18 =	smov.u32 s2;
	[sflag:s15] =	ssyncset.done @!p0 $0x0  }
0x17: {  	s16 =	smov.u32 s12;
	s12 =	smov.u32 s1;
	[sflag:s15] =	ssyncadd.s32 @!p0 $0xFFFFC000  }
0x18: {  	s15 =	smov.u32 s3;
	s14 =	smov.u32 s20;
	s13 =	smov.u32 s19  }
.LBB1_1:
0x19: {  	p0 =	sge.u32 s14, s5  }
0x1a: {  	s19 =	smul.u32 @!p0 $0x2A000, s13  }
0x1b: {  	s31 =	sadd.s32 $0xFFFFFFFF, s14;
	s1 =	sxor.u32 @!p0 $0xFFFFFFFF, s14;
	s20 =	sshll.u32 @!p0 s12, $0xD  }
0x1c: {  	s21 =	simm.s32 @!p0 $0x150000;
	s1 =	sshll.u32 @!p0 s1, $0xE;
	s19 =	sadd.s32 @!p0 s19, s7  }
0x1d: {  	s1 =	sand.u32 @!p0 $0x4000, s1;
	s19 =	sadd.s32 @!p0 s20, s19;
	s20 =	simm.s32 @!p0 $0x800  }
0x1e: {  	[tilespmem:s1], [sflag:$0x1] =	stream.strided.gather @!p0 [hbm4b:s19+s20], $0x4000, s21, s20, $0x38;
	[tilespmem:$0x10000] =	vst v63  }
0x1f: {  	p0 =	sge.u32 s31, s5  }
.Ltmp2:
0x20: {  	_ = 	snop;
	(pc) =	sbr.rel @p0 .LBB1_7-.Ltmp2, $1  }
0x21: {  	_ =	sdelay $0x3  }
0x22: {  	s1 =	sshll.u32 s11, $0x2;
	_ =	swait.ge [sflag:s4], $0x4000;
	s19 =	sshll.u32 s14, $0xE  }
0x23: {  	p0 =	por $0x0, $0x0;
	s25 =	simm.s32 $0x0;
	s26 =	simm.s32 $0x0  }
0x24: {  	s1 =	sand.u32 $0x10000, s1;
	[sflag:s4] =	ssyncset.done $0x0;
	s22 =	sand.u32 $0x4000, s19  }
0x25: {  	s1 =	sshrl.u32 s1, $0x2;
	[sflag:s4] =	ssyncadd.s32 $0xFFFFC000;
	s19 =	sor.u32 $0x8000, s22  }
0x26: {  	s20 =	sor.u32 $0x40, s1;
	s21 =	sor.u32 $0x8410, s1;
	s23 =	sadd.s32 $0x8400, s1  }
.LBB1_3:
0x27: {  	v1 =	vld [tilespmem:s20+$0xFFFFFFD0]  }
0x28: {  	v2 =	vld [tilespmem:s20+$0x430]  }
0x29: {  	s1 =	sshll.u32 s26, $0xB;
	v4 =	vld [tilespmem:s20+$0xFFFFFFE0]  }
0x2a: {  	v7 =	vld [tilespmem:s20+$0xFFFFFFF0];
	v0 =	vmov s1  }
0x2b: {  	v8 =	vld [tilespmem:s20+$0x0]  }
0x2c: {  	v9 =	vld [tilespmem:s20+$0x10];
	s1 =	sand.u32 $0x300, s24  }
0x2d: {  	s27 =	sand.u32 $0x80, s24;
	v10 =	vld [tilespmem:s20+$0x20];
	s1 =	sadd.s32 s1, s22  }
0x2e: {  	v11 =	vld [tilespmem:s20+$0x30];
	s1 =	sadd.s32 s27, s1;
	s27 =	simm.s32 $0x1;
	[tilespmem:s21+$0x60] =	vst v2  }
0x2f: {  	s27 =	simm.s32 @!p0 $0x0;
	[tilespmem:s21+$0xFFFFFC00] =	vst v1;
	v3 =	vld.idx.msk [tilespmem:v0+s1+$0x400 ss:$0x1], $0xffff;
	s1 =	sshll.u32 s25, $0x2  }
0x30: {  	v6 =	vld [tilespmem:s20+$0x3D0];
	s27 =	sshll.u32 s27, $0x9;
	[tilespmem:s21+$0xFFFFFC10] =	vst v4;
	s1 =	sand.u32 $0xFFFFFC00, s1  }
0x31: {  	v5 =	vld [tilespmem:s20+$0x3E0];
	[tilespmem:s21+$0xFFFFFC20] =	vst v7;
	s1 =	sor.u32 s27, s1  }
0x32: {  	[tilespmem:s21+$0xFFFFFC30] =	vst v8;
	v4 =	vld [tilespmem:s20+$0x400];
	s1 =	sshrl.u32 s1, $0x2  }
0x33: {  	[tilespmem:s21+$0xFFFFFC40] =	vst v9;
	v1 =	vld [tilespmem:s20+$0x410];
	s27 =	sadd.s32 s1, s23  }
0x34: {  	[tilespmem:s27+$0x0] =	vst v3;
	v3 =	vld [tilespmem:s20+$0x3F0]  }
0x35: {  	s31 =	simm.s32 $0x80;
	s30 =	simm.s32 $0x100;
	[tilespmem:s21+$0xFFFFFC50] =	vst v10;
	v2 =	vld [tilespmem:s20+$0x420]  }
0x36: {  	s28 =	sadd.s32 $0x80, s20;
	s29 =	smov.u32 s21;
	v7 =	vld [tilespmem:s20+$0xFFFFFFC0];
	[tilespmem:s21+$0xFFFFFC60] =	vst v11;
	s1 =	sand.u32 $0x300, s31  }
.LBB1_4:
0x37: {  	p1 =	sne.s32 s30, $0x380;
	v8 =	vld [tilespmem:s28+$0xFFFFFFD0];
	s31 =	sand.u32 $0x80, s31;
	s1 =	sadd.s32 s1, s22;
	[tilespmem:s29+$0x0] =	vst v6  }
0x38: {  	s1 =	sadd.s32 s31, s1;
	v6 =	vld [tilespmem:s28+$0x430];
	[tilespmem:s29+$0x10] =	vst v5;
	s31 =	smov.u32 s30  }
0x39: {  	v5 =	vld.idx.msk [tilespmem:v0+s1+$0x400 ss:$0x1], $0xffff;
	[tilespmem:s29+$0x20] =	vst v3  }
0x3a: {  	v3 =	vld [tilespmem:s28+$0xFFFFFFE0];
	[tilespmem:s29+$0x30] =	vst v4  }
0x3b: {  	v4 =	vld [tilespmem:s28+$0xFFFFFFF0];
	[tilespmem:s29+$0xFFFFFBF0] =	vst v7  }
0x3c: {  	v7 =	vld [tilespmem:s28+$0x0];
	[tilespmem:s29+$0x40] =	vst v1  }
0x3d: {  	v1 =	vld [tilespmem:s28+$0x10];
	[tilespmem:s29+$0x50] =	vst v2;
	s29 =	sadd.s32 $0x800, s29  }
0x3e: {  	s27 =	sadd.s32 $0x800, s27;
	v2 =	vld [tilespmem:s28+$0x20];
	[tilespmem:s29+$0x60] =	vst v6  }
0x3f: {  	v9 =	vld [tilespmem:s28+$0x30];
	[tilespmem:s27+$0x0] =	vst v5  }
0x40: {  	[tilespmem:s29+$0xFFFFFC00] =	vst v8;
	v6 =	vld [tilespmem:s28+$0x3D0]  }
0x41: {  	[tilespmem:s29+$0xFFFFFC10] =	vst v3;
	v5 =	vld [tilespmem:s28+$0x3E0]  }
.Ltmp3:
0x42: {  	[tilespmem:s29+$0xFFFFFC20] =	vst v4;
	v3 =	vld [tilespmem:s28+$0x3F0];
	(pc) =	sbr.rel @p1 .LBB1_4-.Ltmp3, $4  }
0x43: {  	[tilespmem:s29+$0xFFFFFC30] =	vst v7;
	v4 =	vld [tilespmem:s28+$0x400]  }
0x44: {  	[tilespmem:s29+$0xFFFFFC40] =	vst v1;
	v1 =	vld [tilespmem:s28+$0x410]  }
0x45: {  	[tilespmem:s29+$0xFFFFFC50] =	vst v2;
	v2 =	vld [tilespmem:s28+$0x420]  }
0x46: {  	s30 =	sadd.s32 $0x80, s30;
	s1 =	sand.u32 $0x300, s31;
	v7 =	vld [tilespmem:s28+$0xFFFFFFC0];
	[tilespmem:s29+$0xFFFFFC60] =	vst v9;
	s28 =	sadd.s32 $0x80, s28  }
0x47: {  	[tilespmem:s29+$0x0] =	vst v6  }
0x48: {  	[tilespmem:s29+$0x10] =	vst v5  }
0x49: {  	v49 =	vld [tilespmem:s28+$0x430];
	[tilespmem:s29+$0x20] =	vst v3  }
0x4a: {  	v50 =	vld [tilespmem:s28+$0xFFFFFFD0];
	[tilespmem:s29+$0x30] =	vst v4  }
0x4b: {  	v51 =	vld [tilespmem:s28+$0xFFFFFFE0];
	[tilespmem:s29+$0x40] =	vst v1  }
0x4c: {  	v52 =	vld [tilespmem:s28+$0xFFFFFFF0];
	[tilespmem:s29+$0x50] =	vst v2  }
0x4d: {  	s30 =	sand.u32 $0x80, s31;
	s31 =	sadd.s32 $0x800, s29;
	v53 =	vld [tilespmem:s28+$0x0];
	[tilespmem:s29+$0xFFFFFBF0] =	vst v7  }
0x4e: {  	v54 =	vld [tilespmem:s28+$0x10];
	[tilespmem:s31+$0x60] =	vst v49  }
0x4f: {  	v55 =	vld [tilespmem:s28+$0x20];
	[tilespmem:s31+$0xFFFFFC00] =	vst v50  }
0x50: {  	v56 =	vld [tilespmem:s28+$0x30];
	[tilespmem:s31+$0xFFFFFC10] =	vst v51  }
0x51: {  	v57 =	vld [tilespmem:s28+$0x3D0];
	[tilespmem:s31+$0xFFFFFC20] =	vst v52  }
0x52: {  	v58 =	vld [tilespmem:s28+$0x3E0];
	[tilespmem:s31+$0xFFFFFC30] =	vst v53  }
0x53: {  	v59 =	vld [tilespmem:s28+$0x3F0];
	[tilespmem:s31+$0xFFFFFC40] =	vst v54  }
0x54: {  	v60 =	vld [tilespmem:s28+$0x400];
	[tilespmem:s31+$0xFFFFFC50] =	vst v55  }
0x55: {  	v61 =	vld [tilespmem:s28+$0xFFFFFFC0];
	[tilespmem:s31+$0xFFFFFC60] =	vst v56  }
0x56: {  	s1 =	sadd.s32 s1, s22;
	v62 =	vld [tilespmem:s28+$0x410];
	[tilespmem:s31+$0x0] =	vst v57  }
0x57: {  	v63 =	vld [tilespmem:s28+$0x420];
	s26 =	sadd.s32 $0x1, s26;
	s1 =	sadd.s32 s30, s1;
	[tilespmem:s31+$0x10] =	vst v58  }
0x58: {  	p1 =	sne.s32 s26, $0x8;
	v0 =	vld.idx.msk [tilespmem:v0+s1+$0x400 ss:$0x1], $0xffff;
	[tilespmem:s31+$0x20] =	vst v59  }
.Ltmp4:
0x59: {  	[tilespmem:s31+$0x30] =	vst v60;
	(pc) =	sbr.rel @p1 .LBB1_3-.Ltmp4, $4  }
0x5a: {  	[tilespmem:s31+$0xFFFFFBF0] =	vst v61  }
0x5b: {  	[tilespmem:s31+$0x40] =	vst v62  }
0x5c: {  	s27 =	sadd.s32 $0x800, s27;
	s20 =	sadd.s32 $0x800, s20;
	[tilespmem:s31+$0x50] =	vst v63  }
0x5d: {  	s25 =	sadd.s32 $0x80, s25;
	p0 =	por !p0, !p0;
	s21 =	sadd.s32 $0x80, s21;
	[tilespmem:s27+$0x0] =	vst v0  }
0x5e: {  	s1 =	sshll.u32 s16, $0xB;
	s30 =	sshll.u32 s17, $0x4;
	s31 =	smul.u32 $0xA800, s18  }
.Ltmp5:
0x5f: {  	s16 =	sand.u32 $0x70, s30;
	s1 =	sadd.s32 s6, s1;
	(pc) =	sbr.rel .LBB1_7-.Ltmp5, $4  }
0x60: {  	s1 =	sadd.s32 s16, s1  }
0x61: {  	s1 =	sadd.s32 s31, s1  }
0x62: {  	s1 =	sadd.s32 s15, s1  }
0x63: {  	[hbm4b:s1+s9] =	stream.strided.scatter [tilespmem:s19], [sflag:$0x2], $0x4000, s10, s9, $0x38;
	[tilespmem:$0x10000] =	vst v63  }
.LBB1_8:
0x64: {  	_ =	sfence.sel $0x180000  }
0x65: {  	s1 =	simm.s32 $0x1;
	[bflag:$0x0] =	sbarrier.arrive $0xFFFF  }
0x66: {  	s31 =	simm.s32 $0x2;
	[sflag:s1] =	ssyncpa.u1 $0x1  }
0x67: {  	[sflag:s31] =	ssyncpa.u1 $0x1  }
0x68: {  	_ =	strace $0x9000004A  }
0x69: {  	[bflag:$0x2] =	sbarrier.arrive $0xFFFF  }
0x6a: {  	p0 =	sne.s32 s0, $0x0;
	s0 =	rddreg [dreg:$0x1]  }
0x6b: {  	s0 =	sadd.s32 @!p0 $0x100000, s0  }
0x6c: {  	[sflag:s0] =	ssyncadd.tile.s32 @!p0 $0x1;
	_ =	shalt  }
.Lfunc_end1:
_tile_overlayer_lowered:
.L_overlay_start_2:
0x6d: {  	(tag) =	ssettag $0x2  }
0x6e: {  	s0 =	rddreg [dreg:$0x0];
	s2 =	stileid.u32  }
0x6f: {  	s1 =	rddreg [dreg:$0x1];
	p0 =	sne.s32 s2, $0x0  }
0x70: {  	s3 =	rddreg [dreg:$0x2];
	[bflag:$0x3] =	sbarrier.arrive $0xFFFF;
	s2 =	simm.s32 @!p0 $0x1C01  }
0x71: {  	[timem:s3], [sflag:s2] =	dma.local @!p0 [hbm:s0], s1  }
0x72: {  	s0 =	simm.s32 @!p0 $0x1  }
0x73: {  	_ =	swait.ge @!p0 [sflag:s0], s1  }
0x74: {  	s1 =	ssub.s32 @!p0 $0x0, s1;
	[sflag:s0] =	ssyncset.done @!p0 $0x0  }
0x75: {  	[sflag:s0] =	ssyncadd.s32 @!p0 s1  }
0x76: {  	[bflag:$0x3] =	sbarrier.arrive $0xFFFF  }
0x77: {  	_ =	shalt  }

</sc_bundles>
